<compile_context>
chip_gen: v7x
topology: tpu7x:2x2x1
jax: 0.10.2.dev20260603
libtpu: 0.0.44.dev20260713+nightly
codegen_flags: <defaults>
</compile_context>

<pallas_src>
import functools

import jax
import jax.numpy as jnp
from jax import lax
from jax.experimental import pallas as pl
from jax.experimental.pallas import tpu as pltpu
from jax.experimental.pallas import tpu_sc as plsc

N = 10000
E = 320000
D = 128
D_OUT = 64

NC = 2
NS = 16
NW = NC * NS
LANES = 16

EPT = E // NW
CH = 100
NCH = EPT // CH
DR = 80
RPT = 8
ARPT = 624
ARPT_LAST = N - 15 * ARPT

BN = 2000

_mesh = plsc.VectorSubcoreMesh(
    core_axis_name="c", subcore_axis_name="s", num_cores=NC, num_subcores=NS
)


@functools.partial(
    pl.kernel,
    out_type=(
        jax.ShapeDtypeStruct((NC, DR, D), jnp.float32),
        jax.ShapeDtypeStruct((NW, EPT), jnp.int32),
    ),
    mesh=_mesh,
    compiler_params=pltpu.CompilerParams(
        needs_layout_passes=False, use_tc_tiling_on_sc=False),
    scratch_types=dict(
        src_v=pltpu.VMEM((EPT,), jnp.int32),
        attr_v=pltpu.VMEM((EPT,), jnp.int32),
        dst_v=pltpu.VMEM((EPT,), jnp.int32),
        gidx_v=pltpu.VMEM((EPT,), jnp.int32),
        ew_v=pltpu.VMEM((LANES,), jnp.float32),
        deg_v=pltpu.VMEM((DR, D), jnp.float32),
        iota_v=pltpu.VMEM((DR,), jnp.int32),
        deg_sh=pltpu.VMEM_SHARED((DR, D), jnp.float32),
    ),
)
def _prep(src_hbm, attr_hbm, dst_hbm, ew_hbm, zeros_hbm, degp_hbm, gidx_hbm,
          src_v, attr_v, dst_v, gidx_v, ew_v, deg_v, iota_v, deg_sh):
    cid = lax.axis_index("c")
    sid = lax.axis_index("s")
    wid = cid * NS + sid
    e0 = wid * EPT

    pltpu.sync_copy(src_hbm.at[pl.ds(e0, EPT)], src_v)
    pltpu.sync_copy(attr_hbm.at[pl.ds(e0, EPT)], attr_v)
    pltpu.sync_copy(dst_hbm.at[pl.ds(e0, EPT)], dst_v)
    pltpu.sync_copy(ew_hbm, ew_v)
    pltpu.sync_copy(zeros_hbm.at[pl.ds(0, DR)], deg_v)

    @pl.when(sid < DR // RPT)
    def _zero_shared():
        pltpu.sync_copy(zeros_hbm.at[pl.ds(0, RPT)],
                        deg_sh.at[pl.ds(sid * RPT, RPT)])

    for j in range(DR // LANES):
        iota_v[pl.ds(j * LANES, LANES)] = lax.iota(jnp.int32, LANES) + j * LANES

    ewv = ew_v[...]
    ew0 = ewv[0]
    ew1 = ewv[1]
    ew2 = ewv[2]

    def body(i, carry):
        s16 = src_v[pl.ds(i * LANES, LANES)]
        a16 = attr_v[pl.ds(i * LANES, LANES)]
        d16 = dst_v[pl.ds(i * LANES, LANES)]
        gidx_v[pl.ds(i * LANES, LANES)] = a16 * N + s16
        ew16 = jnp.where(a16 == 0, ew0, jnp.where(a16 == 1, ew1, ew2))
        plsc.addupdate_scatter(
            deg_v,
            [lax.shift_right_logical(d16, 7), lax.bitwise_and(d16, 127)],
            ew16,
        )
        return carry

    lax.fori_loop(0, EPT // LANES, body, 0)

    pltpu.sync_copy(gidx_v, gidx_hbm.at[wid])

    plsc.subcore_barrier()
    pltpu.sync_copy(deg_v, deg_sh.at[iota_v], add=True)
    plsc.subcore_barrier()

    @pl.when(sid < DR // RPT)
    def _write_deg():
        pltpu.sync_copy(
            deg_sh.at[pl.ds(sid * RPT, RPT)],
            degp_hbm.at[cid, pl.ds(sid * RPT, RPT)],
        )


@functools.partial(
    pl.kernel,
    out_type=jax.ShapeDtypeStruct((NC, N, D), jnp.float32),
    mesh=_mesh,
    compiler_params=pltpu.CompilerParams(
        needs_layout_passes=False, use_tc_tiling_on_sc=False),
    scratch_types=dict(
        gidx_v=pltpu.VMEM((NCH, CH), jnp.int32),
        dst_v=pltpu.VMEM((NCH, CH), jnp.int32),
        rows0=pltpu.VMEM((CH, D), jnp.float32),
        rows1=pltpu.VMEM((CH, D), jnp.float32),
        acc_sh=pltpu.VMEM_SHARED((N, D), jnp.float32),
        sem0=pltpu.SemaphoreType.DMA,
        sem1=pltpu.SemaphoreType.DMA,
    ),
)
def _spmm(table_hbm, gidx_hbm, dst_hbm, zeros_hbm, out_hbm,
          gidx_v, dst_v, rows0, rows1, acc_sh, sem0, sem1):
    cid = lax.axis_index("c")
    sid = lax.axis_index("s")
    wid = cid * NS + sid

    pltpu.sync_copy(gidx_hbm.at[wid], gidx_v)
    pltpu.sync_copy(dst_hbm.at[wid], dst_v)

    @pl.when(sid < NS - 1)
    def _zero_acc():
        pltpu.sync_copy(zeros_hbm.at[pl.ds(0, ARPT)],
                        acc_sh.at[pl.ds(sid * ARPT, ARPT)])

    @pl.when(sid == NS - 1)
    def _zero_acc_last():
        pltpu.sync_copy(zeros_hbm,
                        acc_sh.at[pl.ds((NS - 1) * ARPT, ARPT_LAST)])

    plsc.subcore_barrier()

    def start(j, buf, sem):
        pltpu.async_copy(table_hbm.at[gidx_v.at[j]], buf, sem)

    def wait(j, buf, sem):
        pltpu.make_async_copy(table_hbm.at[gidx_v.at[j]], buf, sem).wait()

    def scat(j, buf):
        pltpu.sync_copy(buf, acc_sh.at[dst_v.at[j]], add=True)

    start(0, rows0, sem0)
    start(1, rows1, sem1)

    def body(i, carry):
        j = 2 * i
        wait(j, rows0, sem0)
        scat(j, rows0)
        start(j + 2, rows0, sem0)
        wait(j + 1, rows1, sem1)
        scat(j + 1, rows1)
        start(j + 3, rows1, sem1)
        return carry

    lax.fori_loop(0, NCH // 2 - 1, body, 0)

    wait(NCH - 2, rows0, sem0)
    scat(NCH - 2, rows0)
    wait(NCH - 1, rows1, sem1)
    scat(NCH - 1, rows1)

    plsc.subcore_barrier()

    @pl.when(sid < NS - 1)
    def _write_acc():
        pltpu.sync_copy(
            acc_sh.at[pl.ds(sid * ARPT, ARPT)],
            out_hbm.at[cid, pl.ds(sid * ARPT, ARPT)],
        )

    @pl.when(sid == NS - 1)
    def _write_acc_last():
        pltpu.sync_copy(
            acc_sh.at[pl.ds((NS - 1) * ARPT, ARPT_LAST)],
            out_hbm.at[cid, pl.ds((NS - 1) * ARPT, ARPT_LAST)],
        )


def _dinv_body(degp_ref, o_ref):
    d = degp_ref[0] + degp_ref[1] + 1.0
    o_ref[...] = jnp.where(d > 0, lax.rsqrt(d), 0.0)


_dinv = pl.pallas_call(
    _dinv_body,
    out_shape=jax.ShapeDtypeStruct((DR, D), jnp.float32),
)


def _write_table(tab_ref, base, esm_ref):
    tab_ref[0] = base * esm_ref[0]
    tab_ref[1] = base * esm_ref[1]
    tab_ref[2] = base * esm_ref[2]
    tab_ref[3] = base


def _lin_first_body(esm_ref, x_ref, w_ref, dv_ref, tab_ref):
    t = jnp.dot(x_ref[...], w_ref[...], preferred_element_type=jnp.float32)
    _write_table(tab_ref, t * dv_ref[...], esm_ref)


_lin_first = pl.pallas_call(
    _lin_first_body,
    grid=(N // BN,),
    in_specs=[
        pl.BlockSpec(memory_space=pltpu.SMEM),
        pl.BlockSpec((BN, D), lambda i: (i, 0)),
        pl.BlockSpec((D, D), lambda i: (0, 0)),
        pl.BlockSpec((BN, 1), lambda i: (i, 0)),
    ],
    out_specs=pl.BlockSpec((4, BN, D), lambda i: (0, i, 0)),
    out_shape=jax.ShapeDtypeStruct((4, N, D), jnp.float32),
)


def _lin_mid_body(esm_ref, p_ref, ts_ref, dv_ref, b_ref, w_ref, tab_ref):
    dv = dv_ref[...]
    h = jnp.maximum(dv * (p_ref[0] + p_ref[1] + ts_ref[...]) + b_ref[...], 0.0)
    t = jnp.dot(h, w_ref[...], preferred_element_type=jnp.float32)
    _write_table(tab_ref, t * dv, esm_ref)


_lin_mid = pl.pallas_call(
    _lin_mid_body,
    grid=(N // BN,),
    in_specs=[
        pl.BlockSpec(memory_space=pltpu.SMEM),
        pl.BlockSpec((NC, BN, D), lambda i: (0, i, 0)),
        pl.BlockSpec((BN, D), lambda i: (i, 0)),
        pl.BlockSpec((BN, 1), lambda i: (i, 0)),
        pl.BlockSpec((1, D), lambda i: (0, 0)),
        pl.BlockSpec((D, D), lambda i: (0, 0)),
    ],
    out_specs=pl.BlockSpec((4, BN, D), lambda i: (0, i, 0)),
    out_shape=jax.ShapeDtypeStruct((4, N, D), jnp.float32),
)


def _head_body(p_ref, ts_ref, dv_ref, b3_ref, wc1_ref, bc1_ref, wc2_ref,
               bc2_ref, o_ref):
    dv = dv_ref[...]
    h3 = jnp.maximum(dv * (p_ref[0] + p_ref[1] + ts_ref[...]) + b3_ref[...], 0.0)
    h4 = jnp.maximum(
        jnp.dot(h3, wc1_ref[...], preferred_element_type=jnp.float32)
        + bc1_ref[...], 0.0)
    z = (jnp.dot(h4, wc2_ref[...], preferred_element_type=jnp.float32)
         + bc2_ref[...])
    o_ref[...] = jax.nn.sigmoid(z)


_head = pl.pallas_call(
    _head_body,
    grid=(N // BN,),
    in_specs=[
        pl.BlockSpec((NC, BN, D), lambda i: (0, i, 0)),
        pl.BlockSpec((BN, D), lambda i: (i, 0)),
        pl.BlockSpec((BN, 1), lambda i: (i, 0)),
        pl.BlockSpec((1, D), lambda i: (0, 0)),
        pl.BlockSpec((D, D), lambda i: (0, 0)),
        pl.BlockSpec((1, D), lambda i: (0, 0)),
        pl.BlockSpec((D, D_OUT), lambda i: (0, 0)),
        pl.BlockSpec((1, D_OUT), lambda i: (0, 0)),
    ],
    out_specs=pl.BlockSpec((BN, D_OUT), lambda i: (i, 0)),
    out_shape=jax.ShapeDtypeStruct((N, D_OUT), jnp.float32),
)


def kernel(x, edge_index, edge_attr, batch, edge_emb,
           W1, b1, W2, b2, W3, b3, Wc1, bc1, Wc2, bc2):
    del batch
    src = edge_index[0]
    dst = edge_index[1]
    esm = edge_emb[:, 0]
    ew_pad = jnp.concatenate(
        [esm, jnp.zeros((LANES - 3,), jnp.float32)])
    zeros_a = jnp.zeros((ARPT_LAST, D), jnp.float32)

    degp, gidx = _prep(src, edge_attr, dst, ew_pad, zeros_a)
    dinvp = _dinv(degp)
    dinv = dinvp.reshape(-1)[:N].reshape(N, 1)

    gidx3 = gidx.reshape(NW, NCH, CH)
    dst3 = dst.reshape(NW, NCH, CH)

    tab = _lin_first(esm, x, W1, dinv)
    for (b_prev, w_next) in ((b1, W2), (b2, W3)):
        p = _spmm(tab.reshape(4 * N, D), gidx3, dst3, zeros_a)
        tab = _lin_mid(esm, p, tab[3], dinv, b_prev.reshape(1, D), w_next)

    p = _spmm(tab.reshape(4 * N, D), gidx3, dst3, zeros_a)
    return _head(p, tab[3], dinv, b3.reshape(1, D), Wc1, bc1.reshape(1, D),
                 Wc2, bc2.reshape(1, D_OUT))

# --- scband reference (transcript-rebuilt; emitter-appended) ---
"""Pipeline reference for scband-cadgrouping-gnn-70248485093418 (READ-ONLY COPY).

The authoritative reference and input builder live on the scoring server;
editing this copy changes nothing except your own understanding.
"""

import jax, jax.numpy as jnp
import numpy as np

N = 10000
E = 320000
D_IN = 128
D_H = 128
D_OUT = 64
NUM_EDGE_TYPES = 3


def setup_inputs(seed: int = 0) -> dict:
    key = jax.random.key(seed)
    ks = jax.random.split(key, 16)
    x = jax.random.normal(ks[0], (N, D_IN), dtype=jnp.float32)
    edge_index = jax.random.randint(ks[1], (2, E), 0, N, dtype=jnp.int32)
    edge_attr = jax.random.randint(ks[2], (E,), 0, NUM_EDGE_TYPES, dtype=jnp.int32)
    batch = jnp.zeros((N,), dtype=jnp.int32)
    edge_emb = jax.random.normal(ks[3], (NUM_EDGE_TYPES, 1), dtype=jnp.float32)
    def lin(k, fan_in, fan_out):
        return jax.random.normal(k, (fan_in, fan_out), dtype=jnp.float32) * (1.0 / np.sqrt(fan_in))
    W1 = lin(ks[4], D_IN, D_H); b1 = jnp.zeros((D_H,), dtype=jnp.float32)
    W2 = lin(ks[5], D_H, D_H); b2 = jnp.zeros((D_H,), dtype=jnp.float32)
    W3 = lin(ks[6], D_H, D_H); b3 = jnp.zeros((D_H,), dtype=jnp.float32)
    Wc1 = lin(ks[7], D_H, D_H); bc1 = jnp.zeros((D_H,), dtype=jnp.float32)
    Wc2 = lin(ks[8], D_H, D_OUT); bc2 = jnp.zeros((D_OUT,), dtype=jnp.float32)
    return {"x": x, "edge_index": edge_index, "edge_attr": edge_attr, "batch": batch,
            "edge_emb": edge_emb, "W1": W1, "b1": b1, "W2": W2, "b2": b2, "W3": W3, "b3": b3,
            "Wc1": Wc1, "bc1": bc1, "Wc2": Wc2, "bc2": bc2}


def gcn_conv(x, src, dst, edge_weight, W, b):
    # PyG GCNConv with normalize=True, add_self_loops=True, weighted edges
    n = x.shape[0]
    loop = jnp.arange(n, dtype=src.dtype)
    src2 = jnp.concatenate([src, loop])
    dst2 = jnp.concatenate([dst, loop])
    ew2 = jnp.concatenate([edge_weight, jnp.ones((n,), dtype=x.dtype)])
    deg = jnp.zeros((n,), dtype=x.dtype).at[dst2].add(ew2)
    dinv = jnp.where(deg > 0, deg ** -0.5, 0.0)
    norm = dinv[src2] * ew2 * dinv[dst2]
    h = x @ W
    msg = h[src2] * norm[:, None]
    out = jnp.zeros((n, h.shape[1]), dtype=x.dtype).at[dst2].add(msg)
    return out + b


def reference(x, edge_index, edge_attr, batch, edge_emb, W1, b1, W2, b2, W3, b3, Wc1, bc1, Wc2, bc2):
    # edge_weight = Embedding(num_edge_types, 1)(edge_attr).squeeze()
    edge_weight = edge_emb[edge_attr][:, 0]
    src, dst = edge_index[0], edge_index[1]
    h = x
    for (W, b) in ((W1, b1), (W2, b2), (W3, b3)):
        h = jax.nn.relu(gcn_conv(h, src, dst, edge_weight, W, b))
    h2 = jax.nn.relu(h @ Wc1 + bc1)  # dropout is identity in eval
    logits = h2 @ Wc2 + bc2
    return jax.nn.sigmoid(logits)

if __name__ == "__main__":
    import jax
    _d = setup_inputs()
    print(jax.jit(kernel)(*tuple(_d.values())))

</pallas_src>

<mosaic_0001>
#map = affine_map<(d0, d1) -> (0, 0)>
#map1 = affine_map<(d0, d1) -> (0, 0, 0)>
module attributes {stable_mosaic.version = 14 : i64} {
  func.func @_spmm(%arg0: i32, %arg1: i32, %arg2: memref<40000x128xf32, #tpu.memory_space<hbm>>, %arg3: memref<32x100x100xi32, #tpu.memory_space<hbm>>, %arg4: memref<32x100x100xi32, #tpu.memory_space<hbm>>, %arg5: memref<640x128xf32, #tpu.memory_space<hbm>>, %arg6: memref<2x10000x128xf32, #tpu.memory_space<hbm>>, %arg7: memref<10000x128xf32, #tpu.memory_space<vmem_shared>>, %arg8: memref<100x100xi32, #tpu.memory_space<vmem>>, %arg9: memref<100x100xi32, #tpu.memory_space<vmem>>, %arg10: memref<100x128xf32, #tpu.memory_space<vmem>>, %arg11: memref<100x128xf32, #tpu.memory_space<vmem>>, %arg12: memref<!tpu.dma_semaphore, #tpu.memory_space<semaphore_mem>>, %arg13: memref<!tpu.dma_semaphore, #tpu.memory_space<semaphore_mem>>) attributes {dimension_semantics = [#tpu.dimension_semantics<core_parallel>, #tpu.dimension_semantics<subcore_parallel>], iteration_bounds = array<i64: 2, 16>, scalar_prefetch = 0 : i64, scratch_operands = 7 : i64, tpu.core_type = #tpu.core_type<sc_vector_subcore>, window_params = [{transform_indices = #map}, {transform_indices = #map1}, {transform_indices = #map1}, {transform_indices = #map}, {transform_indices = #map1}]} {
    %mul3A = arith.constant 16 : i32
    %mul3A_0 = arith.muli %arg0, %mul3A : i32
    %add3A = arith.addi %mul3A_0, %arg1 : i32
    "tpu.region"() ({
      %run_scoped3A_50 = tpu.sem_alloc : memref<!tpu.dma_semaphore, #tpu.memory_space<semaphore_mem>>
      %dma_start3A_51 = arith.constant 0 : i32
      %dma_start3A_52 = arith.constant 0 : i32
      %dma_start3A_53 = tpu.memref_slice %arg3[%add3A, %dma_start3A_51, %dma_start3A_52] : memref<32x100x100xi32, #tpu.memory_space<hbm>> -> memref<1x100x100xi32, #tpu.memory_space<hbm>>
      %dma_start3A_54 = tpu.memref_squeeze %dma_start3A_53 : memref<1x100x100xi32, #tpu.memory_space<hbm>> -> memref<100x100xi32, #tpu.memory_space<hbm>>
      %dma_start3A_55 = arith.constant 0 : i32
      %dma_start3A_56 = arith.constant 0 : i32
      %dma_start3A_57 = tpu.memref_slice %arg3[%add3A, %dma_start3A_55, %dma_start3A_56] : memref<32x100x100xi32, #tpu.memory_space<hbm>> -> memref<1x100x100xi32, #tpu.memory_space<hbm>>
      %dma_start3A_58 = tpu.memref_squeeze %dma_start3A_57 : memref<1x100x100xi32, #tpu.memory_space<hbm>> -> memref<100x100xi32, #tpu.memory_space<hbm>>
      tpu.enqueue_dma source(%dma_start3A_58 : memref<100x100xi32, #tpu.memory_space<hbm>>) target(%arg9 : memref<100x100xi32, #tpu.memory_space<vmem>>) target_semaphore(%run_scoped3A_50 : memref<!tpu.dma_semaphore, #tpu.memory_space<semaphore_mem>>)
      %dma_wait3A_59 = arith.constant 0 : i32
      %dma_wait3A_60 = arith.constant 0 : i32
      %dma_wait3A_61 = tpu.memref_slice %arg3[%add3A, %dma_wait3A_59, %dma_wait3A_60] : memref<32x100x100xi32, #tpu.memory_space<hbm>> -> memref<1x100x100xi32, #tpu.memory_space<hbm>>
      %dma_wait3A_62 = tpu.memref_squeeze %dma_wait3A_61 : memref<1x100x100xi32, #tpu.memory_space<hbm>> -> memref<100x100xi32, #tpu.memory_space<hbm>>
      %dma_wait3A_63 = arith.constant 0 : i32
      %dma_wait3A_64 = arith.constant 0 : i32
      %dma_wait3A_65 = tpu.memref_slice %arg3[%add3A, %dma_wait3A_63, %dma_wait3A_64] : memref<32x100x100xi32, #tpu.memory_space<hbm>> -> memref<1x100x100xi32, #tpu.memory_space<hbm>>
      %dma_wait3A_66 = tpu.memref_squeeze %dma_wait3A_65 : memref<1x100x100xi32, #tpu.memory_space<hbm>> -> memref<100x100xi32, #tpu.memory_space<hbm>>
      tpu.wait_dma2 semaphore(%run_scoped3A_50 : memref<!tpu.dma_semaphore, #tpu.memory_space<semaphore_mem>>) src(%dma_wait3A_66 : memref<100x100xi32, #tpu.memory_space<hbm>>) dst(%arg9 : memref<100x100xi32, #tpu.memory_space<vmem>>)
      tpu.yield
    }) : () -> ()
    "tpu.region"() ({
      %run_scoped3A_50 = tpu.sem_alloc : memref<!tpu.dma_semaphore, #tpu.memory_space<semaphore_mem>>
      %dma_start3A_51 = arith.constant 0 : i32
      %dma_start3A_52 = arith.constant 0 : i32
      %dma_start3A_53 = tpu.memref_slice %arg4[%add3A, %dma_start3A_51, %dma_start3A_52] : memref<32x100x100xi32, #tpu.memory_space<hbm>> -> memref<1x100x100xi32, #tpu.memory_space<hbm>>
      %dma_start3A_54 = tpu.memref_squeeze %dma_start3A_53 : memref<1x100x100xi32, #tpu.memory_space<hbm>> -> memref<100x100xi32, #tpu.memory_space<hbm>>
      %dma_start3A_55 = arith.constant 0 : i32
      %dma_start3A_56 = arith.constant 0 : i32
      %dma_start3A_57 = tpu.memref_slice %arg4[%add3A, %dma_start3A_55, %dma_start3A_56] : memref<32x100x100xi32, #tpu.memory_space<hbm>> -> memref<1x100x100xi32, #tpu.memory_space<hbm>>
      %dma_start3A_58 = tpu.memref_squeeze %dma_start3A_57 : memref<1x100x100xi32, #tpu.memory_space<hbm>> -> memref<100x100xi32, #tpu.memory_space<hbm>>
      tpu.enqueue_dma source(%dma_start3A_58 : memref<100x100xi32, #tpu.memory_space<hbm>>) target(%arg8 : memref<100x100xi32, #tpu.memory_space<vmem>>) target_semaphore(%run_scoped3A_50 : memref<!tpu.dma_semaphore, #tpu.memory_space<semaphore_mem>>)
      %dma_wait3A_59 = arith.constant 0 : i32
      %dma_wait3A_60 = arith.constant 0 : i32
      %dma_wait3A_61 = tpu.memref_slice %arg4[%add3A, %dma_wait3A_59, %dma_wait3A_60] : memref<32x100x100xi32, #tpu.memory_space<hbm>> -> memref<1x100x100xi32, #tpu.memory_space<hbm>>
      %dma_wait3A_62 = tpu.memref_squeeze %dma_wait3A_61 : memref<1x100x100xi32, #tpu.memory_space<hbm>> -> memref<100x100xi32, #tpu.memory_space<hbm>>
      %dma_wait3A_63 = arith.constant 0 : i32
      %dma_wait3A_64 = arith.constant 0 : i32
      %dma_wait3A_65 = tpu.memref_slice %arg4[%add3A, %dma_wait3A_63, %dma_wait3A_64] : memref<32x100x100xi32, #tpu.memory_space<hbm>> -> memref<1x100x100xi32, #tpu.memory_space<hbm>>
      %dma_wait3A_66 = tpu.memref_squeeze %dma_wait3A_65 : memref<1x100x100xi32, #tpu.memory_space<hbm>> -> memref<100x100xi32, #tpu.memory_space<hbm>>
      tpu.wait_dma2 semaphore(%run_scoped3A_50 : memref<!tpu.dma_semaphore, #tpu.memory_space<semaphore_mem>>) src(%dma_wait3A_66 : memref<100x100xi32, #tpu.memory_space<hbm>>) dst(%arg8 : memref<100x100xi32, #tpu.memory_space<vmem>>)
      tpu.yield
    }) : () -> ()
    %lt3A = arith.constant 15 : i32
    %lt3A_1 = arith.cmpi slt, %arg1, %lt3A : i32
    %convert_element_type3A = arith.extui %lt3A_1 : i1 to i32
    %cond3A = arith.constant 0 : i32
    %cond3A_2 = arith.cmpi ne, %convert_element_type3A, %cond3A : i32
    scf.if %cond3A_2 {
      %mul3A_50 = arith.constant 624 : i32
      %mul3A_51 = arith.muli %arg1, %mul3A_50 : i32
      "tpu.region"() ({
        %run_scoped3A_52 = tpu.sem_alloc : memref<!tpu.dma_semaphore, #tpu.memory_space<semaphore_mem>>
        %dma_start3A_53 = arith.constant 0 : i32
        %dma_start3A_54 = tpu.memref_slice %arg7[%mul3A_51, %dma_start3A_53] : memref<10000x128xf32, #tpu.memory_space<vmem_shared>> -> memref<624x128xf32, #tpu.memory_space<vmem_shared>>
        %dma_start3A_55 = arith.constant 0 : i32
        %dma_start3A_56 = arith.constant 0 : i32
        %dma_start3A_57 = tpu.memref_slice %arg5[%dma_start3A_55, %dma_start3A_56] : memref<640x128xf32, #tpu.memory_space<hbm>> -> memref<624x128xf32, #tpu.memory_space<hbm>>
        tpu.enqueue_dma source(%dma_start3A_57 : memref<624x128xf32, #tpu.memory_space<hbm>>) target(%dma_start3A_54 : memref<624x128xf32, #tpu.memory_space<vmem_shared>>) target_semaphore(%run_scoped3A_52 : memref<!tpu.dma_semaphore, #tpu.memory_space<semaphore_mem>>)
        %dma_wait3A_58 = arith.constant 0 : i32
        %dma_wait3A_59 = tpu.memref_slice %arg7[%mul3A_51, %dma_wait3A_58] : memref<10000x128xf32, #tpu.memory_space<vmem_shared>> -> memref<624x128xf32, #tpu.memory_space<vmem_shared>>
        %dma_wait3A_60 = arith.constant 0 : i32
        %dma_wait3A_61 = arith.constant 0 : i32
        %dma_wait3A_62 = tpu.memref_slice %arg5[%dma_wait3A_60, %dma_wait3A_61] : memref<640x128xf32, #tpu.memory_space<hbm>> -> memref<624x128xf32, #tpu.memory_space<hbm>>
        tpu.wait_dma2 semaphore(%run_scoped3A_52 : memref<!tpu.dma_semaphore, #tpu.memory_space<semaphore_mem>>) src(%dma_wait3A_62 : memref<624x128xf32, #tpu.memory_space<hbm>>) dst(%dma_wait3A_59 : memref<624x128xf32, #tpu.memory_space<vmem_shared>>)
        tpu.yield
      }) : () -> ()
    } else {
    }
    %eq3A = arith.constant 15 : i32
    %eq3A_3 = arith.cmpi eq, %arg1, %eq3A : i32
    %convert_element_type3A_4 = arith.extui %eq3A_3 : i1 to i32
    %cond3A_5 = arith.constant 0 : i32
    %cond3A_6 = arith.cmpi ne, %convert_element_type3A_4, %cond3A_5 : i32
    scf.if %cond3A_6 {
      "tpu.region"() ({
        %run_scoped3A_50 = tpu.sem_alloc : memref<!tpu.dma_semaphore, #tpu.memory_space<semaphore_mem>>
        %dma_start3A_51 = arith.constant 9360 : i32
        %dma_start3A_52 = arith.constant 0 : i32
        %dma_start3A_53 = tpu.memref_slice %arg7[%dma_start3A_51, %dma_start3A_52] : memref<10000x128xf32, #tpu.memory_space<vmem_shared>> -> memref<640x128xf32, #tpu.memory_space<vmem_shared>>
        tpu.enqueue_dma source(%arg5 : memref<640x128xf32, #tpu.memory_space<hbm>>) target(%dma_start3A_53 : memref<640x128xf32, #tpu.memory_space<vmem_shared>>) target_semaphore(%run_scoped3A_50 : memref<!tpu.dma_semaphore, #tpu.memory_space<semaphore_mem>>)
        %dma_wait3A_54 = arith.constant 9360 : i32
        %dma_wait3A_55 = arith.constant 0 : i32
        %dma_wait3A_56 = tpu.memref_slice %arg7[%dma_wait3A_54, %dma_wait3A_55] : memref<10000x128xf32, #tpu.memory_space<vmem_shared>> -> memref<640x128xf32, #tpu.memory_space<vmem_shared>>
        tpu.wait_dma2 semaphore(%run_scoped3A_50 : memref<!tpu.dma_semaphore, #tpu.memory_space<semaphore_mem>>) src(%arg5 : memref<640x128xf32, #tpu.memory_space<hbm>>) dst(%dma_wait3A_56 : memref<640x128xf32, #tpu.memory_space<vmem_shared>>)
        tpu.yield
      }) : () -> ()
    } else {
    }
    %barrier3A = arith.constant 0 : index
    tpu.barrier barrier_id(%barrier3A)
    %dma_start3A = arith.constant 0 : i32
    %dma_start3A_7 = arith.constant 0 : i32
    %dma_start3A_8 = tpu.memref_slice %arg9[%dma_start3A, %dma_start3A_7] : memref<100x100xi32, #tpu.memory_space<vmem>> -> memref<1x100xi32, #tpu.memory_space<vmem>>
    %dma_start3A_9 = tpu.memref_squeeze %dma_start3A_8 : memref<1x100xi32, #tpu.memory_space<vmem>> -> memref<100xi32, #tpu.memory_space<vmem>>
    %dma_start3A_10 = arith.constant 0 : i32
    %dma_start3A_11 = arith.constant 0 : i32
    %dma_start3A_12 = tpu.memref_slice %arg2[%dma_start3A_10, %dma_start3A_11] : memref<40000x128xf32, #tpu.memory_space<hbm>> -> memref<40000x128xf32, #tpu.memory_space<hbm>>
    tpu.enqueue_indirect_dma source(%dma_start3A_12 : memref<40000x128xf32, #tpu.memory_space<hbm>>) target(%arg10 : memref<100x128xf32, #tpu.memory_space<vmem>>) offsets(%dma_start3A_9 : memref<100xi32, #tpu.memory_space<vmem>>) semaphore(%arg12 : memref<!tpu.dma_semaphore, #tpu.memory_space<semaphore_mem>>)
    %dma_start3A_13 = arith.constant 1 : i32
    %dma_start3A_14 = arith.constant 0 : i32
    %dma_start3A_15 = tpu.memref_slice %arg9[%dma_start3A_13, %dma_start3A_14] : memref<100x100xi32, #tpu.memory_space<vmem>> -> memref<1x100xi32, #tpu.memory_space<vmem>>
    %dma_start3A_16 = tpu.memref_squeeze %dma_start3A_15 : memref<1x100xi32, #tpu.memory_space<vmem>> -> memref<100xi32, #tpu.memory_space<vmem>>
    %dma_start3A_17 = arith.constant 0 : i32
    %dma_start3A_18 = arith.constant 0 : i32
    %dma_start3A_19 = tpu.memref_slice %arg2[%dma_start3A_17, %dma_start3A_18] : memref<40000x128xf32, #tpu.memory_space<hbm>> -> memref<40000x128xf32, #tpu.memory_space<hbm>>
    tpu.enqueue_indirect_dma source(%dma_start3A_19 : memref<40000x128xf32, #tpu.memory_space<hbm>>) target(%arg11 : memref<100x128xf32, #tpu.memory_space<vmem>>) offsets(%dma_start3A_16 : memref<100xi32, #tpu.memory_space<vmem>>) semaphore(%arg13 : memref<!tpu.dma_semaphore, #tpu.memory_space<semaphore_mem>>)
    %scan3A = arith.constant 0 : i32
    %scan3A_20 = arith.constant 0 : i32
    %scan3A_21 = arith.constant 49 : i32
    %scan3A_22 = arith.addi %scan3A_20, %scan3A_21 : i32
    %scan3A_23 = arith.constant 1 : i32
    scf.for %scan3A_50 = %scan3A_20 to %scan3A_22 step %scan3A_23  : i32 {
      %mul3A_51 = arith.constant 2 : i32
      %mul3A_52 = arith.muli %mul3A_51, %scan3A_50 : i32
      %dma_wait3A_53 = arith.constant 0 : i32
      %dma_wait3A_54 = tpu.memref_slice %arg9[%mul3A_52, %dma_wait3A_53] : memref<100x100xi32, #tpu.memory_space<vmem>> -> memref<1x100xi32, #tpu.memory_space<vmem>>
      %dma_wait3A_55 = tpu.memref_squeeze %dma_wait3A_54 : memref<1x100xi32, #tpu.memory_space<vmem>> -> memref<100xi32, #tpu.memory_space<vmem>>
      %dma_wait3A_56 = arith.constant 0 : i32
      %dma_wait3A_57 = arith.constant 0 : i32
      %dma_wait3A_58 = tpu.memref_slice %arg2[%dma_wait3A_56, %dma_wait3A_57] : memref<40000x128xf32, #tpu.memory_space<hbm>> -> memref<40000x128xf32, #tpu.memory_space<hbm>>
      tpu.wait_indirect_dma semaphore(%arg12 : memref<!tpu.dma_semaphore, #tpu.memory_space<semaphore_mem>>) src(%dma_wait3A_58 : memref<40000x128xf32, #tpu.memory_space<hbm>>) dst(%arg10 : memref<100x128xf32, #tpu.memory_space<vmem>>)
      "tpu.region"() ({
        %run_scoped3A_85 = tpu.sem_alloc : memref<!tpu.dma_semaphore, #tpu.memory_space<semaphore_mem>>
        %dma_start3A_86 = arith.constant 0 : i32
        %dma_start3A_87 = tpu.memref_slice %arg8[%mul3A_52, %dma_start3A_86] : memref<100x100xi32, #tpu.memory_space<vmem>> -> memref<1x100xi32, #tpu.memory_space<vmem>>
        %dma_start3A_88 = tpu.memref_squeeze %dma_start3A_87 : memref<1x100xi32, #tpu.memory_space<vmem>> -> memref<100xi32, #tpu.memory_space<vmem>>
        %dma_start3A_89 = arith.constant 0 : i32
        %dma_start3A_90 = arith.constant 0 : i32
        %dma_start3A_91 = tpu.memref_slice %arg7[%dma_start3A_89, %dma_start3A_90] : memref<10000x128xf32, #tpu.memory_space<vmem_shared>> -> memref<10000x128xf32, #tpu.memory_space<vmem_shared>>
        tpu.enqueue_indirect_dma source(%arg10 : memref<100x128xf32, #tpu.memory_space<vmem>>) target(%dma_start3A_91 : memref<10000x128xf32, #tpu.memory_space<vmem_shared>>) offsets(%dma_start3A_88 : memref<100xi32, #tpu.memory_space<vmem>>) semaphore(%run_scoped3A_85 : memref<!tpu.dma_semaphore, #tpu.memory_space<semaphore_mem>>) {add = true}
        %dma_wait3A_92 = arith.constant 0 : i32
        %dma_wait3A_93 = tpu.memref_slice %arg8[%mul3A_52, %dma_wait3A_92] : memref<100x100xi32, #tpu.memory_space<vmem>> -> memref<1x100xi32, #tpu.memory_space<vmem>>
        %dma_wait3A_94 = tpu.memref_squeeze %dma_wait3A_93 : memref<1x100xi32, #tpu.memory_space<vmem>> -> memref<100xi32, #tpu.memory_space<vmem>>
        %dma_wait3A_95 = arith.constant 0 : i32
        %dma_wait3A_96 = arith.constant 0 : i32
        %dma_wait3A_97 = tpu.memref_slice %arg7[%dma_wait3A_95, %dma_wait3A_96] : memref<10000x128xf32, #tpu.memory_space<vmem_shared>> -> memref<10000x128xf32, #tpu.memory_space<vmem_shared>>
        tpu.wait_indirect_dma semaphore(%run_scoped3A_85 : memref<!tpu.dma_semaphore, #tpu.memory_space<semaphore_mem>>) src(%arg10 : memref<100x128xf32, #tpu.memory_space<vmem>>) dst(%dma_wait3A_97 : memref<10000x128xf32, #tpu.memory_space<vmem_shared>>)
        tpu.yield
      }) : () -> ()
      %add3A_59 = arith.constant 2 : i32
      %add3A_60 = arith.addi %mul3A_52, %add3A_59 : i32
      %dma_start3A_61 = arith.constant 0 : i32
      %dma_start3A_62 = tpu.memref_slice %arg9[%add3A_60, %dma_start3A_61] : memref<100x100xi32, #tpu.memory_space<vmem>> -> memref<1x100xi32, #tpu.memory_space<vmem>>
      %dma_start3A_63 = tpu.memref_squeeze %dma_start3A_62 : memref<1x100xi32, #tpu.memory_space<vmem>> -> memref<100xi32, #tpu.memory_space<vmem>>
      %dma_start3A_64 = arith.constant 0 : i32
      %dma_start3A_65 = arith.constant 0 : i32
      %dma_start3A_66 = tpu.memref_slice %arg2[%dma_start3A_64, %dma_start3A_65] : memref<40000x128xf32, #tpu.memory_space<hbm>> -> memref<40000x128xf32, #tpu.memory_space<hbm>>
      tpu.enqueue_indirect_dma source(%dma_start3A_66 : memref<40000x128xf32, #tpu.memory_space<hbm>>) target(%arg10 : memref<100x128xf32, #tpu.memory_space<vmem>>) offsets(%dma_start3A_63 : memref<100xi32, #tpu.memory_space<vmem>>) semaphore(%arg12 : memref<!tpu.dma_semaphore, #tpu.memory_space<semaphore_mem>>)
      %add3A_67 = arith.constant 1 : i32
      %add3A_68 = arith.addi %mul3A_52, %add3A_67 : i32
      %dma_wait3A_69 = arith.constant 0 : i32
      %dma_wait3A_70 = tpu.memref_slice %arg9[%add3A_68, %dma_wait3A_69] : memref<100x100xi32, #tpu.memory_space<vmem>> -> memref<1x100xi32, #tpu.memory_space<vmem>>
      %dma_wait3A_71 = tpu.memref_squeeze %dma_wait3A_70 : memref<1x100xi32, #tpu.memory_space<vmem>> -> memref<100xi32, #tpu.memory_space<vmem>>
      %dma_wait3A_72 = arith.constant 0 : i32
      %dma_wait3A_73 = arith.constant 0 : i32
      %dma_wait3A_74 = tpu.memref_slice %arg2[%dma_wait3A_72, %dma_wait3A_73] : memref<40000x128xf32, #tpu.memory_space<hbm>> -> memref<40000x128xf32, #tpu.memory_space<hbm>>
      tpu.wait_indirect_dma semaphore(%arg13 : memref<!tpu.dma_semaphore, #tpu.memory_space<semaphore_mem>>) src(%dma_wait3A_74 : memref<40000x128xf32, #tpu.memory_space<hbm>>) dst(%arg11 : memref<100x128xf32, #tpu.memory_space<vmem>>)
      %add3A_75 = arith.constant 1 : i32
      %add3A_76 = arith.addi %mul3A_52, %add3A_75 : i32
      "tpu.region"() ({
        %run_scoped3A_85 = tpu.sem_alloc : memref<!tpu.dma_semaphore, #tpu.memory_space<semaphore_mem>>
        %dma_start3A_86 = arith.constant 0 : i32
        %dma_start3A_87 = tpu.memref_slice %arg8[%add3A_76, %dma_start3A_86] : memref<100x100xi32, #tpu.memory_space<vmem>> -> memref<1x100xi32, #tpu.memory_space<vmem>>
        %dma_start3A_88 = tpu.memref_squeeze %dma_start3A_87 : memref<1x100xi32, #tpu.memory_space<vmem>> -> memref<100xi32, #tpu.memory_space<vmem>>
        %dma_start3A_89 = arith.constant 0 : i32
        %dma_start3A_90 = arith.constant 0 : i32
        %dma_start3A_91 = tpu.memref_slice %arg7[%dma_start3A_89, %dma_start3A_90] : memref<10000x128xf32, #tpu.memory_space<vmem_shared>> -> memref<10000x128xf32, #tpu.memory_space<vmem_shared>>
        tpu.enqueue_indirect_dma source(%arg11 : memref<100x128xf32, #tpu.memory_space<vmem>>) target(%dma_start3A_91 : memref<10000x128xf32, #tpu.memory_space<vmem_shared>>) offsets(%dma_start3A_88 : memref<100xi32, #tpu.memory_space<vmem>>) semaphore(%run_scoped3A_85 : memref<!tpu.dma_semaphore, #tpu.memory_space<semaphore_mem>>) {add = true}
        %dma_wait3A_92 = arith.constant 0 : i32
        %dma_wait3A_93 = tpu.memref_slice %arg8[%add3A_76, %dma_wait3A_92] : memref<100x100xi32, #tpu.memory_space<vmem>> -> memref<1x100xi32, #tpu.memory_space<vmem>>
        %dma_wait3A_94 = tpu.memref_squeeze %dma_wait3A_93 : memref<1x100xi32, #tpu.memory_space<vmem>> -> memref<100xi32, #tpu.memory_space<vmem>>
        %dma_wait3A_95 = arith.constant 0 : i32
        %dma_wait3A_96 = arith.constant 0 : i32
        %dma_wait3A_97 = tpu.memref_slice %arg7[%dma_wait3A_95, %dma_wait3A_96] : memref<10000x128xf32, #tpu.memory_space<vmem_shared>> -> memref<10000x128xf32, #tpu.memory_space<vmem_shared>>
        tpu.wait_indirect_dma semaphore(%run_scoped3A_85 : memref<!tpu.dma_semaphore, #tpu.memory_space<semaphore_mem>>) src(%arg11 : memref<100x128xf32, #tpu.memory_space<vmem>>) dst(%dma_wait3A_97 : memref<10000x128xf32, #tpu.memory_space<vmem_shared>>)
        tpu.yield
      }) : () -> ()
      %add3A_77 = arith.constant 3 : i32
      %add3A_78 = arith.addi %mul3A_52, %add3A_77 : i32
      %dma_start3A_79 = arith.constant 0 : i32
      %dma_start3A_80 = tpu.memref_slice %arg9[%add3A_78, %dma_start3A_79] : memref<100x100xi32, #tpu.memory_space<vmem>> -> memref<1x100xi32, #tpu.memory_space<vmem>>
      %dma_start3A_81 = tpu.memref_squeeze %dma_start3A_80 : memref<1x100xi32, #tpu.memory_space<vmem>> -> memref<100xi32, #tpu.memory_space<vmem>>
      %dma_start3A_82 = arith.constant 0 : i32
      %dma_start3A_83 = arith.constant 0 : i32
      %dma_start3A_84 = tpu.memref_slice %arg2[%dma_start3A_82, %dma_start3A_83] : memref<40000x128xf32, #tpu.memory_space<hbm>> -> memref<40000x128xf32, #tpu.memory_space<hbm>>
      tpu.enqueue_indirect_dma source(%dma_start3A_84 : memref<40000x128xf32, #tpu.memory_space<hbm>>) target(%arg11 : memref<100x128xf32, #tpu.memory_space<vmem>>) offsets(%dma_start3A_81 : memref<100xi32, #tpu.memory_space<vmem>>) semaphore(%arg13 : memref<!tpu.dma_semaphore, #tpu.memory_space<semaphore_mem>>)
    }
    %scan3A_24 = arith.constant 49 : i32
    %dma_wait3A = arith.constant 98 : i32
    %dma_wait3A_25 = arith.constant 0 : i32
    %dma_wait3A_26 = tpu.memref_slice %arg9[%dma_wait3A, %dma_wait3A_25] : memref<100x100xi32, #tpu.memory_space<vmem>> -> memref<1x100xi32, #tpu.memory_space<vmem>>
    %dma_wait3A_27 = tpu.memref_squeeze %dma_wait3A_26 : memref<1x100xi32, #tpu.memory_space<vmem>> -> memref<100xi32, #tpu.memory_space<vmem>>
    %dma_wait3A_28 = arith.constant 0 : i32
    %dma_wait3A_29 = arith.constant 0 : i32
    %dma_wait3A_30 = tpu.memref_slice %arg2[%dma_wait3A_28, %dma_wait3A_29] : memref<40000x128xf32, #tpu.memory_space<hbm>> -> memref<40000x128xf32, #tpu.memory_space<hbm>>
    tpu.wait_indirect_dma semaphore(%arg12 : memref<!tpu.dma_semaphore, #tpu.memory_space<semaphore_mem>>) src(%dma_wait3A_30 : memref<40000x128xf32, #tpu.memory_space<hbm>>) dst(%arg10 : memref<100x128xf32, #tpu.memory_space<vmem>>)
    %run_scoped3A = arith.constant 98 : i32
    "tpu.region"() ({
      %run_scoped3A_50 = tpu.sem_alloc : memref<!tpu.dma_semaphore, #tpu.memory_space<semaphore_mem>>
      %dma_start3A_51 = arith.constant 0 : i32
      %dma_start3A_52 = tpu.memref_slice %arg8[%run_scoped3A, %dma_start3A_51] : memref<100x100xi32, #tpu.memory_space<vmem>> -> memref<1x100xi32, #tpu.memory_space<vmem>>
      %dma_start3A_53 = tpu.memref_squeeze %dma_start3A_52 : memref<1x100xi32, #tpu.memory_space<vmem>> -> memref<100xi32, #tpu.memory_space<vmem>>
      %dma_start3A_54 = arith.constant 0 : i32
      %dma_start3A_55 = arith.constant 0 : i32
      %dma_start3A_56 = tpu.memref_slice %arg7[%dma_start3A_54, %dma_start3A_55] : memref<10000x128xf32, #tpu.memory_space<vmem_shared>> -> memref<10000x128xf32, #tpu.memory_space<vmem_shared>>
      tpu.enqueue_indirect_dma source(%arg10 : memref<100x128xf32, #tpu.memory_space<vmem>>) target(%dma_start3A_56 : memref<10000x128xf32, #tpu.memory_space<vmem_shared>>) offsets(%dma_start3A_53 : memref<100xi32, #tpu.memory_space<vmem>>) semaphore(%run_scoped3A_50 : memref<!tpu.dma_semaphore, #tpu.memory_space<semaphore_mem>>) {add = true}
      %dma_wait3A_57 = arith.constant 0 : i32
      %dma_wait3A_58 = tpu.memref_slice %arg8[%run_scoped3A, %dma_wait3A_57] : memref<100x100xi32, #tpu.memory_space<vmem>> -> memref<1x100xi32, #tpu.memory_space<vmem>>
      %dma_wait3A_59 = tpu.memref_squeeze %dma_wait3A_58 : memref<1x100xi32, #tpu.memory_space<vmem>> -> memref<100xi32, #tpu.memory_space<vmem>>
      %dma_wait3A_60 = arith.constant 0 : i32
      %dma_wait3A_61 = arith.constant 0 : i32
      %dma_wait3A_62 = tpu.memref_slice %arg7[%dma_wait3A_60, %dma_wait3A_61] : memref<10000x128xf32, #tpu.memory_space<vmem_shared>> -> memref<10000x128xf32, #tpu.memory_space<vmem_shared>>
      tpu.wait_indirect_dma semaphore(%run_scoped3A_50 : memref<!tpu.dma_semaphore, #tpu.memory_space<semaphore_mem>>) src(%arg10 : memref<100x128xf32, #tpu.memory_space<vmem>>) dst(%dma_wait3A_62 : memref<10000x128xf32, #tpu.memory_space<vmem_shared>>)
      tpu.yield
    }) : () -> ()
    %dma_wait3A_31 = arith.constant 99 : i32
    %dma_wait3A_32 = arith.constant 0 : i32
    %dma_wait3A_33 = tpu.memref_slice %arg9[%dma_wait3A_31, %dma_wait3A_32] : memref<100x100xi32, #tpu.memory_space<vmem>> -> memref<1x100xi32, #tpu.memory_space<vmem>>
    %dma_wait3A_34 = tpu.memref_squeeze %dma_wait3A_33 : memref<1x100xi32, #tpu.memory_space<vmem>> -> memref<100xi32, #tpu.memory_space<vmem>>
    %dma_wait3A_35 = arith.constant 0 : i32
    %dma_wait3A_36 = arith.constant 0 : i32
    %dma_wait3A_37 = tpu.memref_slice %arg2[%dma_wait3A_35, %dma_wait3A_36] : memref<40000x128xf32, #tpu.memory_space<hbm>> -> memref<40000x128xf32, #tpu.memory_space<hbm>>
    tpu.wait_indirect_dma semaphore(%arg13 : memref<!tpu.dma_semaphore, #tpu.memory_space<semaphore_mem>>) src(%dma_wait3A_37 : memref<40000x128xf32, #tpu.memory_space<hbm>>) dst(%arg11 : memref<100x128xf32, #tpu.memory_space<vmem>>)
    %run_scoped3A_38 = arith.constant 99 : i32
    "tpu.region"() ({
      %run_scoped3A_50 = tpu.sem_alloc : memref<!tpu.dma_semaphore, #tpu.memory_space<semaphore_mem>>
      %dma_start3A_51 = arith.constant 0 : i32
      %dma_start3A_52 = tpu.memref_slice %arg8[%run_scoped3A_38, %dma_start3A_51] : memref<100x100xi32, #tpu.memory_space<vmem>> -> memref<1x100xi32, #tpu.memory_space<vmem>>
      %dma_start3A_53 = tpu.memref_squeeze %dma_start3A_52 : memref<1x100xi32, #tpu.memory_space<vmem>> -> memref<100xi32, #tpu.memory_space<vmem>>
      %dma_start3A_54 = arith.constant 0 : i32
      %dma_start3A_55 = arith.constant 0 : i32
      %dma_start3A_56 = tpu.memref_slice %arg7[%dma_start3A_54, %dma_start3A_55] : memref<10000x128xf32, #tpu.memory_space<vmem_shared>> -> memref<10000x128xf32, #tpu.memory_space<vmem_shared>>
      tpu.enqueue_indirect_dma source(%arg11 : memref<100x128xf32, #tpu.memory_space<vmem>>) target(%dma_start3A_56 : memref<10000x128xf32, #tpu.memory_space<vmem_shared>>) offsets(%dma_start3A_53 : memref<100xi32, #tpu.memory_space<vmem>>) semaphore(%run_scoped3A_50 : memref<!tpu.dma_semaphore, #tpu.memory_space<semaphore_mem>>) {add = true}
      %dma_wait3A_57 = arith.constant 0 : i32
      %dma_wait3A_58 = tpu.memref_slice %arg8[%run_scoped3A_38, %dma_wait3A_57] : memref<100x100xi32, #tpu.memory_space<vmem>> -> memref<1x100xi32, #tpu.memory_space<vmem>>
      %dma_wait3A_59 = tpu.memref_squeeze %dma_wait3A_58 : memref<1x100xi32, #tpu.memory_space<vmem>> -> memref<100xi32, #tpu.memory_space<vmem>>
      %dma_wait3A_60 = arith.constant 0 : i32
      %dma_wait3A_61 = arith.constant 0 : i32
      %dma_wait3A_62 = tpu.memref_slice %arg7[%dma_wait3A_60, %dma_wait3A_61] : memref<10000x128xf32, #tpu.memory_space<vmem_shared>> -> memref<10000x128xf32, #tpu.memory_space<vmem_shared>>
      tpu.wait_indirect_dma semaphore(%run_scoped3A_50 : memref<!tpu.dma_semaphore, #tpu.memory_space<semaphore_mem>>) src(%arg11 : memref<100x128xf32, #tpu.memory_space<vmem>>) dst(%dma_wait3A_62 : memref<10000x128xf32, #tpu.memory_space<vmem_shared>>)
      tpu.yield
    }) : () -> ()
    %barrier3A_39 = arith.constant 0 : index
    tpu.barrier barrier_id(%barrier3A_39)
    %lt3A_40 = arith.constant 15 : i32
    %lt3A_41 = arith.cmpi slt, %arg1, %lt3A_40 : i32
    %convert_element_type3A_42 = arith.extui %lt3A_41 : i1 to i32
    %cond3A_43 = arith.constant 0 : i32
    %cond3A_44 = arith.cmpi ne, %convert_element_type3A_42, %cond3A_43 : i32
    scf.if %cond3A_44 {
      %mul3A_50 = arith.constant 624 : i32
      %mul3A_51 = arith.muli %arg1, %mul3A_50 : i32
      %mul3A_52 = arith.constant 624 : i32
      %mul3A_53 = arith.muli %arg1, %mul3A_52 : i32
      "tpu.region"() ({
        %run_scoped3A_54 = tpu.sem_alloc : memref<!tpu.dma_semaphore, #tpu.memory_space<semaphore_mem>>
        %dma_start3A_55 = arith.constant 0 : i32
        %dma_start3A_56 = tpu.memref_slice %arg6[%arg0, %mul3A_53, %dma_start3A_55] : memref<2x10000x128xf32, #tpu.memory_space<hbm>> -> memref<1x624x128xf32, #tpu.memory_space<hbm>>
        %dma_start3A_57 = tpu.memref_squeeze %dma_start3A_56 : memref<1x624x128xf32, #tpu.memory_space<hbm>> -> memref<624x128xf32, #tpu.memory_space<hbm>>
        %dma_start3A_58 = arith.constant 0 : i32
        %dma_start3A_59 = tpu.memref_slice %arg7[%mul3A_51, %dma_start3A_58] : memref<10000x128xf32, #tpu.memory_space<vmem_shared>> -> memref<624x128xf32, #tpu.memory_space<vmem_shared>>
        tpu.enqueue_dma source(%dma_start3A_59 : memref<624x128xf32, #tpu.memory_space<vmem_shared>>) target(%dma_start3A_57 : memref<624x128xf32, #tpu.memory_space<hbm>>) target_semaphore(%run_scoped3A_54 : memref<!tpu.dma_semaphore, #tpu.memory_space<semaphore_mem>>)
        %dma_wait3A_60 = arith.constant 0 : i32
        %dma_wait3A_61 = tpu.memref_slice %arg6[%arg0, %mul3A_53, %dma_wait3A_60] : memref<2x10000x128xf32, #tpu.memory_space<hbm>> -> memref<1x624x128xf32, #tpu.memory_space<hbm>>
        %dma_wait3A_62 = tpu.memref_squeeze %dma_wait3A_61 : memref<1x624x128xf32, #tpu.memory_space<hbm>> -> memref<624x128xf32, #tpu.memory_space<hbm>>
        %dma_wait3A_63 = arith.constant 0 : i32
        %dma_wait3A_64 = tpu.memref_slice %arg7[%mul3A_51, %dma_wait3A_63] : memref<10000x128xf32, #tpu.memory_space<vmem_shared>> -> memref<624x128xf32, #tpu.memory_space<vmem_shared>>
        tpu.wait_dma2 semaphore(%run_scoped3A_54 : memref<!tpu.dma_semaphore, #tpu.memory_space<semaphore_mem>>) src(%dma_wait3A_64 : memref<624x128xf32, #tpu.memory_space<vmem_shared>>) dst(%dma_wait3A_62 : memref<624x128xf32, #tpu.memory_space<hbm>>)
        tpu.yield
      }) : () -> ()
    } else {
    }
    %eq3A_45 = arith.constant 15 : i32
    %eq3A_46 = arith.cmpi eq, %arg1, %eq3A_45 : i32
    %convert_element_type3A_47 = arith.extui %eq3A_46 : i1 to i32
    %cond3A_48 = arith.constant 0 : i32
    %cond3A_49 = arith.cmpi ne, %convert_element_type3A_47, %cond3A_48 : i32
    scf.if %cond3A_49 {
      "tpu.region"() ({
        %run_scoped3A_50 = tpu.sem_alloc : memref<!tpu.dma_semaphore, #tpu.memory_space<semaphore_mem>>
        %dma_start3A_51 = arith.constant 9360 : i32
        %dma_start3A_52 = arith.constant 0 : i32
        %dma_start3A_53 = tpu.memref_slice %arg6[%arg0, %dma_start3A_51, %dma_start3A_52] : memref<2x10000x128xf32, #tpu.memory_space<hbm>> -> memref<1x640x128xf32, #tpu.memory_space<hbm>>
        %dma_start3A_54 = tpu.memref_squeeze %dma_start3A_53 : memref<1x640x128xf32, #tpu.memory_space<hbm>> -> memref<640x128xf32, #tpu.memory_space<hbm>>
        %dma_start3A_55 = arith.constant 9360 : i32
        %dma_start3A_56 = arith.constant 0 : i32
        %dma_start3A_57 = tpu.memref_slice %arg7[%dma_start3A_55, %dma_start3A_56] : memref<10000x128xf32, #tpu.memory_space<vmem_shared>> -> memref<640x128xf32, #tpu.memory_space<vmem_shared>>
        tpu.enqueue_dma source(%dma_start3A_57 : memref<640x128xf32, #tpu.memory_space<vmem_shared>>) target(%dma_start3A_54 : memref<640x128xf32, #tpu.memory_space<hbm>>) target_semaphore(%run_scoped3A_50 : memref<!tpu.dma_semaphore, #tpu.memory_space<semaphore_mem>>)
        %dma_wait3A_58 = arith.constant 9360 : i32
        %dma_wait3A_59 = arith.constant 0 : i32
        %dma_wait3A_60 = tpu.memref_slice %arg6[%arg0, %dma_wait3A_58, %dma_wait3A_59] : memref<2x10000x128xf32, #tpu.memory_space<hbm>> -> memref<1x640x128xf32, #tpu.memory_space<hbm>>
        %dma_wait3A_61 = tpu.memref_squeeze %dma_wait3A_60 : memref<1x640x128xf32, #tpu.memory_space<hbm>> -> memref<640x128xf32, #tpu.memory_space<hbm>>
        %dma_wait3A_62 = arith.constant 9360 : i32
        %dma_wait3A_63 = arith.constant 0 : i32
        %dma_wait3A_64 = tpu.memref_slice %arg7[%dma_wait3A_62, %dma_wait3A_63] : memref<10000x128xf32, #tpu.memory_space<vmem_shared>> -> memref<640x128xf32, #tpu.memory_space<vmem_shared>>
        tpu.wait_dma2 semaphore(%run_scoped3A_50 : memref<!tpu.dma_semaphore, #tpu.memory_space<semaphore_mem>>) src(%dma_wait3A_64 : memref<640x128xf32, #tpu.memory_space<vmem_shared>>) dst(%dma_wait3A_61 : memref<640x128xf32, #tpu.memory_space<hbm>>)
        tpu.yield
      }) : () -> ()
    } else {
    }
    return
  }
}

#map = affine_map<(d0, d1) -> (0, 0)>
#map1 = affine_map<(d0, d1) -> (0, 0, 0)>
module attributes {stable_mosaic.version = 14 : i64} {
  func.func @_spmm(%arg0: i32, %arg1: i32, %arg2: memref<40000x128xf32, #tpu.memory_space<hbm>>, %arg3: memref<32x100x100xi32, #tpu.memory_space<hbm>>, %arg4: memref<32x100x100xi32, #tpu.memory_space<hbm>>, %arg5: memref<640x128xf32, #tpu.memory_space<hbm>>, %arg6: memref<2x10000x128xf32, #tpu.memory_space<hbm>>, %arg7: memref<10000x128xf32, #tpu.memory_space<vmem_shared>>, %arg8: memref<100x100xi32, #tpu.memory_space<vmem>>, %arg9: memref<100x100xi32, #tpu.memory_space<vmem>>, %arg10: memref<100x128xf32, #tpu.memory_space<vmem>>, %arg11: memref<100x128xf32, #tpu.memory_space<vmem>>, %arg12: memref<!tpu.dma_semaphore, #tpu.memory_space<semaphore_mem>>, %arg13: memref<!tpu.dma_semaphore, #tpu.memory_space<semaphore_mem>>) attributes {dimension_semantics = [#tpu.dimension_semantics<core_parallel>, #tpu.dimension_semantics<subcore_parallel>], iteration_bounds = array<i64: 2, 16>, scalar_prefetch = 0 : i64, scratch_operands = 7 : i64, tpu.core_type = #tpu.core_type<sc_vector_subcore>, window_params = [{transform_indices = #map}, {transform_indices = #map1}, {transform_indices = #map1}, {transform_indices = #map}, {transform_indices = #map1}]} {
    %mul3A = arith.constant 16 : i32
    %mul3A_0 = arith.muli %arg0, %mul3A : i32
    %add3A = arith.addi %mul3A_0, %arg1 : i32
    "tpu.region"() ({
      %run_scoped3A_50 = tpu.sem_alloc : memref<!tpu.dma_semaphore, #tpu.memory_space<semaphore_mem>>
      %dma_start3A_51 = arith.constant 0 : i32
      %dma_start3A_52 = arith.constant 0 : i32
      %dma_start3A_53 = tpu.memref_slice %arg3[%add3A, %dma_start3A_51, %dma_start3A_52] : memref<32x100x100xi32, #tpu.memory_space<hbm>> -> memref<1x100x100xi32, #tpu.memory_space<hbm>>
      %dma_start3A_54 = tpu.memref_squeeze %dma_start3A_53 : memref<1x100x100xi32, #tpu.memory_space<hbm>> -> memref<100x100xi32, #tpu.memory_space<hbm>>
      %dma_start3A_55 = arith.constant 0 : i32
      %dma_start3A_56 = arith.constant 0 : i32
      %dma_start3A_57 = tpu.memref_slice %arg3[%add3A, %dma_start3A_55, %dma_start3A_56] : memref<32x100x100xi32, #tpu.memory_space<hbm>> -> memref<1x100x100xi32, #tpu.memory_space<hbm>>
      %dma_start3A_58 = tpu.memref_squeeze %dma_start3A_57 : memref<1x100x100xi32, #tpu.memory_space<hbm>> -> memref<100x100xi32, #tpu.memory_space<hbm>>
      tpu.enqueue_dma source(%dma_start3A_58 : memref<100x100xi32, #tpu.memory_space<hbm>>) target(%arg9 : memref<100x100xi32, #tpu.memory_space<vmem>>) target_semaphore(%run_scoped3A_50 : memref<!tpu.dma_semaphore, #tpu.memory_space<semaphore_mem>>)
      %dma_wait3A_59 = arith.constant 0 : i32
      %dma_wait3A_60 = arith.constant 0 : i32
      %dma_wait3A_61 = tpu.memref_slice %arg3[%add3A, %dma_wait3A_59, %dma_wait3A_60] : memref<32x100x100xi32, #tpu.memory_space<hbm>> -> memref<1x100x100xi32, #tpu.memory_space<hbm>>
      %dma_wait3A_62 = tpu.memref_squeeze %dma_wait3A_61 : memref<1x100x100xi32, #tpu.memory_space<hbm>> -> memref<100x100xi32, #tpu.memory_space<hbm>>
      %dma_wait3A_63 = arith.constant 0 : i32
      %dma_wait3A_64 = arith.constant 0 : i32
      %dma_wait3A_65 = tpu.memref_slice %arg3[%add3A, %dma_wait3A_63, %dma_wait3A_64] : memref<32x100x100xi32, #tpu.memory_space<hbm>> -> memref<1x100x100xi32, #tpu.memory_space<hbm>>
      %dma_wait3A_66 = tpu.memref_squeeze %dma_wait3A_65 : memref<1x100x100xi32, #tpu.memory_space<hbm>> -> memref<100x100xi32, #tpu.memory_space<hbm>>
      tpu.wait_dma2 semaphore(%run_scoped3A_50 : memref<!tpu.dma_semaphore, #tpu.memory_space<semaphore_mem>>) src(%dma_wait3A_66 : memref<100x100xi32, #tpu.memory_space<hbm>>) dst(%arg9 : memref<100x100xi32, #tpu.memory_space<vmem>>)
      tpu.yield
    }) : () -> ()
    "tpu.region"() ({
      %run_scoped3A_50 = tpu.sem_alloc : memref<!tpu.dma_semaphore, #tpu.memory_space<semaphore_mem>>
      %dma_start3A_51 = arith.constant 0 : i32
      %dma_start3A_52 = arith.constant 0 : i32
      %dma_start3A_53 = tpu.memref_slice %arg4[%add3A, %dma_start3A_51, %dma_start3A_52] : memref<32x100x100xi32, #tpu.memory_space<hbm>> -> memref<1x100x100xi32, #tpu.memory_space<hbm>>
      %dma_start3A_54 = tpu.memref_squeeze %dma_start3A_53 : memref<1x100x100xi32, #tpu.memory_space<hbm>> -> memref<100x100xi32, #tpu.memory_space<hbm>>
      %dma_start3A_55 = arith.constant 0 : i32
      %dma_start3A_56 = arith.constant 0 : i32
      %dma_start3A_57 = tpu.memref_slice %arg4[%add3A, %dma_start3A_55, %dma_start3A_56] : memref<32x100x100xi32, #tpu.memory_space<hbm>> -> memref<1x100x100xi32, #tpu.memory_space<hbm>>
      %dma_start3A_58 = tpu.memref_squeeze %dma_start3A_57 : memref<1x100x100xi32, #tpu.memory_space<hbm>> -> memref<100x100xi32, #tpu.memory_space<hbm>>
      tpu.enqueue_dma source(%dma_start3A_58 : memref<100x100xi32, #tpu.memory_space<hbm>>) target(%arg8 : memref<100x100xi32, #tpu.memory_space<vmem>>) target_semaphore(%run_scoped3A_50 : memref<!tpu.dma_semaphore, #tpu.memory_space<semaphore_mem>>)
      %dma_wait3A_59 = arith.constant 0 : i32
      %dma_wait3A_60 = arith.constant 0 : i32
      %dma_wait3A_61 = tpu.memref_slice %arg4[%add3A, %dma_wait3A_59, %dma_wait3A_60] : memref<32x100x100xi32, #tpu.memory_space<hbm>> -> memref<1x100x100xi32, #tpu.memory_space<hbm>>
      %dma_wait3A_62 = tpu.memref_squeeze %dma_wait3A_61 : memref<1x100x100xi32, #tpu.memory_space<hbm>> -> memref<100x100xi32, #tpu.memory_space<hbm>>
      %dma_wait3A_63 = arith.constant 0 : i32
      %dma_wait3A_64 = arith.constant 0 : i32
      %dma_wait3A_65 = tpu.memref_slice %arg4[%add3A, %dma_wait3A_63, %dma_wait3A_64] : memref<32x100x100xi32, #tpu.memory_space<hbm>> -> memref<1x100x100xi32, #tpu.memory_space<hbm>>
      %dma_wait3A_66 = tpu.memref_squeeze %dma_wait3A_65 : memref<1x100x100xi32, #tpu.memory_space<hbm>> -> memref<100x100xi32, #tpu.memory_space<hbm>>
      tpu.wait_dma2 semaphore(%run_scoped3A_50 : memref<!tpu.dma_semaphore, #tpu.memory_space<semaphore_mem>>) src(%dma_wait3A_66 : memref<100x100xi32, #tpu.memory_space<hbm>>) dst(%arg8 : memref<100x100xi32, #tpu.memory_space<vmem>>)
      tpu.yield
    }) : () -> ()
    %lt3A = arith.constant 15 : i32
    %lt3A_1 = arith.cmpi slt, %arg1, %lt3A : i32
    %convert_element_type3A = arith.extui %lt3A_1 : i1 to i32
    %cond3A = arith.constant 0 : i32
    %cond3A_2 = arith.cmpi ne, %convert_element_type3A, %cond3A : i32
    scf.if %cond3A_2 {
      %mul3A_50 = arith.constant 624 : i32
      %mul3A_51 = arith.muli %arg1, %mul3A_50 : i32
      "tpu.region"() ({
        %run_scoped3A_52 = tpu.sem_alloc : memref<!tpu.dma_semaphore, #tpu.memory_space<semaphore_mem>>
        %dma_start3A_53 = arith.constant 0 : i32
        %dma_start3A_54 = tpu.memref_slice %arg7[%mul3A_51, %dma_start3A_53] : memref<10000x128xf32, #tpu.memory_space<vmem_shared>> -> memref<624x128xf32, #tpu.memory_space<vmem_shared>>
        %dma_start3A_55 = arith.constant 0 : i32
        %dma_start3A_56 = arith.constant 0 : i32
        %dma_start3A_57 = tpu.memref_slice %arg5[%dma_start3A_55, %dma_start3A_56] : memref<640x128xf32, #tpu.memory_space<hbm>> -> memref<624x128xf32, #tpu.memory_space<hbm>>
        tpu.enqueue_dma source(%dma_start3A_57 : memref<624x128xf32, #tpu.memory_space<hbm>>) target(%dma_start3A_54 : memref<624x128xf32, #tpu.memory_space<vmem_shared>>) target_semaphore(%run_scoped3A_52 : memref<!tpu.dma_semaphore, #tpu.memory_space<semaphore_mem>>)
        %dma_wait3A_58 = arith.constant 0 : i32
        %dma_wait3A_59 = tpu.memref_slice %arg7[%mul3A_51, %dma_wait3A_58] : memref<10000x128xf32, #tpu.memory_space<vmem_shared>> -> memref<624x128xf32, #tpu.memory_space<vmem_shared>>
        %dma_wait3A_60 = arith.constant 0 : i32
        %dma_wait3A_61 = arith.constant 0 : i32
        %dma_wait3A_62 = tpu.memref_slice %arg5[%dma_wait3A_60, %dma_wait3A_61] : memref<640x128xf32, #tpu.memory_space<hbm>> -> memref<624x128xf32, #tpu.memory_space<hbm>>
        tpu.wait_dma2 semaphore(%run_scoped3A_52 : memref<!tpu.dma_semaphore, #tpu.memory_space<semaphore_mem>>) src(%dma_wait3A_62 : memref<624x128xf32, #tpu.memory_space<hbm>>) dst(%dma_wait3A_59 : memref<624x128xf32, #tpu.memory_space<vmem_shared>>)
        tpu.yield
      }) : () -> ()
    } else {
    }
    %eq3A = arith.constant 15 : i32
    %eq3A_3 = arith.cmpi eq, %arg1, %eq3A : i32
    %convert_element_type3A_4 = arith.extui %eq3A_3 : i1 to i32
    %cond3A_5 = arith.constant 0 : i32
    %cond3A_6 = arith.cmpi ne, %convert_element_type3A_4, %cond3A_5 : i32
    scf.if %cond3A_6 {
      "tpu.region"() ({
        %run_scoped3A_50 = tpu.sem_alloc : memref<!tpu.dma_semaphore, #tpu.memory_space<semaphore_mem>>
        %dma_start3A_51 = arith.constant 9360 : i32
        %dma_start3A_52 = arith.constant 0 : i32
        %dma_start3A_53 = tpu.memref_slice %arg7[%dma_start3A_51, %dma_start3A_52] : memref<10000x128xf32, #tpu.memory_space<vmem_shared>> -> memref<640x128xf32, #tpu.memory_space<vmem_shared>>
        tpu.enqueue_dma source(%arg5 : memref<640x128xf32, #tpu.memory_space<hbm>>) target(%dma_start3A_53 : memref<640x128xf32, #tpu.memory_space<vmem_shared>>) target_semaphore(%run_scoped3A_50 : memref<!tpu.dma_semaphore, #tpu.memory_space<semaphore_mem>>)
        %dma_wait3A_54 = arith.constant 9360 : i32
        %dma_wait3A_55 = arith.constant 0 : i32
        %dma_wait3A_56 = tpu.memref_slice %arg7[%dma_wait3A_54, %dma_wait3A_55] : memref<10000x128xf32, #tpu.memory_space<vmem_shared>> -> memref<640x128xf32, #tpu.memory_space<vmem_shared>>
        tpu.wait_dma2 semaphore(%run_scoped3A_50 : memref<!tpu.dma_semaphore, #tpu.memory_space<semaphore_mem>>) src(%arg5 : memref<640x128xf32, #tpu.memory_space<hbm>>) dst(%dma_wait3A_56 : memref<640x128xf32, #tpu.memory_space<vmem_shared>>)
        tpu.yield
      }) : () -> ()
    } else {
    }
    %barrier3A = arith.constant 0 : index
    tpu.barrier barrier_id(%barrier3A)
    %dma_start3A = arith.constant 0 : i32
    %dma_start3A_7 = arith.constant 0 : i32
    %dma_start3A_8 = tpu.memref_slice %arg9[%dma_start3A, %dma_start3A_7] : memref<100x100xi32, #tpu.memory_space<vmem>> -> memref<1x100xi32, #tpu.memory_space<vmem>>
    %dma_start3A_9 = tpu.memref_squeeze %dma_start3A_8 : memref<1x100xi32, #tpu.memory_space<vmem>> -> memref<100xi32, #tpu.memory_space<vmem>>
    %dma_start3A_10 = arith.constant 0 : i32
    %dma_start3A_11 = arith.constant 0 : i32
    %dma_start3A_12 = tpu.memref_slice %arg2[%dma_start3A_10, %dma_start3A_11] : memref<40000x128xf32, #tpu.memory_space<hbm>> -> memref<40000x128xf32, #tpu.memory_space<hbm>>
    tpu.enqueue_indirect_dma source(%dma_start3A_12 : memref<40000x128xf32, #tpu.memory_space<hbm>>) target(%arg10 : memref<100x128xf32, #tpu.memory_space<vmem>>) offsets(%dma_start3A_9 : memref<100xi32, #tpu.memory_space<vmem>>) semaphore(%arg12 : memref<!tpu.dma_semaphore, #tpu.memory_space<semaphore_mem>>)
    %dma_start3A_13 = arith.constant 1 : i32
    %dma_start3A_14 = arith.constant 0 : i32
    %dma_start3A_15 = tpu.memref_slice %arg9[%dma_start3A_13, %dma_start3A_14] : memref<100x100xi32, #tpu.memory_space<vmem>> -> memref<1x100xi32, #tpu.memory_space<vmem>>
    %dma_start3A_16 = tpu.memref_squeeze %dma_start3A_15 : memref<1x100xi32, #tpu.memory_space<vmem>> -> memref<100xi32, #tpu.memory_space<vmem>>
    %dma_start3A_17 = arith.constant 0 : i32
    %dma_start3A_18 = arith.constant 0 : i32
    %dma_start3A_19 = tpu.memref_slice %arg2[%dma_start3A_17, %dma_start3A_18] : memref<40000x128xf32, #tpu.memory_space<hbm>> -> memref<40000x128xf32, #tpu.memory_space<hbm>>
    tpu.enqueue_indirect_dma source(%dma_start3A_19 : memref<40000x128xf32, #tpu.memory_space<hbm>>) target(%arg11 : memref<100x128xf32, #tpu.memory_space<vmem>>) offsets(%dma_start3A_16 : memref<100xi32, #tpu.memory_space<vmem>>) semaphore(%arg13 : memref<!tpu.dma_semaphore, #tpu.memory_space<semaphore_mem>>)
    %scan3A = arith.constant 0 : i32
    %scan3A_20 = arith.constant 0 : i32
    %scan3A_21 = arith.constant 49 : i32
    %scan3A_22 = arith.addi %scan3A_20, %scan3A_21 : i32
    %scan3A_23 = arith.constant 1 : i32
    scf.for %scan3A_50 = %scan3A_20 to %scan3A_22 step %scan3A_23  : i32 {
      %mul3A_51 = arith.constant 2 : i32
      %mul3A_52 = arith.muli %mul3A_51, %scan3A_50 : i32
      %dma_wait3A_53 = arith.constant 0 : i32
      %dma_wait3A_54 = tpu.memref_slice %arg9[%mul3A_52, %dma_wait3A_53] : memref<100x100xi32, #tpu.memory_space<vmem>> -> memref<1x100xi32, #tpu.memory_space<vmem>>
      %dma_wait3A_55 = tpu.memref_squeeze %dma_wait3A_54 : memref<1x100xi32, #tpu.memory_space<vmem>> -> memref<100xi32, #tpu.memory_space<vmem>>
      %dma_wait3A_56 = arith.constant 0 : i32
      %dma_wait3A_57 = arith.constant 0 : i32
      %dma_wait3A_58 = tpu.memref_slice %arg2[%dma_wait3A_56, %dma_wait3A_57] : memref<40000x128xf32, #tpu.memory_space<hbm>> -> memref<40000x128xf32, #tpu.memory_space<hbm>>
      tpu.wait_indirect_dma semaphore(%arg12 : memref<!tpu.dma_semaphore, #tpu.memory_space<semaphore_mem>>) src(%dma_wait3A_58 : memref<40000x128xf32, #tpu.memory_space<hbm>>) dst(%arg10 : memref<100x128xf32, #tpu.memory_space<vmem>>)
      "tpu.region"() ({
        %run_scoped3A_85 = tpu.sem_alloc : memref<!tpu.dma_semaphore, #tpu.memory_space<semaphore_mem>>
        %dma_start3A_86 = arith.constant 0 : i32
        %dma_start3A_87 = tpu.memref_slice %arg8[%mul3A_52, %dma_start3A_86] : memref<100x100xi32, #tpu.memory_space<vmem>> -> memref<1x100xi32, #tpu.memory_space<vmem>>
        %dma_start3A_88 = tpu.memref_squeeze %dma_start3A_87 : memref<1x100xi32, #tpu.memory_space<vmem>> -> memref<100xi32, #tpu.memory_space<vmem>>
        %dma_start3A_89 = arith.constant 0 : i32
        %dma_start3A_90 = arith.constant 0 : i32
        %dma_start3A_91 = tpu.memref_slice %arg7[%dma_start3A_89, %dma_start3A_90] : memref<10000x128xf32, #tpu.memory_space<vmem_shared>> -> memref<10000x128xf32, #tpu.memory_space<vmem_shared>>
        tpu.enqueue_indirect_dma source(%arg10 : memref<100x128xf32, #tpu.memory_space<vmem>>) target(%dma_start3A_91 : memref<10000x128xf32, #tpu.memory_space<vmem_shared>>) offsets(%dma_start3A_88 : memref<100xi32, #tpu.memory_space<vmem>>) semaphore(%run_scoped3A_85 : memref<!tpu.dma_semaphore, #tpu.memory_space<semaphore_mem>>) {add = true}
        %dma_wait3A_92 = arith.constant 0 : i32
        %dma_wait3A_93 = tpu.memref_slice %arg8[%mul3A_52, %dma_wait3A_92] : memref<100x100xi32, #tpu.memory_space<vmem>> -> memref<1x100xi32, #tpu.memory_space<vmem>>
        %dma_wait3A_94 = tpu.memref_squeeze %dma_wait3A_93 : memref<1x100xi32, #tpu.memory_space<vmem>> -> memref<100xi32, #tpu.memory_space<vmem>>
        %dma_wait3A_95 = arith.constant 0 : i32
        %dma_wait3A_96 = arith.constant 0 : i32
        %dma_wait3A_97 = tpu.memref_slice %arg7[%dma_wait3A_95, %dma_wait3A_96] : memref<10000x128xf32, #tpu.memory_space<vmem_shared>> -> memref<10000x128xf32, #tpu.memory_space<vmem_shared>>
        tpu.wait_indirect_dma semaphore(%run_scoped3A_85 : memref<!tpu.dma_semaphore, #tpu.memory_space<semaphore_mem>>) src(%arg10 : memref<100x128xf32, #tpu.memory_space<vmem>>) dst(%dma_wait3A_97 : memref<10000x128xf32, #tpu.memory_space<vmem_shared>>)
        tpu.yield
      }) : () -> ()
      %add3A_59 = arith.constant 2 : i32
      %add3A_60 = arith.addi %mul3A_52, %add3A_59 : i32
      %dma_start3A_61 = arith.constant 0 : i32
      %dma_start3A_62 = tpu.memref_slice %arg9[%add3A_60, %dma_start3A_61] : memref<100x100xi32, #tpu.memory_space<vmem>> -> memref<1x100xi32, #tpu.memory_space<vmem>>
      %dma_start3A_63 = tpu.memref_squeeze %dma_start3A_62 : memref<1x100xi32, #tpu.memory_space<vmem>> -> memref<100xi32, #tpu.memory_space<vmem>>
      %dma_start3A_64 = arith.constant 0 : i32
      %dma_start3A_65 = arith.constant 0 : i32
      %dma_start3A_66 = tpu.memref_slice %arg2[%dma_start3A_64, %dma_start3A_65] : memref<40000x128xf32, #tpu.memory_space<hbm>> -> memref<40000x128xf32, #tpu.memory_space<hbm>>
      tpu.enqueue_indirect_dma source(%dma_start3A_66 : memref<40000x128xf32, #tpu.memory_space<hbm>>) target(%arg10 : memref<100x128xf32, #tpu.memory_space<vmem>>) offsets(%dma_start3A_63 : memref<100xi32, #tpu.memory_space<vmem>>) semaphore(%arg12 : memref<!tpu.dma_semaphore, #tpu.memory_space<semaphore_mem>>)
      %add3A_67 = arith.constant 1 : i32
      %add3A_68 = arith.addi %mul3A_52, %add3A_67 : i32
      %dma_wait3A_69 = arith.constant 0 : i32
      %dma_wait3A_70 = tpu.memref_slice %arg9[%add3A_68, %dma_wait3A_69] : memref<100x100xi32, #tpu.memory_space<vmem>> -> memref<1x100xi32, #tpu.memory_space<vmem>>
      %dma_wait3A_71 = tpu.memref_squeeze %dma_wait3A_70 : memref<1x100xi32, #tpu.memory_space<vmem>> -> memref<100xi32, #tpu.memory_space<vmem>>
      %dma_wait3A_72 = arith.constant 0 : i32
      %dma_wait3A_73 = arith.constant 0 : i32
      %dma_wait3A_74 = tpu.memref_slice %arg2[%dma_wait3A_72, %dma_wait3A_73] : memref<40000x128xf32, #tpu.memory_space<hbm>> -> memref<40000x128xf32, #tpu.memory_space<hbm>>
      tpu.wait_indirect_dma semaphore(%arg13 : memref<!tpu.dma_semaphore, #tpu.memory_space<semaphore_mem>>) src(%dma_wait3A_74 : memref<40000x128xf32, #tpu.memory_space<hbm>>) dst(%arg11 : memref<100x128xf32, #tpu.memory_space<vmem>>)
      %add3A_75 = arith.constant 1 : i32
      %add3A_76 = arith.addi %mul3A_52, %add3A_75 : i32
      "tpu.region"() ({
        %run_scoped3A_85 = tpu.sem_alloc : memref<!tpu.dma_semaphore, #tpu.memory_space<semaphore_mem>>
        %dma_start3A_86 = arith.constant 0 : i32
        %dma_start3A_87 = tpu.memref_slice %arg8[%add3A_76, %dma_start3A_86] : memref<100x100xi32, #tpu.memory_space<vmem>> -> memref<1x100xi32, #tpu.memory_space<vmem>>
        %dma_start3A_88 = tpu.memref_squeeze %dma_start3A_87 : memref<1x100xi32, #tpu.memory_space<vmem>> -> memref<100xi32, #tpu.memory_space<vmem>>
        %dma_start3A_89 = arith.constant 0 : i32
        %dma_start3A_90 = arith.constant 0 : i32
        %dma_start3A_91 = tpu.memref_slice %arg7[%dma_start3A_89, %dma_start3A_90] : memref<10000x128xf32, #tpu.memory_space<vmem_shared>> -> memref<10000x128xf32, #tpu.memory_space<vmem_shared>>
        tpu.enqueue_indirect_dma source(%arg11 : memref<100x128xf32, #tpu.memory_space<vmem>>) target(%dma_start3A_91 : memref<10000x128xf32, #tpu.memory_space<vmem_shared>>) offsets(%dma_start3A_88 : memref<100xi32, #tpu.memory_space<vmem>>) semaphore(%run_scoped3A_85 : memref<!tpu.dma_semaphore, #tpu.memory_space<semaphore_mem>>) {add = true}
        %dma_wait3A_92 = arith.constant 0 : i32
        %dma_wait3A_93 = tpu.memref_slice %arg8[%add3A_76, %dma_wait3A_92] : memref<100x100xi32, #tpu.memory_space<vmem>> -> memref<1x100xi32, #tpu.memory_space<vmem>>
        %dma_wait3A_94 = tpu.memref_squeeze %dma_wait3A_93 : memref<1x100xi32, #tpu.memory_space<vmem>> -> memref<100xi32, #tpu.memory_space<vmem>>
        %dma_wait3A_95 = arith.constant 0 : i32
        %dma_wait3A_96 = arith.constant 0 : i32
        %dma_wait3A_97 = tpu.memref_slice %arg7[%dma_wait3A_95, %dma_wait3A_96] : memref<10000x128xf32, #tpu.memory_space<vmem_shared>> -> memref<10000x128xf32, #tpu.memory_space<vmem_shared>>
        tpu.wait_indirect_dma semaphore(%run_scoped3A_85 : memref<!tpu.dma_semaphore, #tpu.memory_space<semaphore_mem>>) src(%arg11 : memref<100x128xf32, #tpu.memory_space<vmem>>) dst(%dma_wait3A_97 : memref<10000x128xf32, #tpu.memory_space<vmem_shared>>)
        tpu.yield
      }) : () -> ()
      %add3A_77 = arith.constant 3 : i32
      %add3A_78 = arith.addi %mul3A_52, %add3A_77 : i32
      %dma_start3A_79 = arith.constant 0 : i32
      %dma_start3A_80 = tpu.memref_slice %arg9[%add3A_78, %dma_start3A_79] : memref<100x100xi32, #tpu.memory_space<vmem>> -> memref<1x100xi32, #tpu.memory_space<vmem>>
      %dma_start3A_81 = tpu.memref_squeeze %dma_start3A_80 : memref<1x100xi32, #tpu.memory_space<vmem>> -> memref<100xi32, #tpu.memory_space<vmem>>
      %dma_start3A_82 = arith.constant 0 : i32
      %dma_start3A_83 = arith.constant 0 : i32
      %dma_start3A_84 = tpu.memref_slice %arg2[%dma_start3A_82, %dma_start3A_83] : memref<40000x128xf32, #tpu.memory_space<hbm>> -> memref<40000x128xf32, #tpu.memory_space<hbm>>
      tpu.enqueue_indirect_dma source(%dma_start3A_84 : memref<40000x128xf32, #tpu.memory_space<hbm>>) target(%arg11 : memref<100x128xf32, #tpu.memory_space<vmem>>) offsets(%dma_start3A_81 : memref<100xi32, #tpu.memory_space<vmem>>) semaphore(%arg13 : memref<!tpu.dma_semaphore, #tpu.memory_space<semaphore_mem>>)
    }
    %scan3A_24 = arith.constant 49 : i32
    %dma_wait3A = arith.constant 98 : i32
    %dma_wait3A_25 = arith.constant 0 : i32
    %dma_wait3A_26 = tpu.memref_slice %arg9[%dma_wait3A, %dma_wait3A_25] : memref<100x100xi32, #tpu.memory_space<vmem>> -> memref<1x100xi32, #tpu.memory_space<vmem>>
    %dma_wait3A_27 = tpu.memref_squeeze %dma_wait3A_26 : memref<1x100xi32, #tpu.memory_space<vmem>> -> memref<100xi32, #tpu.memory_space<vmem>>
    %dma_wait3A_28 = arith.constant 0 : i32
    %dma_wait3A_29 = arith.constant 0 : i32
    %dma_wait3A_30 = tpu.memref_slice %arg2[%dma_wait3A_28, %dma_wait3A_29] : memref<40000x128xf32, #tpu.memory_space<hbm>> -> memref<40000x128xf32, #tpu.memory_space<hbm>>
    tpu.wait_indirect_dma semaphore(%arg12 : memref<!tpu.dma_semaphore, #tpu.memory_space<semaphore_mem>>) src(%dma_wait3A_30 : memref<40000x128xf32, #tpu.memory_space<hbm>>) dst(%arg10 : memref<100x128xf32, #tpu.memory_space<vmem>>)
    %run_scoped3A = arith.constant 98 : i32
    "tpu.region"() ({
      %run_scoped3A_50 = tpu.sem_alloc : memref<!tpu.dma_semaphore, #tpu.memory_space<semaphore_mem>>
      %dma_start3A_51 = arith.constant 0 : i32
      %dma_start3A_52 = tpu.memref_slice %arg8[%run_scoped3A, %dma_start3A_51] : memref<100x100xi32, #tpu.memory_space<vmem>> -> memref<1x100xi32, #tpu.memory_space<vmem>>
      %dma_start3A_53 = tpu.memref_squeeze %dma_start3A_52 : memref<1x100xi32, #tpu.memory_space<vmem>> -> memref<100xi32, #tpu.memory_space<vmem>>
      %dma_start3A_54 = arith.constant 0 : i32
      %dma_start3A_55 = arith.constant 0 : i32
      %dma_start3A_56 = tpu.memref_slice %arg7[%dma_start3A_54, %dma_start3A_55] : memref<10000x128xf32, #tpu.memory_space<vmem_shared>> -> memref<10000x128xf32, #tpu.memory_space<vmem_shared>>
      tpu.enqueue_indirect_dma source(%arg10 : memref<100x128xf32, #tpu.memory_space<vmem>>) target(%dma_start3A_56 : memref<10000x128xf32, #tpu.memory_space<vmem_shared>>) offsets(%dma_start3A_53 : memref<100xi32, #tpu.memory_space<vmem>>) semaphore(%run_scoped3A_50 : memref<!tpu.dma_semaphore, #tpu.memory_space<semaphore_mem>>) {add = true}
      %dma_wait3A_57 = arith.constant 0 : i32
      %dma_wait3A_58 = tpu.memref_slice %arg8[%run_scoped3A, %dma_wait3A_57] : memref<100x100xi32, #tpu.memory_space<vmem>> -> memref<1x100xi32, #tpu.memory_space<vmem>>
      %dma_wait3A_59 = tpu.memref_squeeze %dma_wait3A_58 : memref<1x100xi32, #tpu.memory_space<vmem>> -> memref<100xi32, #tpu.memory_space<vmem>>
      %dma_wait3A_60 = arith.constant 0 : i32
      %dma_wait3A_61 = arith.constant 0 : i32
      %dma_wait3A_62 = tpu.memref_slice %arg7[%dma_wait3A_60, %dma_wait3A_61] : memref<10000x128xf32, #tpu.memory_space<vmem_shared>> -> memref<10000x128xf32, #tpu.memory_space<vmem_shared>>
      tpu.wait_indirect_dma semaphore(%run_scoped3A_50 : memref<!tpu.dma_semaphore, #tpu.memory_space<semaphore_mem>>) src(%arg10 : memref<100x128xf32, #tpu.memory_space<vmem>>) dst(%dma_wait3A_62 : memref<10000x128xf32, #tpu.memory_space<vmem_shared>>)
      tpu.yield
    }) : () -> ()
    %dma_wait3A_31 = arith.constant 99 : i32
    %dma_wait3A_32 = arith.constant 0 : i32
    %dma_wait3A_33 = tpu.memref_slice %arg9[%dma_wait3A_31, %dma_wait3A_32] : memref<100x100xi32, #tpu.memory_space<vmem>> -> memref<1x100xi32, #tpu.memory_space<vmem>>
    %dma_wait3A_34 = tpu.memref_squeeze %dma_wait3A_33 : memref<1x100xi32, #tpu.memory_space<vmem>> -> memref<100xi32, #tpu.memory_space<vmem>>
    %dma_wait3A_35 = arith.constant 0 : i32
    %dma_wait3A_36 = arith.constant 0 : i32
    %dma_wait3A_37 = tpu.memref_slice %arg2[%dma_wait3A_35, %dma_wait3A_36] : memref<40000x128xf32, #tpu.memory_space<hbm>> -> memref<40000x128xf32, #tpu.memory_space<hbm>>
    tpu.wait_indirect_dma semaphore(%arg13 : memref<!tpu.dma_semaphore, #tpu.memory_space<semaphore_mem>>) src(%dma_wait3A_37 : memref<40000x128xf32, #tpu.memory_space<hbm>>) dst(%arg11 : memref<100x128xf32, #tpu.memory_space<vmem>>)
    %run_scoped3A_38 = arith.constant 99 : i32
    "tpu.region"() ({
      %run_scoped3A_50 = tpu.sem_alloc : memref<!tpu.dma_semaphore, #tpu.memory_space<semaphore_mem>>
      %dma_start3A_51 = arith.constant 0 : i32
      %dma_start3A_52 = tpu.memref_slice %arg8[%run_scoped3A_38, %dma_start3A_51] : memref<100x100xi32, #tpu.memory_space<vmem>> -> memref<1x100xi32, #tpu.memory_space<vmem>>
      %dma_start3A_53 = tpu.memref_squeeze %dma_start3A_52 : memref<1x100xi32, #tpu.memory_space<vmem>> -> memref<100xi32, #tpu.memory_space<vmem>>
      %dma_start3A_54 = arith.constant 0 : i32
      %dma_start3A_55 = arith.constant 0 : i32
      %dma_start3A_56 = tpu.memref_slice %arg7[%dma_start3A_54, %dma_start3A_55] : memref<10000x128xf32, #tpu.memory_space<vmem_shared>> -> memref<10000x128xf32, #tpu.memory_space<vmem_shared>>
      tpu.enqueue_indirect_dma source(%arg11 : memref<100x128xf32, #tpu.memory_space<vmem>>) target(%dma_start3A_56 : memref<10000x128xf32, #tpu.memory_space<vmem_shared>>) offsets(%dma_start3A_53 : memref<100xi32, #tpu.memory_space<vmem>>) semaphore(%run_scoped3A_50 : memref<!tpu.dma_semaphore, #tpu.memory_space<semaphore_mem>>) {add = true}
      %dma_wait3A_57 = arith.constant 0 : i32
      %dma_wait3A_58 = tpu.memref_slice %arg8[%run_scoped3A_38, %dma_wait3A_57] : memref<100x100xi32, #tpu.memory_space<vmem>> -> memref<1x100xi32, #tpu.memory_space<vmem>>
      %dma_wait3A_59 = tpu.memref_squeeze %dma_wait3A_58 : memref<1x100xi32, #tpu.memory_space<vmem>> -> memref<100xi32, #tpu.memory_space<vmem>>
      %dma_wait3A_60 = arith.constant 0 : i32
      %dma_wait3A_61 = arith.constant 0 : i32
      %dma_wait3A_62 = tpu.memref_slice %arg7[%dma_wait3A_60, %dma_wait3A_61] : memref<10000x128xf32, #tpu.memory_space<vmem_shared>> -> memref<10000x128xf32, #tpu.memory_space<vmem_shared>>
      tpu.wait_indirect_dma semaphore(%run_scoped3A_50 : memref<!tpu.dma_semaphore, #tpu.memory_space<semaphore_mem>>) src(%arg11 : memref<100x128xf32, #tpu.memory_space<vmem>>) dst(%dma_wait3A_62 : memref<10000x128xf32, #tpu.memory_space<vmem_shared>>)
      tpu.yield
    }) : () -> ()
    %barrier3A_39 = arith.constant 0 : index
    tpu.barrier barrier_id(%barrier3A_39)
    %lt3A_40 = arith.constant 15 : i32
    %lt3A_41 = arith.cmpi slt, %arg1, %lt3A_40 : i32
    %convert_element_type3A_42 = arith.extui %lt3A_41 : i1 to i32
    %cond3A_43 = arith.constant 0 : i32
    %cond3A_44 = arith.cmpi ne, %convert_element_type3A_42, %cond3A_43 : i32
    scf.if %cond3A_44 {
      %mul3A_50 = arith.constant 624 : i32
      %mul3A_51 = arith.muli %arg1, %mul3A_50 : i32
      %mul3A_52 = arith.constant 624 : i32
      %mul3A_53 = arith.muli %arg1, %mul3A_52 : i32
      "tpu.region"() ({
        %run_scoped3A_54 = tpu.sem_alloc : memref<!tpu.dma_semaphore, #tpu.memory_space<semaphore_mem>>
        %dma_start3A_55 = arith.constant 0 : i32
        %dma_start3A_56 = tpu.memref_slice %arg6[%arg0, %mul3A_53, %dma_start3A_55] : memref<2x10000x128xf32, #tpu.memory_space<hbm>> -> memref<1x624x128xf32, #tpu.memory_space<hbm>>
        %dma_start3A_57 = tpu.memref_squeeze %dma_start3A_56 : memref<1x624x128xf32, #tpu.memory_space<hbm>> -> memref<624x128xf32, #tpu.memory_space<hbm>>
        %dma_start3A_58 = arith.constant 0 : i32
        %dma_start3A_59 = tpu.memref_slice %arg7[%mul3A_51, %dma_start3A_58] : memref<10000x128xf32, #tpu.memory_space<vmem_shared>> -> memref<624x128xf32, #tpu.memory_space<vmem_shared>>
        tpu.enqueue_dma source(%dma_start3A_59 : memref<624x128xf32, #tpu.memory_space<vmem_shared>>) target(%dma_start3A_57 : memref<624x128xf32, #tpu.memory_space<hbm>>) target_semaphore(%run_scoped3A_54 : memref<!tpu.dma_semaphore, #tpu.memory_space<semaphore_mem>>)
        %dma_wait3A_60 = arith.constant 0 : i32
        %dma_wait3A_61 = tpu.memref_slice %arg6[%arg0, %mul3A_53, %dma_wait3A_60] : memref<2x10000x128xf32, #tpu.memory_space<hbm>> -> memref<1x624x128xf32, #tpu.memory_space<hbm>>
        %dma_wait3A_62 = tpu.memref_squeeze %dma_wait3A_61 : memref<1x624x128xf32, #tpu.memory_space<hbm>> -> memref<624x128xf32, #tpu.memory_space<hbm>>
        %dma_wait3A_63 = arith.constant 0 : i32
        %dma_wait3A_64 = tpu.memref_slice %arg7[%mul3A_51, %dma_wait3A_63] : memref<10000x128xf32, #tpu.memory_space<vmem_shared>> -> memref<624x128xf32, #tpu.memory_space<vmem_shared>>
        tpu.wait_dma2 semaphore(%run_scoped3A_54 : memref<!tpu.dma_semaphore, #tpu.memory_space<semaphore_mem>>) src(%dma_wait3A_64 : memref<624x128xf32, #tpu.memory_space<vmem_shared>>) dst(%dma_wait3A_62 : memref<624x128xf32, #tpu.memory_space<hbm>>)
        tpu.yield
      }) : () -> ()
    } else {
    }
    %eq3A_45 = arith.constant 15 : i32
    %eq3A_46 = arith.cmpi eq, %arg1, %eq3A_45 : i32
    %convert_element_type3A_47 = arith.extui %eq3A_46 : i1 to i32
    %cond3A_48 = arith.constant 0 : i32
    %cond3A_49 = arith.cmpi ne, %convert_element_type3A_47, %cond3A_48 : i32
    scf.if %cond3A_49 {
      "tpu.region"() ({
        %run_scoped3A_50 = tpu.sem_alloc : memref<!tpu.dma_semaphore, #tpu.memory_space<semaphore_mem>>
        %dma_start3A_51 = arith.constant 9360 : i32
        %dma_start3A_52 = arith.constant 0 : i32
        %dma_start3A_53 = tpu.memref_slice %arg6[%arg0, %dma_start3A_51, %dma_start3A_52] : memref<2x10000x128xf32, #tpu.memory_space<hbm>> -> memref<1x640x128xf32, #tpu.memory_space<hbm>>
        %dma_start3A_54 = tpu.memref_squeeze %dma_start3A_53 : memref<1x640x128xf32, #tpu.memory_space<hbm>> -> memref<640x128xf32, #tpu.memory_space<hbm>>
        %dma_start3A_55 = arith.constant 9360 : i32
        %dma_start3A_56 = arith.constant 0 : i32
        %dma_start3A_57 = tpu.memref_slice %arg7[%dma_start3A_55, %dma_start3A_56] : memref<10000x128xf32, #tpu.memory_space<vmem_shared>> -> memref<640x128xf32, #tpu.memory_space<vmem_shared>>
        tpu.enqueue_dma source(%dma_start3A_57 : memref<640x128xf32, #tpu.memory_space<vmem_shared>>) target(%dma_start3A_54 : memref<640x128xf32, #tpu.memory_space<hbm>>) target_semaphore(%run_scoped3A_50 : memref<!tpu.dma_semaphore, #tpu.memory_space<semaphore_mem>>)
        %dma_wait3A_58 = arith.constant 9360 : i32
        %dma_wait3A_59 = arith.constant 0 : i32
        %dma_wait3A_60 = tpu.memref_slice %arg6[%arg0, %dma_wait3A_58, %dma_wait3A_59] : memref<2x10000x128xf32, #tpu.memory_space<hbm>> -> memref<1x640x128xf32, #tpu.memory_space<hbm>>
        %dma_wait3A_61 = tpu.memref_squeeze %dma_wait3A_60 : memref<1x640x128xf32, #tpu.memory_space<hbm>> -> memref<640x128xf32, #tpu.memory_space<hbm>>
        %dma_wait3A_62 = arith.constant 9360 : i32
        %dma_wait3A_63 = arith.constant 0 : i32
        %dma_wait3A_64 = tpu.memref_slice %arg7[%dma_wait3A_62, %dma_wait3A_63] : memref<10000x128xf32, #tpu.memory_space<vmem_shared>> -> memref<640x128xf32, #tpu.memory_space<vmem_shared>>
        tpu.wait_dma2 semaphore(%run_scoped3A_50 : memref<!tpu.dma_semaphore, #tpu.memory_space<semaphore_mem>>) src(%dma_wait3A_64 : memref<640x128xf32, #tpu.memory_space<vmem_shared>>) dst(%dma_wait3A_61 : memref<640x128xf32, #tpu.memory_space<hbm>>)
        tpu.yield
      }) : () -> ()
    } else {
    }
    return
  }
}

#map = affine_map<(d0, d1) -> (0)>
#map1 = affine_map<(d0, d1) -> (0, 0)>
#map2 = affine_map<(d0, d1) -> (0, 0, 0)>
module attributes {stable_mosaic.version = 14 : i64} {
  func.func @_prep(%arg0: i32, %arg1: i32, %arg2: memref<320000xi32, #tpu.memory_space<hbm>>, %arg3: memref<320000xi32, #tpu.memory_space<hbm>>, %arg4: memref<320000xi32, #tpu.memory_space<hbm>>, %arg5: memref<16xf32, #tpu.memory_space<hbm>>, %arg6: memref<640x128xf32, #tpu.memory_space<hbm>>, %arg7: memref<2x80x128xf32, #tpu.memory_space<hbm>>, %arg8: memref<32x10000xi32, #tpu.memory_space<hbm>>, %arg9: memref<10000xi32, #tpu.memory_space<vmem>>, %arg10: memref<80x128xf32, #tpu.memory_space<vmem_shared>>, %arg11: memref<80x128xf32, #tpu.memory_space<vmem>>, %arg12: memref<10000xi32, #tpu.memory_space<vmem>>, %arg13: memref<16xf32, #tpu.memory_space<vmem>>, %arg14: memref<10000xi32, #tpu.memory_space<vmem>>, %arg15: memref<80xi32, #tpu.memory_space<vmem>>, %arg16: memref<10000xi32, #tpu.memory_space<vmem>>) attributes {dimension_semantics = [#tpu.dimension_semantics<core_parallel>, #tpu.dimension_semantics<subcore_parallel>], iteration_bounds = array<i64: 2, 16>, scalar_prefetch = 0 : i64, scratch_operands = 8 : i64, tpu.core_type = #tpu.core_type<sc_vector_subcore>, window_params = [{transform_indices = #map}, {transform_indices = #map}, {transform_indices = #map}, {transform_indices = #map}, {transform_indices = #map1}, {transform_indices = #map2}, {transform_indices = #map1}]} {
    %mul3A = arith.constant 16 : i32
    %mul3A_0 = arith.muli %arg0, %mul3A : i32
    %add3A = arith.addi %mul3A_0, %arg1 : i32
    %mul3A_1 = arith.constant 10000 : i32
    %mul3A_2 = arith.muli %add3A, %mul3A_1 : i32
    "tpu.region"() ({
      %run_scoped3A = tpu.sem_alloc : memref<!tpu.dma_semaphore, #tpu.memory_space<semaphore_mem>>
      %dma_start3A = tpu.memref_slice %arg2[%mul3A_2] : memref<320000xi32, #tpu.memory_space<hbm>> -> memref<10000xi32, #tpu.memory_space<hbm>>
      %dma_start3A_49 = tpu.memref_slice %arg2[%mul3A_2] : memref<320000xi32, #tpu.memory_space<hbm>> -> memref<10000xi32, #tpu.memory_space<hbm>>
      tpu.enqueue_dma source(%dma_start3A_49 : memref<10000xi32, #tpu.memory_space<hbm>>) target(%arg16 : memref<10000xi32, #tpu.memory_space<vmem>>) target_semaphore(%run_scoped3A : memref<!tpu.dma_semaphore, #tpu.memory_space<semaphore_mem>>)
      %dma_wait3A = tpu.memref_slice %arg2[%mul3A_2] : memref<320000xi32, #tpu.memory_space<hbm>> -> memref<10000xi32, #tpu.memory_space<hbm>>
      %dma_wait3A_50 = tpu.memref_slice %arg2[%mul3A_2] : memref<320000xi32, #tpu.memory_space<hbm>> -> memref<10000xi32, #tpu.memory_space<hbm>>
      tpu.wait_dma2 semaphore(%run_scoped3A : memref<!tpu.dma_semaphore, #tpu.memory_space<semaphore_mem>>) src(%dma_wait3A_50 : memref<10000xi32, #tpu.memory_space<hbm>>) dst(%arg16 : memref<10000xi32, #tpu.memory_space<vmem>>)
      tpu.yield
    }) : () -> ()
    "tpu.region"() ({
      %run_scoped3A = tpu.sem_alloc : memref<!tpu.dma_semaphore, #tpu.memory_space<semaphore_mem>>
      %dma_start3A = tpu.memref_slice %arg3[%mul3A_2] : memref<320000xi32, #tpu.memory_space<hbm>> -> memref<10000xi32, #tpu.memory_space<hbm>>
      %dma_start3A_49 = tpu.memref_slice %arg3[%mul3A_2] : memref<320000xi32, #tpu.memory_space<hbm>> -> memref<10000xi32, #tpu.memory_space<hbm>>
      tpu.enqueue_dma source(%dma_start3A_49 : memref<10000xi32, #tpu.memory_space<hbm>>) target(%arg9 : memref<10000xi32, #tpu.memory_space<vmem>>) target_semaphore(%run_scoped3A : memref<!tpu.dma_semaphore, #tpu.memory_space<semaphore_mem>>)
      %dma_wait3A = tpu.memref_slice %arg3[%mul3A_2] : memref<320000xi32, #tpu.memory_space<hbm>> -> memref<10000xi32, #tpu.memory_space<hbm>>
      %dma_wait3A_50 = tpu.memref_slice %arg3[%mul3A_2] : memref<320000xi32, #tpu.memory_space<hbm>> -> memref<10000xi32, #tpu.memory_space<hbm>>
      tpu.wait_dma2 semaphore(%run_scoped3A : memref<!tpu.dma_semaphore, #tpu.memory_space<semaphore_mem>>) src(%dma_wait3A_50 : memref<10000xi32, #tpu.memory_space<hbm>>) dst(%arg9 : memref<10000xi32, #tpu.memory_space<vmem>>)
      tpu.yield
    }) : () -> ()
    "tpu.region"() ({
      %run_scoped3A = tpu.sem_alloc : memref<!tpu.dma_semaphore, #tpu.memory_space<semaphore_mem>>
      %dma_start3A = tpu.memref_slice %arg4[%mul3A_2] : memref<320000xi32, #tpu.memory_space<hbm>> -> memref<10000xi32, #tpu.memory_space<hbm>>
      %dma_start3A_49 = tpu.memref_slice %arg4[%mul3A_2] : memref<320000xi32, #tpu.memory_space<hbm>> -> memref<10000xi32, #tpu.memory_space<hbm>>
      tpu.enqueue_dma source(%dma_start3A_49 : memref<10000xi32, #tpu.memory_space<hbm>>) target(%arg12 : memref<10000xi32, #tpu.memory_space<vmem>>) target_semaphore(%run_scoped3A : memref<!tpu.dma_semaphore, #tpu.memory_space<semaphore_mem>>)
      %dma_wait3A = tpu.memref_slice %arg4[%mul3A_2] : memref<320000xi32, #tpu.memory_space<hbm>> -> memref<10000xi32, #tpu.memory_space<hbm>>
      %dma_wait3A_50 = tpu.memref_slice %arg4[%mul3A_2] : memref<320000xi32, #tpu.memory_space<hbm>> -> memref<10000xi32, #tpu.memory_space<hbm>>
      tpu.wait_dma2 semaphore(%run_scoped3A : memref<!tpu.dma_semaphore, #tpu.memory_space<semaphore_mem>>) src(%dma_wait3A_50 : memref<10000xi32, #tpu.memory_space<hbm>>) dst(%arg12 : memref<10000xi32, #tpu.memory_space<vmem>>)
      tpu.yield
    }) : () -> ()
    "tpu.region"() ({
      %run_scoped3A = tpu.sem_alloc : memref<!tpu.dma_semaphore, #tpu.memory_space<semaphore_mem>>
      tpu.enqueue_dma source(%arg5 : memref<16xf32, #tpu.memory_space<hbm>>) target(%arg13 : memref<16xf32, #tpu.memory_space<vmem>>) target_semaphore(%run_scoped3A : memref<!tpu.dma_semaphore, #tpu.memory_space<semaphore_mem>>)
      tpu.wait_dma2 semaphore(%run_scoped3A : memref<!tpu.dma_semaphore, #tpu.memory_space<semaphore_mem>>) src(%arg5 : memref<16xf32, #tpu.memory_space<hbm>>) dst(%arg13 : memref<16xf32, #tpu.memory_space<vmem>>)
      tpu.yield
    }) : () -> ()
    "tpu.region"() ({
      %run_scoped3A = tpu.sem_alloc : memref<!tpu.dma_semaphore, #tpu.memory_space<semaphore_mem>>
      %dma_start3A = arith.constant 0 : i32
      %dma_start3A_49 = arith.constant 0 : i32
      %dma_start3A_50 = tpu.memref_slice %arg6[%dma_start3A, %dma_start3A_49] : memref<640x128xf32, #tpu.memory_space<hbm>> -> memref<80x128xf32, #tpu.memory_space<hbm>>
      %dma_start3A_51 = arith.constant 0 : i32
      %dma_start3A_52 = arith.constant 0 : i32
      %dma_start3A_53 = tpu.memref_slice %arg6[%dma_start3A_51, %dma_start3A_52] : memref<640x128xf32, #tpu.memory_space<hbm>> -> memref<80x128xf32, #tpu.memory_space<hbm>>
      tpu.enqueue_dma source(%dma_start3A_53 : memref<80x128xf32, #tpu.memory_space<hbm>>) target(%arg11 : memref<80x128xf32, #tpu.memory_space<vmem>>) target_semaphore(%run_scoped3A : memref<!tpu.dma_semaphore, #tpu.memory_space<semaphore_mem>>)
      %dma_wait3A = arith.constant 0 : i32
      %dma_wait3A_54 = arith.constant 0 : i32
      %dma_wait3A_55 = tpu.memref_slice %arg6[%dma_wait3A, %dma_wait3A_54] : memref<640x128xf32, #tpu.memory_space<hbm>> -> memref<80x128xf32, #tpu.memory_space<hbm>>
      %dma_wait3A_56 = arith.constant 0 : i32
      %dma_wait3A_57 = arith.constant 0 : i32
      %dma_wait3A_58 = tpu.memref_slice %arg6[%dma_wait3A_56, %dma_wait3A_57] : memref<640x128xf32, #tpu.memory_space<hbm>> -> memref<80x128xf32, #tpu.memory_space<hbm>>
      tpu.wait_dma2 semaphore(%run_scoped3A : memref<!tpu.dma_semaphore, #tpu.memory_space<semaphore_mem>>) src(%dma_wait3A_58 : memref<80x128xf32, #tpu.memory_space<hbm>>) dst(%arg11 : memref<80x128xf32, #tpu.memory_space<vmem>>)
      tpu.yield
    }) : () -> ()
    %lt3A = arith.constant 10 : i32
    %lt3A_3 = arith.cmpi slt, %arg1, %lt3A : i32
    %convert_element_type3A = arith.extui %lt3A_3 : i1 to i32
    %cond3A = arith.constant 0 : i32
    %cond3A_4 = arith.cmpi ne, %convert_element_type3A, %cond3A : i32
    scf.if %cond3A_4 {
      %mul3A_49 = arith.constant 8 : i32
      %mul3A_50 = arith.muli %arg1, %mul3A_49 : i32
      "tpu.region"() ({
        %run_scoped3A = tpu.sem_alloc : memref<!tpu.dma_semaphore, #tpu.memory_space<semaphore_mem>>
        %dma_start3A = arith.constant 0 : i32
        %dma_start3A_51 = tpu.memref_slice %arg10[%mul3A_50, %dma_start3A] : memref<80x128xf32, #tpu.memory_space<vmem_shared>> -> memref<8x128xf32, #tpu.memory_space<vmem_shared>>
        %dma_start3A_52 = arith.constant 0 : i32
        %dma_start3A_53 = arith.constant 0 : i32
        %dma_start3A_54 = tpu.memref_slice %arg6[%dma_start3A_52, %dma_start3A_53] : memref<640x128xf32, #tpu.memory_space<hbm>> -> memref<8x128xf32, #tpu.memory_space<hbm>>
        tpu.enqueue_dma source(%dma_start3A_54 : memref<8x128xf32, #tpu.memory_space<hbm>>) target(%dma_start3A_51 : memref<8x128xf32, #tpu.memory_space<vmem_shared>>) target_semaphore(%run_scoped3A : memref<!tpu.dma_semaphore, #tpu.memory_space<semaphore_mem>>)
        %dma_wait3A = arith.constant 0 : i32
        %dma_wait3A_55 = tpu.memref_slice %arg10[%mul3A_50, %dma_wait3A] : memref<80x128xf32, #tpu.memory_space<vmem_shared>> -> memref<8x128xf32, #tpu.memory_space<vmem_shared>>
        %dma_wait3A_56 = arith.constant 0 : i32
        %dma_wait3A_57 = arith.constant 0 : i32
        %dma_wait3A_58 = tpu.memref_slice %arg6[%dma_wait3A_56, %dma_wait3A_57] : memref<640x128xf32, #tpu.memory_space<hbm>> -> memref<8x128xf32, #tpu.memory_space<hbm>>
        tpu.wait_dma2 semaphore(%run_scoped3A : memref<!tpu.dma_semaphore, #tpu.memory_space<semaphore_mem>>) src(%dma_wait3A_58 : memref<8x128xf32, #tpu.memory_space<hbm>>) dst(%dma_wait3A_55 : memref<8x128xf32, #tpu.memory_space<vmem_shared>>)
        tpu.yield
      }) : () -> ()
    } else {
    }
    %iota3A = tpu.iota {dimensions = array<i32: 0>} : vector<16xi32>
    %add3A_5 = arith.constant 0 : i32
    %add3A_6 = vector.broadcast %add3A_5 : i32 to vector<16xi32>
    %add3A_7 = arith.addi %iota3A, %add3A_6 : vector<16xi32>
    %swap3A = arith.constant 0 : index
    %swap3A_8 = tpu.vector_load %arg15[%swap3A] {strides = array<i32>} : memref<80xi32, #tpu.memory_space<vmem>>, vector<16xi32>,
    tpu.vector_store %arg15[%swap3A], %add3A_7 {strides = array<i32>} : memref<80xi32, #tpu.memory_space<vmem>>, vector<16xi32>,
    %iota3A_9 = tpu.iota {dimensions = array<i32: 0>} : vector<16xi32>
    %add3A_10 = arith.constant 16 : i32
    %add3A_11 = vector.broadcast %add3A_10 : i32 to vector<16xi32>
    %add3A_12 = arith.addi %iota3A_9, %add3A_11 : vector<16xi32>
    %swap3A_13 = arith.constant 16 : index
    %swap3A_14 = tpu.vector_load %arg15[%swap3A_13] {strides = array<i32>} : memref<80xi32, #tpu.memory_space<vmem>>, vector<16xi32>,
    tpu.vector_store %arg15[%swap3A_13], %add3A_12 {strides = array<i32>} : memref<80xi32, #tpu.memory_space<vmem>>, vector<16xi32>,
    %iota3A_15 = tpu.iota {dimensions = array<i32: 0>} : vector<16xi32>
    %add3A_16 = arith.constant 32 : i32
    %add3A_17 = vector.broadcast %add3A_16 : i32 to vector<16xi32>
    %add3A_18 = arith.addi %iota3A_15, %add3A_17 : vector<16xi32>
    %swap3A_19 = arith.constant 32 : index
    %swap3A_20 = tpu.vector_load %arg15[%swap3A_19] {strides = array<i32>} : memref<80xi32, #tpu.memory_space<vmem>>, vector<16xi32>,
    tpu.vector_store %arg15[%swap3A_19], %add3A_18 {strides = array<i32>} : memref<80xi32, #tpu.memory_space<vmem>>, vector<16xi32>,
    %iota3A_21 = tpu.iota {dimensions = array<i32: 0>} : vector<16xi32>
    %add3A_22 = arith.constant 48 : i32
    %add3A_23 = vector.broadcast %add3A_22 : i32 to vector<16xi32>
    %add3A_24 = arith.addi %iota3A_21, %add3A_23 : vector<16xi32>
    %swap3A_25 = arith.constant 48 : index
    %swap3A_26 = tpu.vector_load %arg15[%swap3A_25] {strides = array<i32>} : memref<80xi32, #tpu.memory_space<vmem>>, vector<16xi32>,
    tpu.vector_store %arg15[%swap3A_25], %add3A_24 {strides = array<i32>} : memref<80xi32, #tpu.memory_space<vmem>>, vector<16xi32>,
    %iota3A_27 = tpu.iota {dimensions = array<i32: 0>} : vector<16xi32>
    %add3A_28 = arith.constant 64 : i32
    %add3A_29 = vector.broadcast %add3A_28 : i32 to vector<16xi32>
    %add3A_30 = arith.addi %iota3A_27, %add3A_29 : vector<16xi32>
    %swap3A_31 = arith.constant 64 : index
    %swap3A_32 = tpu.vector_load %arg15[%swap3A_31] {strides = array<i32>} : memref<80xi32, #tpu.memory_space<vmem>>, vector<16xi32>,
    tpu.vector_store %arg15[%swap3A_31], %add3A_30 {strides = array<i32>} : memref<80xi32, #tpu.memory_space<vmem>>, vector<16xi32>,
    %get3A = arith.constant 0 : index
    %get3A_33 = tpu.vector_load %arg13[%get3A] {strides = array<i32>} : memref<16xf32, #tpu.memory_space<vmem>>, vector<16xf32>,
    %slice3A = vector.extract_strided_slice %get3A_33 {offsets = [0], sizes = [1], strides = [1]} : vector<16xf32> to vector<1xf32>
    %squeeze3A = vector.extract %slice3A[0] : f32 from vector<1xf32>
    %slice3A_34 = vector.extract_strided_slice %get3A_33 {offsets = [1], sizes = [1], strides = [1]} : vector<16xf32> to vector<1xf32>
    %squeeze3A_35 = vector.extract %slice3A_34[0] : f32 from vector<1xf32>
    %slice3A_36 = vector.extract_strided_slice %get3A_33 {offsets = [2], sizes = [1], strides = [1]} : vector<16xf32> to vector<1xf32>
    %squeeze3A_37 = vector.extract %slice3A_36[0] : f32 from vector<1xf32>
    %scan3A = arith.constant 0 : i32
    %scan3A_38 = arith.constant 0 : i32
    %scan3A_39 = arith.constant 625 : i32
    %scan3A_40 = arith.addi %scan3A_38, %scan3A_39 : i32
    %scan3A_41 = arith.constant 1 : i32
    scf.for %scan3A_49 = %scan3A_38 to %scan3A_40 step %scan3A_41  : i32 {
      %mul3A_50 = arith.constant 16 : i32
      %mul3A_51 = arith.muli %scan3A_49, %mul3A_50 : i32
      %get3A_52 = arith.index_cast %mul3A_51 : i32 to index
      %get3A_53 = tpu.vector_load %arg16[%get3A_52] {strides = array<i32>} : memref<10000xi32, #tpu.memory_space<vmem>>, vector<16xi32>,
      %mul3A_54 = arith.constant 16 : i32
      %mul3A_55 = arith.muli %scan3A_49, %mul3A_54 : i32
      %get3A_56 = arith.index_cast %mul3A_55 : i32 to index
      %get3A_57 = tpu.vector_load %arg9[%get3A_56] {strides = array<i32>} : memref<10000xi32, #tpu.memory_space<vmem>>, vector<16xi32>,
      %mul3A_58 = arith.constant 16 : i32
      %mul3A_59 = arith.muli %scan3A_49, %mul3A_58 : i32
      %get3A_60 = arith.index_cast %mul3A_59 : i32 to index
      %get3A_61 = tpu.vector_load %arg12[%get3A_60] {strides = array<i32>} : memref<10000xi32, #tpu.memory_space<vmem>>, vector<16xi32>,
      %mul3A_62 = arith.constant 10000 : i32
      %mul3A_63 = vector.broadcast %mul3A_62 : i32 to vector<16xi32>
      %mul3A_64 = arith.muli %get3A_57, %mul3A_63 : vector<16xi32>
      %add3A_65 = arith.addi %mul3A_64, %get3A_53 : vector<16xi32>
      %mul3A_66 = arith.constant 16 : i32
      %mul3A_67 = arith.muli %scan3A_49, %mul3A_66 : i32
      %swap3A_68 = arith.index_cast %mul3A_67 : i32 to index
      %swap3A_69 = tpu.vector_load %arg14[%swap3A_68] {strides = array<i32>} : memref<10000xi32, #tpu.memory_space<vmem>>, vector<16xi32>,
      tpu.vector_store %arg14[%swap3A_68], %add3A_65 {strides = array<i32>} : memref<10000xi32, #tpu.memory_space<vmem>>, vector<16xi32>,
      %eq3A = arith.constant 0 : i32
      %eq3A_70 = vector.broadcast %eq3A : i32 to vector<16xi32>
      %eq3A_71 = arith.cmpi eq, %get3A_57, %eq3A_70 : vector<16xi32>
      %eq3A_72 = arith.constant 1 : i32
      %eq3A_73 = vector.broadcast %eq3A_72 : i32 to vector<16xi32>
      %eq3A_74 = arith.cmpi eq, %get3A_57, %eq3A_73 : vector<16xi32>
      %broadcast_in_dim3A = vector.broadcast %squeeze3A_35 : f32 to vector<16xf32>
      %broadcast_in_dim3A_75 = vector.broadcast %squeeze3A_37 : f32 to vector<16xf32>
      %select_n3A = arith.select %eq3A_74, %broadcast_in_dim3A, %broadcast_in_dim3A_75 : vector<16xi1>, vector<16xf32>
      %broadcast_in_dim3A_76 = vector.broadcast %squeeze3A : f32 to vector<16xf32>
      %select_n3A_77 = arith.select %eq3A_71, %broadcast_in_dim3A_76, %select_n3A : vector<16xi1>, vector<16xf32>
      %shift_right_logical3A = arith.constant 7 : i32
      %shift_right_logical3A_78 = vector.broadcast %shift_right_logical3A : i32 to vector<16xi32>
      %shift_right_logical3A_79 = arith.shrui %get3A_61, %shift_right_logical3A_78 : vector<16xi32>
      %and3A = arith.constant 127 : i32
      %and3A_80 = vector.broadcast %and3A : i32 to vector<16xi32>
      %and3A_81 = arith.andi %get3A_61, %and3A_80 : vector<16xi32>
      tpu.vector_store_idx %arg11[%shift_right_logical3A_79, %and3A_81], %select_n3A_77 {add = true} : memref<80x128xf32, #tpu.memory_space<vmem>>[vector<16xi32>, vector<16xi32>], vector<16xf32>,
    }
    %scan3A_42 = arith.constant 625 : i32
    "tpu.region"() ({
      %run_scoped3A = tpu.sem_alloc : memref<!tpu.dma_semaphore, #tpu.memory_space<semaphore_mem>>
      %dma_start3A = arith.constant 0 : i32
      %dma_start3A_49 = tpu.memref_slice %arg8[%add3A, %dma_start3A] : memref<32x10000xi32, #tpu.memory_space<hbm>> -> memref<1x10000xi32, #tpu.memory_space<hbm>>
      %dma_start3A_50 = tpu.memref_squeeze %dma_start3A_49 : memref<1x10000xi32, #tpu.memory_space<hbm>> -> memref<10000xi32, #tpu.memory_space<hbm>>
      %dma_start3A_51 = arith.constant 0 : i32
      %dma_start3A_52 = tpu.memref_slice %arg8[%add3A, %dma_start3A_51] : memref<32x10000xi32, #tpu.memory_space<hbm>> -> memref<1x10000xi32, #tpu.memory_space<hbm>>
      %dma_start3A_53 = tpu.memref_squeeze %dma_start3A_52 : memref<1x10000xi32, #tpu.memory_space<hbm>> -> memref<10000xi32, #tpu.memory_space<hbm>>
      tpu.enqueue_dma source(%arg14 : memref<10000xi32, #tpu.memory_space<vmem>>) target(%dma_start3A_53 : memref<10000xi32, #tpu.memory_space<hbm>>) target_semaphore(%run_scoped3A : memref<!tpu.dma_semaphore, #tpu.memory_space<semaphore_mem>>)
      %dma_wait3A = arith.constant 0 : i32
      %dma_wait3A_54 = tpu.memref_slice %arg8[%add3A, %dma_wait3A] : memref<32x10000xi32, #tpu.memory_space<hbm>> -> memref<1x10000xi32, #tpu.memory_space<hbm>>
      %dma_wait3A_55 = tpu.memref_squeeze %dma_wait3A_54 : memref<1x10000xi32, #tpu.memory_space<hbm>> -> memref<10000xi32, #tpu.memory_space<hbm>>
      %dma_wait3A_56 = arith.constant 0 : i32
      %dma_wait3A_57 = tpu.memref_slice %arg8[%add3A, %dma_wait3A_56] : memref<32x10000xi32, #tpu.memory_space<hbm>> -> memref<1x10000xi32, #tpu.memory_space<hbm>>
      %dma_wait3A_58 = tpu.memref_squeeze %dma_wait3A_57 : memref<1x10000xi32, #tpu.memory_space<hbm>> -> memref<10000xi32, #tpu.memory_space<hbm>>
      tpu.wait_dma2 semaphore(%run_scoped3A : memref<!tpu.dma_semaphore, #tpu.memory_space<semaphore_mem>>) src(%arg14 : memref<10000xi32, #tpu.memory_space<vmem>>) dst(%dma_wait3A_58 : memref<10000xi32, #tpu.memory_space<hbm>>)
      tpu.yield
    }) : () -> ()
    %barrier3A = arith.constant 0 : index
    tpu.barrier barrier_id(%barrier3A)
    "tpu.region"() ({
      %run_scoped3A = tpu.sem_alloc : memref<!tpu.dma_semaphore, #tpu.memory_space<semaphore_mem>>
      %dma_start3A = arith.constant 0 : i32
      %dma_start3A_49 = arith.constant 0 : i32
      %dma_start3A_50 = tpu.memref_slice %arg10[%dma_start3A, %dma_start3A_49] : memref<80x128xf32, #tpu.memory_space<vmem_shared>> -> memref<80x128xf32, #tpu.memory_space<vmem_shared>>
      tpu.enqueue_indirect_dma source(%arg11 : memref<80x128xf32, #tpu.memory_space<vmem>>) target(%dma_start3A_50 : memref<80x128xf32, #tpu.memory_space<vmem_shared>>) offsets(%arg15 : memref<80xi32, #tpu.memory_space<vmem>>) semaphore(%run_scoped3A : memref<!tpu.dma_semaphore, #tpu.memory_space<semaphore_mem>>) {add = true}
      %dma_wait3A = arith.constant 0 : i32
      %dma_wait3A_51 = arith.constant 0 : i32
      %dma_wait3A_52 = tpu.memref_slice %arg10[%dma_wait3A, %dma_wait3A_51] : memref<80x128xf32, #tpu.memory_space<vmem_shared>> -> memref<80x128xf32, #tpu.memory_space<vmem_shared>>
      tpu.wait_indirect_dma semaphore(%run_scoped3A : memref<!tpu.dma_semaphore, #tpu.memory_space<semaphore_mem>>) src(%arg11 : memref<80x128xf32, #tpu.memory_space<vmem>>) dst(%dma_wait3A_52 : memref<80x128xf32, #tpu.memory_space<vmem_shared>>)
      tpu.yield
    }) : () -> ()
    %barrier3A_43 = arith.constant 0 : index
    tpu.barrier barrier_id(%barrier3A_43)
    %lt3A_44 = arith.constant 10 : i32
    %lt3A_45 = arith.cmpi slt, %arg1, %lt3A_44 : i32
    %convert_element_type3A_46 = arith.extui %lt3A_45 : i1 to i32
    %cond3A_47 = arith.constant 0 : i32
    %cond3A_48 = arith.cmpi ne, %convert_element_type3A_46, %cond3A_47 : i32
    scf.if %cond3A_48 {
      %mul3A_49 = arith.constant 8 : i32
      %mul3A_50 = arith.muli %arg1, %mul3A_49 : i32
      %mul3A_51 = arith.constant 8 : i32
      %mul3A_52 = arith.muli %arg1, %mul3A_51 : i32
      "tpu.region"() ({
        %run_scoped3A = tpu.sem_alloc : memref<!tpu.dma_semaphore, #tpu.memory_space<semaphore_mem>>
        %dma_start3A = arith.constant 0 : i32
        %dma_start3A_53 = tpu.memref_slice %arg7[%arg0, %mul3A_52, %dma_start3A] : memref<2x80x128xf32, #tpu.memory_space<hbm>> -> memref<1x8x128xf32, #tpu.memory_space<hbm>>
        %dma_start3A_54 = tpu.memref_squeeze %dma_start3A_53 : memref<1x8x128xf32, #tpu.memory_space<hbm>> -> memref<8x128xf32, #tpu.memory_space<hbm>>
        %dma_start3A_55 = arith.constant 0 : i32
        %dma_start3A_56 = tpu.memref_slice %arg10[%mul3A_50, %dma_start3A_55] : memref<80x128xf32, #tpu.memory_space<vmem_shared>> -> memref<8x128xf32, #tpu.memory_space<vmem_shared>>
        tpu.enqueue_dma source(%dma_start3A_56 : memref<8x128xf32, #tpu.memory_space<vmem_shared>>) target(%dma_start3A_54 : memref<8x128xf32, #tpu.memory_space<hbm>>) target_semaphore(%run_scoped3A : memref<!tpu.dma_semaphore, #tpu.memory_space<semaphore_mem>>)
        %dma_wait3A = arith.constant 0 : i32
        %dma_wait3A_57 = tpu.memref_slice %arg7[%arg0, %mul3A_52, %dma_wait3A] : memref<2x80x128xf32, #tpu.memory_space<hbm>> -> memref<1x8x128xf32, #tpu.memory_space<hbm>>
        %dma_wait3A_58 = tpu.memref_squeeze %dma_wait3A_57 : memref<1x8x128xf32, #tpu.memory_space<hbm>> -> memref<8x128xf32, #tpu.memory_space<hbm>>
        %dma_wait3A_59 = arith.constant 0 : i32
        %dma_wait3A_60 = tpu.memref_slice %arg10[%mul3A_50, %dma_wait3A_59] : memref<80x128xf32, #tpu.memory_space<vmem_shared>> -> memref<8x128xf32, #tpu.memory_space<vmem_shared>>
        tpu.wait_dma2 semaphore(%run_scoped3A : memref<!tpu.dma_semaphore, #tpu.memory_space<semaphore_mem>>) src(%dma_wait3A_60 : memref<8x128xf32, #tpu.memory_space<vmem_shared>>) dst(%dma_wait3A_58 : memref<8x128xf32, #tpu.memory_space<hbm>>)
        tpu.yield
      }) : () -> ()
    } else {
    }
    return
  }
}

#map = affine_map<(d0, d1) -> (0, 0)>
#map1 = affine_map<(d0, d1) -> (0, 0, 0)>
module attributes {stable_mosaic.version = 14 : i64} {
  func.func @_spmm(%arg0: i32, %arg1: i32, %arg2: memref<40000x128xf32, #tpu.memory_space<hbm>>, %arg3: memref<32x100x100xi32, #tpu.memory_space<hbm>>, %arg4: memref<32x100x100xi32, #tpu.memory_space<hbm>>, %arg5: memref<640x128xf32, #tpu.memory_space<hbm>>, %arg6: memref<2x10000x128xf32, #tpu.memory_space<hbm>>, %arg7: memref<10000x128xf32, #tpu.memory_space<vmem_shared>>, %arg8: memref<100x100xi32, #tpu.memory_space<vmem>>, %arg9: memref<100x100xi32, #tpu.memory_space<vmem>>, %arg10: memref<100x128xf32, #tpu.memory_space<vmem>>, %arg11: memref<100x128xf32, #tpu.memory_space<vmem>>, %arg12: memref<!tpu.dma_semaphore, #tpu.memory_space<semaphore_mem>>, %arg13: memref<!tpu.dma_semaphore, #tpu.memory_space<semaphore_mem>>) attributes {dimension_semantics = [#tpu.dimension_semantics<core_parallel>, #tpu.dimension_semantics<subcore_parallel>], iteration_bounds = array<i64: 2, 16>, scalar_prefetch = 0 : i64, scratch_operands = 7 : i64, tpu.core_type = #tpu.core_type<sc_vector_subcore>, window_params = [{transform_indices = #map}, {transform_indices = #map1}, {transform_indices = #map1}, {transform_indices = #map}, {transform_indices = #map1}]} {
    %mul3A = arith.constant 16 : i32
    %mul3A_0 = arith.muli %arg0, %mul3A : i32
    %add3A = arith.addi %mul3A_0, %arg1 : i32
    "tpu.region"() ({
      %run_scoped3A_50 = tpu.sem_alloc : memref<!tpu.dma_semaphore, #tpu.memory_space<semaphore_mem>>
      %dma_start3A_51 = arith.constant 0 : i32
      %dma_start3A_52 = arith.constant 0 : i32
      %dma_start3A_53 = tpu.memref_slice %arg3[%add3A, %dma_start3A_51, %dma_start3A_52] : memref<32x100x100xi32, #tpu.memory_space<hbm>> -> memref<1x100x100xi32, #tpu.memory_space<hbm>>
      %dma_start3A_54 = tpu.memref_squeeze %dma_start3A_53 : memref<1x100x100xi32, #tpu.memory_space<hbm>> -> memref<100x100xi32, #tpu.memory_space<hbm>>
      %dma_start3A_55 = arith.constant 0 : i32
      %dma_start3A_56 = arith.constant 0 : i32
      %dma_start3A_57 = tpu.memref_slice %arg3[%add3A, %dma_start3A_55, %dma_start3A_56] : memref<32x100x100xi32, #tpu.memory_space<hbm>> -> memref<1x100x100xi32, #tpu.memory_space<hbm>>
      %dma_start3A_58 = tpu.memref_squeeze %dma_start3A_57 : memref<1x100x100xi32, #tpu.memory_space<hbm>> -> memref<100x100xi32, #tpu.memory_space<hbm>>
      tpu.enqueue_dma source(%dma_start3A_58 : memref<100x100xi32, #tpu.memory_space<hbm>>) target(%arg9 : memref<100x100xi32, #tpu.memory_space<vmem>>) target_semaphore(%run_scoped3A_50 : memref<!tpu.dma_semaphore, #tpu.memory_space<semaphore_mem>>)
      %dma_wait3A_59 = arith.constant 0 : i32
      %dma_wait3A_60 = arith.constant 0 : i32
      %dma_wait3A_61 = tpu.memref_slice %arg3[%add3A, %dma_wait3A_59, %dma_wait3A_60] : memref<32x100x100xi32, #tpu.memory_space<hbm>> -> memref<1x100x100xi32, #tpu.memory_space<hbm>>
      %dma_wait3A_62 = tpu.memref_squeeze %dma_wait3A_61 : memref<1x100x100xi32, #tpu.memory_space<hbm>> -> memref<100x100xi32, #tpu.memory_space<hbm>>
      %dma_wait3A_63 = arith.constant 0 : i32
      %dma_wait3A_64 = arith.constant 0 : i32
      %dma_wait3A_65 = tpu.memref_slice %arg3[%add3A, %dma_wait3A_63, %dma_wait3A_64] : memref<32x100x100xi32, #tpu.memory_space<hbm>> -> memref<1x100x100xi32, #tpu.memory_space<hbm>>
      %dma_wait3A_66 = tpu.memref_squeeze %dma_wait3A_65 : memref<1x100x100xi32, #tpu.memory_space<hbm>> -> memref<100x100xi32, #tpu.memory_space<hbm>>
      tpu.wait_dma2 semaphore(%run_scoped3A_50 : memref<!tpu.dma_semaphore, #tpu.memory_space<semaphore_mem>>) src(%dma_wait3A_66 : memref<100x100xi32, #tpu.memory_space<hbm>>) dst(%arg9 : memref<100x100xi32, #tpu.memory_space<vmem>>)
      tpu.yield
    }) : () -> ()
    "tpu.region"() ({
      %run_scoped3A_50 = tpu.sem_alloc : memref<!tpu.dma_semaphore, #tpu.memory_space<semaphore_mem>>
      %dma_start3A_51 = arith.constant 0 : i32
      %dma_start3A_52 = arith.constant 0 : i32
      %dma_start3A_53 = tpu.memref_slice %arg4[%add3A, %dma_start3A_51, %dma_start3A_52] : memref<32x100x100xi32, #tpu.memory_space<hbm>> -> memref<1x100x100xi32, #tpu.memory_space<hbm>>
      %dma_start3A_54 = tpu.memref_squeeze %dma_start3A_53 : memref<1x100x100xi32, #tpu.memory_space<hbm>> -> memref<100x100xi32, #tpu.memory_space<hbm>>
      %dma_start3A_55 = arith.constant 0 : i32
      %dma_start3A_56 = arith.constant 0 : i32
      %dma_start3A_57 = tpu.memref_slice %arg4[%add3A, %dma_start3A_55, %dma_start3A_56] : memref<32x100x100xi32, #tpu.memory_space<hbm>> -> memref<1x100x100xi32, #tpu.memory_space<hbm>>
      %dma_start3A_58 = tpu.memref_squeeze %dma_start3A_57 : memref<1x100x100xi32, #tpu.memory_space<hbm>> -> memref<100x100xi32, #tpu.memory_space<hbm>>
      tpu.enqueue_dma source(%dma_start3A_58 : memref<100x100xi32, #tpu.memory_space<hbm>>) target(%arg8 : memref<100x100xi32, #tpu.memory_space<vmem>>) target_semaphore(%run_scoped3A_50 : memref<!tpu.dma_semaphore, #tpu.memory_space<semaphore_mem>>)
      %dma_wait3A_59 = arith.constant 0 : i32
      %dma_wait3A_60 = arith.constant 0 : i32
      %dma_wait3A_61 = tpu.memref_slice %arg4[%add3A, %dma_wait3A_59, %dma_wait3A_60] : memref<32x100x100xi32, #tpu.memory_space<hbm>> -> memref<1x100x100xi32, #tpu.memory_space<hbm>>
      %dma_wait3A_62 = tpu.memref_squeeze %dma_wait3A_61 : memref<1x100x100xi32, #tpu.memory_space<hbm>> -> memref<100x100xi32, #tpu.memory_space<hbm>>
      %dma_wait3A_63 = arith.constant 0 : i32
      %dma_wait3A_64 = arith.constant 0 : i32
      %dma_wait3A_65 = tpu.memref_slice %arg4[%add3A, %dma_wait3A_63, %dma_wait3A_64] : memref<32x100x100xi32, #tpu.memory_space<hbm>> -> memref<1x100x100xi32, #tpu.memory_space<hbm>>
      %dma_wait3A_66 = tpu.memref_squeeze %dma_wait3A_65 : memref<1x100x100xi32, #tpu.memory_space<hbm>> -> memref<100x100xi32, #tpu.memory_space<hbm>>
      tpu.wait_dma2 semaphore(%run_scoped3A_50 : memref<!tpu.dma_semaphore, #tpu.memory_space<semaphore_mem>>) src(%dma_wait3A_66 : memref<100x100xi32, #tpu.memory_space<hbm>>) dst(%arg8 : memref<100x100xi32, #tpu.memory_space<vmem>>)
      tpu.yield
    }) : () -> ()
    %lt3A = arith.constant 15 : i32
    %lt3A_1 = arith.cmpi slt, %arg1, %lt3A : i32
    %convert_element_type3A = arith.extui %lt3A_1 : i1 to i32
    %cond3A = arith.constant 0 : i32
    %cond3A_2 = arith.cmpi ne, %convert_element_type3A, %cond3A : i32
    scf.if %cond3A_2 {
      %mul3A_50 = arith.constant 624 : i32
      %mul3A_51 = arith.muli %arg1, %mul3A_50 : i32
      "tpu.region"() ({
        %run_scoped3A_52 = tpu.sem_alloc : memref<!tpu.dma_semaphore, #tpu.memory_space<semaphore_mem>>
        %dma_start3A_53 = arith.constant 0 : i32
        %dma_start3A_54 = tpu.memref_slice %arg7[%mul3A_51, %dma_start3A_53] : memref<10000x128xf32, #tpu.memory_space<vmem_shared>> -> memref<624x128xf32, #tpu.memory_space<vmem_shared>>
        %dma_start3A_55 = arith.constant 0 : i32
        %dma_start3A_56 = arith.constant 0 : i32
        %dma_start3A_57 = tpu.memref_slice %arg5[%dma_start3A_55, %dma_start3A_56] : memref<640x128xf32, #tpu.memory_space<hbm>> -> memref<624x128xf32, #tpu.memory_space<hbm>>
        tpu.enqueue_dma source(%dma_start3A_57 : memref<624x128xf32, #tpu.memory_space<hbm>>) target(%dma_start3A_54 : memref<624x128xf32, #tpu.memory_space<vmem_shared>>) target_semaphore(%run_scoped3A_52 : memref<!tpu.dma_semaphore, #tpu.memory_space<semaphore_mem>>)
        %dma_wait3A_58 = arith.constant 0 : i32
        %dma_wait3A_59 = tpu.memref_slice %arg7[%mul3A_51, %dma_wait3A_58] : memref<10000x128xf32, #tpu.memory_space<vmem_shared>> -> memref<624x128xf32, #tpu.memory_space<vmem_shared>>
        %dma_wait3A_60 = arith.constant 0 : i32
        %dma_wait3A_61 = arith.constant 0 : i32
        %dma_wait3A_62 = tpu.memref_slice %arg5[%dma_wait3A_60, %dma_wait3A_61] : memref<640x128xf32, #tpu.memory_space<hbm>> -> memref<624x128xf32, #tpu.memory_space<hbm>>
        tpu.wait_dma2 semaphore(%run_scoped3A_52 : memref<!tpu.dma_semaphore, #tpu.memory_space<semaphore_mem>>) src(%dma_wait3A_62 : memref<624x128xf32, #tpu.memory_space<hbm>>) dst(%dma_wait3A_59 : memref<624x128xf32, #tpu.memory_space<vmem_shared>>)
        tpu.yield
      }) : () -> ()
    } else {
    }
    %eq3A = arith.constant 15 : i32
    %eq3A_3 = arith.cmpi eq, %arg1, %eq3A : i32
    %convert_element_type3A_4 = arith.extui %eq3A_3 : i1 to i32
    %cond3A_5 = arith.constant 0 : i32
    %cond3A_6 = arith.cmpi ne, %convert_element_type3A_4, %cond3A_5 : i32
    scf.if %cond3A_6 {
      "tpu.region"() ({
        %run_scoped3A_50 = tpu.sem_alloc : memref<!tpu.dma_semaphore, #tpu.memory_space<semaphore_mem>>
        %dma_start3A_51 = arith.constant 9360 : i32
        %dma_start3A_52 = arith.constant 0 : i32
        %dma_start3A_53 = tpu.memref_slice %arg7[%dma_start3A_51, %dma_start3A_52] : memref<10000x128xf32, #tpu.memory_space<vmem_shared>> -> memref<640x128xf32, #tpu.memory_space<vmem_shared>>
        tpu.enqueue_dma source(%arg5 : memref<640x128xf32, #tpu.memory_space<hbm>>) target(%dma_start3A_53 : memref<640x128xf32, #tpu.memory_space<vmem_shared>>) target_semaphore(%run_scoped3A_50 : memref<!tpu.dma_semaphore, #tpu.memory_space<semaphore_mem>>)
        %dma_wait3A_54 = arith.constant 9360 : i32
        %dma_wait3A_55 = arith.constant 0 : i32
        %dma_wait3A_56 = tpu.memref_slice %arg7[%dma_wait3A_54, %dma_wait3A_55] : memref<10000x128xf32, #tpu.memory_space<vmem_shared>> -> memref<640x128xf32, #tpu.memory_space<vmem_shared>>
        tpu.wait_dma2 semaphore(%run_scoped3A_50 : memref<!tpu.dma_semaphore, #tpu.memory_space<semaphore_mem>>) src(%arg5 : memref<640x128xf32, #tpu.memory_space<hbm>>) dst(%dma_wait3A_56 : memref<640x128xf32, #tpu.memory_space<vmem_shared>>)
        tpu.yield
      }) : () -> ()
    } else {
    }
    %barrier3A = arith.constant 0 : index
    tpu.barrier barrier_id(%barrier3A)
    %dma_start3A = arith.constant 0 : i32
    %dma_start3A_7 = arith.constant 0 : i32
    %dma_start3A_8 = tpu.memref_slice %arg9[%dma_start3A, %dma_start3A_7] : memref<100x100xi32, #tpu.memory_space<vmem>> -> memref<1x100xi32, #tpu.memory_space<vmem>>
    %dma_start3A_9 = tpu.memref_squeeze %dma_start3A_8 : memref<1x100xi32, #tpu.memory_space<vmem>> -> memref<100xi32, #tpu.memory_space<vmem>>
    %dma_start3A_10 = arith.constant 0 : i32
    %dma_start3A_11 = arith.constant 0 : i32
    %dma_start3A_12 = tpu.memref_slice %arg2[%dma_start3A_10, %dma_start3A_11] : memref<40000x128xf32, #tpu.memory_space<hbm>> -> memref<40000x128xf32, #tpu.memory_space<hbm>>
    tpu.enqueue_indirect_dma source(%dma_start3A_12 : memref<40000x128xf32, #tpu.memory_space<hbm>>) target(%arg10 : memref<100x128xf32, #tpu.memory_space<vmem>>) offsets(%dma_start3A_9 : memref<100xi32, #tpu.memory_space<vmem>>) semaphore(%arg12 : memref<!tpu.dma_semaphore, #tpu.memory_space<semaphore_mem>>)
    %dma_start3A_13 = arith.constant 1 : i32
    %dma_start3A_14 = arith.constant 0 : i32
    %dma_start3A_15 = tpu.memref_slice %arg9[%dma_start3A_13, %dma_start3A_14] : memref<100x100xi32, #tpu.memory_space<vmem>> -> memref<1x100xi32, #tpu.memory_space<vmem>>
    %dma_start3A_16 = tpu.memref_squeeze %dma_start3A_15 : memref<1x100xi32, #tpu.memory_space<vmem>> -> memref<100xi32, #tpu.memory_space<vmem>>
    %dma_start3A_17 = arith.constant 0 : i32
    %dma_start3A_18 = arith.constant 0 : i32
    %dma_start3A_19 = tpu.memref_slice %arg2[%dma_start3A_17, %dma_start3A_18] : memref<40000x128xf32, #tpu.memory_space<hbm>> -> memref<40000x128xf32, #tpu.memory_space<hbm>>
    tpu.enqueue_indirect_dma source(%dma_start3A_19 : memref<40000x128xf32, #tpu.memory_space<hbm>>) target(%arg11 : memref<100x128xf32, #tpu.memory_space<vmem>>) offsets(%dma_start3A_16 : memref<100xi32, #tpu.memory_space<vmem>>) semaphore(%arg13 : memref<!tpu.dma_semaphore, #tpu.memory_space<semaphore_mem>>)
    %scan3A = arith.constant 0 : i32
    %scan3A_20 = arith.constant 0 : i32
    %scan3A_21 = arith.constant 49 : i32
    %scan3A_22 = arith.addi %scan3A_20, %scan3A_21 : i32
    %scan3A_23 = arith.constant 1 : i32
    scf.for %scan3A_50 = %scan3A_20 to %scan3A_22 step %scan3A_23  : i32 {
      %mul3A_51 = arith.constant 2 : i32
      %mul3A_52 = arith.muli %mul3A_51, %scan3A_50 : i32
      %dma_wait3A_53 = arith.constant 0 : i32
      %dma_wait3A_54 = tpu.memref_slice %arg9[%mul3A_52, %dma_wait3A_53] : memref<100x100xi32, #tpu.memory_space<vmem>> -> memref<1x100xi32, #tpu.memory_space<vmem>>
      %dma_wait3A_55 = tpu.memref_squeeze %dma_wait3A_54 : memref<1x100xi32, #tpu.memory_space<vmem>> -> memref<100xi32, #tpu.memory_space<vmem>>
      %dma_wait3A_56 = arith.constant 0 : i32
      %dma_wait3A_57 = arith.constant 0 : i32
      %dma_wait3A_58 = tpu.memref_slice %arg2[%dma_wait3A_56, %dma_wait3A_57] : memref<40000x128xf32, #tpu.memory_space<hbm>> -> memref<40000x128xf32, #tpu.memory_space<hbm>>
      tpu.wait_indirect_dma semaphore(%arg12 : memref<!tpu.dma_semaphore, #tpu.memory_space<semaphore_mem>>) src(%dma_wait3A_58 : memref<40000x128xf32, #tpu.memory_space<hbm>>) dst(%arg10 : memref<100x128xf32, #tpu.memory_space<vmem>>)
      "tpu.region"() ({
        %run_scoped3A_85 = tpu.sem_alloc : memref<!tpu.dma_semaphore, #tpu.memory_space<semaphore_mem>>
        %dma_start3A_86 = arith.constant 0 : i32
        %dma_start3A_87 = tpu.memref_slice %arg8[%mul3A_52, %dma_start3A_86] : memref<100x100xi32, #tpu.memory_space<vmem>> -> memref<1x100xi32, #tpu.memory_space<vmem>>
        %dma_start3A_88 = tpu.memref_squeeze %dma_start3A_87 : memref<1x100xi32, #tpu.memory_space<vmem>> -> memref<100xi32, #tpu.memory_space<vmem>>
        %dma_start3A_89 = arith.constant 0 : i32
        %dma_start3A_90 = arith.constant 0 : i32
        %dma_start3A_91 = tpu.memref_slice %arg7[%dma_start3A_89, %dma_start3A_90] : memref<10000x128xf32, #tpu.memory_space<vmem_shared>> -> memref<10000x128xf32, #tpu.memory_space<vmem_shared>>
        tpu.enqueue_indirect_dma source(%arg10 : memref<100x128xf32, #tpu.memory_space<vmem>>) target(%dma_start3A_91 : memref<10000x128xf32, #tpu.memory_space<vmem_shared>>) offsets(%dma_start3A_88 : memref<100xi32, #tpu.memory_space<vmem>>) semaphore(%run_scoped3A_85 : memref<!tpu.dma_semaphore, #tpu.memory_space<semaphore_mem>>) {add = true}
        %dma_wait3A_92 = arith.constant 0 : i32
        %dma_wait3A_93 = tpu.memref_slice %arg8[%mul3A_52, %dma_wait3A_92] : memref<100x100xi32, #tpu.memory_space<vmem>> -> memref<1x100xi32, #tpu.memory_space<vmem>>
        %dma_wait3A_94 = tpu.memref_squeeze %dma_wait3A_93 : memref<1x100xi32, #tpu.memory_space<vmem>> -> memref<100xi32, #tpu.memory_space<vmem>>
        %dma_wait3A_95 = arith.constant 0 : i32
        %dma_wait3A_96 = arith.constant 0 : i32
        %dma_wait3A_97 = tpu.memref_slice %arg7[%dma_wait3A_95, %dma_wait3A_96] : memref<10000x128xf32, #tpu.memory_space<vmem_shared>> -> memref<10000x128xf32, #tpu.memory_space<vmem_shared>>
        tpu.wait_indirect_dma semaphore(%run_scoped3A_85 : memref<!tpu.dma_semaphore, #tpu.memory_space<semaphore_mem>>) src(%arg10 : memref<100x128xf32, #tpu.memory_space<vmem>>) dst(%dma_wait3A_97 : memref<10000x128xf32, #tpu.memory_space<vmem_shared>>)
        tpu.yield
      }) : () -> ()
      %add3A_59 = arith.constant 2 : i32
      %add3A_60 = arith.addi %mul3A_52, %add3A_59 : i32
      %dma_start3A_61 = arith.constant 0 : i32
      %dma_start3A_62 = tpu.memref_slice %arg9[%add3A_60, %dma_start3A_61] : memref<100x100xi32, #tpu.memory_space<vmem>> -> memref<1x100xi32, #tpu.memory_space<vmem>>
      %dma_start3A_63 = tpu.memref_squeeze %dma_start3A_62 : memref<1x100xi32, #tpu.memory_space<vmem>> -> memref<100xi32, #tpu.memory_space<vmem>>
      %dma_start3A_64 = arith.constant 0 : i32
      %dma_start3A_65 = arith.constant 0 : i32
      %dma_start3A_66 = tpu.memref_slice %arg2[%dma_start3A_64, %dma_start3A_65] : memref<40000x128xf32, #tpu.memory_space<hbm>> -> memref<40000x128xf32, #tpu.memory_space<hbm>>
      tpu.enqueue_indirect_dma source(%dma_start3A_66 : memref<40000x128xf32, #tpu.memory_space<hbm>>) target(%arg10 : memref<100x128xf32, #tpu.memory_space<vmem>>) offsets(%dma_start3A_63 : memref<100xi32, #tpu.memory_space<vmem>>) semaphore(%arg12 : memref<!tpu.dma_semaphore, #tpu.memory_space<semaphore_mem>>)
      %add3A_67 = arith.constant 1 : i32
      %add3A_68 = arith.addi %mul3A_52, %add3A_67 : i32
      %dma_wait3A_69 = arith.constant 0 : i32
      %dma_wait3A_70 = tpu.memref_slice %arg9[%add3A_68, %dma_wait3A_69] : memref<100x100xi32, #tpu.memory_space<vmem>> -> memref<1x100xi32, #tpu.memory_space<vmem>>
      %dma_wait3A_71 = tpu.memref_squeeze %dma_wait3A_70 : memref<1x100xi32, #tpu.memory_space<vmem>> -> memref<100xi32, #tpu.memory_space<vmem>>
      %dma_wait3A_72 = arith.constant 0 : i32
      %dma_wait3A_73 = arith.constant 0 : i32
      %dma_wait3A_74 = tpu.memref_slice %arg2[%dma_wait3A_72, %dma_wait3A_73] : memref<40000x128xf32, #tpu.memory_space<hbm>> -> memref<40000x128xf32, #tpu.memory_space<hbm>>
      tpu.wait_indirect_dma semaphore(%arg13 : memref<!tpu.dma_semaphore, #tpu.memory_space<semaphore_mem>>) src(%dma_wait3A_74 : memref<40000x128xf32, #tpu.memory_space<hbm>>) dst(%arg11 : memref<100x128xf32, #tpu.memory_space<vmem>>)
      %add3A_75 = arith.constant 1 : i32
      %add3A_76 = arith.addi %mul3A_52, %add3A_75 : i32
      "tpu.region"() ({
        %run_scoped3A_85 = tpu.sem_alloc : memref<!tpu.dma_semaphore, #tpu.memory_space<semaphore_mem>>
        %dma_start3A_86 = arith.constant 0 : i32
        %dma_start3A_87 = tpu.memref_slice %arg8[%add3A_76, %dma_start3A_86] : memref<100x100xi32, #tpu.memory_space<vmem>> -> memref<1x100xi32, #tpu.memory_space<vmem>>
        %dma_start3A_88 = tpu.memref_squeeze %dma_start3A_87 : memref<1x100xi32, #tpu.memory_space<vmem>> -> memref<100xi32, #tpu.memory_space<vmem>>
        %dma_start3A_89 = arith.constant 0 : i32
        %dma_start3A_90 = arith.constant 0 : i32
        %dma_start3A_91 = tpu.memref_slice %arg7[%dma_start3A_89, %dma_start3A_90] : memref<10000x128xf32, #tpu.memory_space<vmem_shared>> -> memref<10000x128xf32, #tpu.memory_space<vmem_shared>>
        tpu.enqueue_indirect_dma source(%arg11 : memref<100x128xf32, #tpu.memory_space<vmem>>) target(%dma_start3A_91 : memref<10000x128xf32, #tpu.memory_space<vmem_shared>>) offsets(%dma_start3A_88 : memref<100xi32, #tpu.memory_space<vmem>>) semaphore(%run_scoped3A_85 : memref<!tpu.dma_semaphore, #tpu.memory_space<semaphore_mem>>) {add = true}
        %dma_wait3A_92 = arith.constant 0 : i32
        %dma_wait3A_93 = tpu.memref_slice %arg8[%add3A_76, %dma_wait3A_92] : memref<100x100xi32, #tpu.memory_space<vmem>> -> memref<1x100xi32, #tpu.memory_space<vmem>>
        %dma_wait3A_94 = tpu.memref_squeeze %dma_wait3A_93 : memref<1x100xi32, #tpu.memory_space<vmem>> -> memref<100xi32, #tpu.memory_space<vmem>>
        %dma_wait3A_95 = arith.constant 0 : i32
        %dma_wait3A_96 = arith.constant 0 : i32
        %dma_wait3A_97 = tpu.memref_slice %arg7[%dma_wait3A_95, %dma_wait3A_96] : memref<10000x128xf32, #tpu.memory_space<vmem_shared>> -> memref<10000x128xf32, #tpu.memory_space<vmem_shared>>
        tpu.wait_indirect_dma semaphore(%run_scoped3A_85 : memref<!tpu.dma_semaphore, #tpu.memory_space<semaphore_mem>>) src(%arg11 : memref<100x128xf32, #tpu.memory_space<vmem>>) dst(%dma_wait3A_97 : memref<10000x128xf32, #tpu.memory_space<vmem_shared>>)
        tpu.yield
      }) : () -> ()
      %add3A_77 = arith.constant 3 : i32
      %add3A_78 = arith.addi %mul3A_52, %add3A_77 : i32
      %dma_start3A_79 = arith.constant 0 : i32
      %dma_start3A_80 = tpu.memref_slice %arg9[%add3A_78, %dma_start3A_79] : memref<100x100xi32, #tpu.memory_space<vmem>> -> memref<1x100xi32, #tpu.memory_space<vmem>>
      %dma_start3A_81 = tpu.memref_squeeze %dma_start3A_80 : memref<1x100xi32, #tpu.memory_space<vmem>> -> memref<100xi32, #tpu.memory_space<vmem>>
      %dma_start3A_82 = arith.constant 0 : i32
      %dma_start3A_83 = arith.constant 0 : i32
      %dma_start3A_84 = tpu.memref_slice %arg2[%dma_start3A_82, %dma_start3A_83] : memref<40000x128xf32, #tpu.memory_space<hbm>> -> memref<40000x128xf32, #tpu.memory_space<hbm>>
      tpu.enqueue_indirect_dma source(%dma_start3A_84 : memref<40000x128xf32, #tpu.memory_space<hbm>>) target(%arg11 : memref<100x128xf32, #tpu.memory_space<vmem>>) offsets(%dma_start3A_81 : memref<100xi32, #tpu.memory_space<vmem>>) semaphore(%arg13 : memref<!tpu.dma_semaphore, #tpu.memory_space<semaphore_mem>>)
    }
    %scan3A_24 = arith.constant 49 : i32
    %dma_wait3A = arith.constant 98 : i32
    %dma_wait3A_25 = arith.constant 0 : i32
    %dma_wait3A_26 = tpu.memref_slice %arg9[%dma_wait3A, %dma_wait3A_25] : memref<100x100xi32, #tpu.memory_space<vmem>> -> memref<1x100xi32, #tpu.memory_space<vmem>>
    %dma_wait3A_27 = tpu.memref_squeeze %dma_wait3A_26 : memref<1x100xi32, #tpu.memory_space<vmem>> -> memref<100xi32, #tpu.memory_space<vmem>>
    %dma_wait3A_28 = arith.constant 0 : i32
    %dma_wait3A_29 = arith.constant 0 : i32
    %dma_wait3A_30 = tpu.memref_slice %arg2[%dma_wait3A_28, %dma_wait3A_29] : memref<40000x128xf32, #tpu.memory_space<hbm>> -> memref<40000x128xf32, #tpu.memory_space<hbm>>
    tpu.wait_indirect_dma semaphore(%arg12 : memref<!tpu.dma_semaphore, #tpu.memory_space<semaphore_mem>>) src(%dma_wait3A_30 : memref<40000x128xf32, #tpu.memory_space<hbm>>) dst(%arg10 : memref<100x128xf32, #tpu.memory_space<vmem>>)
    %run_scoped3A = arith.constant 98 : i32
    "tpu.region"() ({
      %run_scoped3A_50 = tpu.sem_alloc : memref<!tpu.dma_semaphore, #tpu.memory_space<semaphore_mem>>
      %dma_start3A_51 = arith.constant 0 : i32
      %dma_start3A_52 = tpu.memref_slice %arg8[%run_scoped3A, %dma_start3A_51] : memref<100x100xi32, #tpu.memory_space<vmem>> -> memref<1x100xi32, #tpu.memory_space<vmem>>
      %dma_start3A_53 = tpu.memref_squeeze %dma_start3A_52 : memref<1x100xi32, #tpu.memory_space<vmem>> -> memref<100xi32, #tpu.memory_space<vmem>>
      %dma_start3A_54 = arith.constant 0 : i32
      %dma_start3A_55 = arith.constant 0 : i32
      %dma_start3A_56 = tpu.memref_slice %arg7[%dma_start3A_54, %dma_start3A_55] : memref<10000x128xf32, #tpu.memory_space<vmem_shared>> -> memref<10000x128xf32, #tpu.memory_space<vmem_shared>>
      tpu.enqueue_indirect_dma source(%arg10 : memref<100x128xf32, #tpu.memory_space<vmem>>) target(%dma_start3A_56 : memref<10000x128xf32, #tpu.memory_space<vmem_shared>>) offsets(%dma_start3A_53 : memref<100xi32, #tpu.memory_space<vmem>>) semaphore(%run_scoped3A_50 : memref<!tpu.dma_semaphore, #tpu.memory_space<semaphore_mem>>) {add = true}
      %dma_wait3A_57 = arith.constant 0 : i32
      %dma_wait3A_58 = tpu.memref_slice %arg8[%run_scoped3A, %dma_wait3A_57] : memref<100x100xi32, #tpu.memory_space<vmem>> -> memref<1x100xi32, #tpu.memory_space<vmem>>
      %dma_wait3A_59 = tpu.memref_squeeze %dma_wait3A_58 : memref<1x100xi32, #tpu.memory_space<vmem>> -> memref<100xi32, #tpu.memory_space<vmem>>
      %dma_wait3A_60 = arith.constant 0 : i32
      %dma_wait3A_61 = arith.constant 0 : i32
      %dma_wait3A_62 = tpu.memref_slice %arg7[%dma_wait3A_60, %dma_wait3A_61] : memref<10000x128xf32, #tpu.memory_space<vmem_shared>> -> memref<10000x128xf32, #tpu.memory_space<vmem_shared>>
      tpu.wait_indirect_dma semaphore(%run_scoped3A_50 : memref<!tpu.dma_semaphore, #tpu.memory_space<semaphore_mem>>) src(%arg10 : memref<100x128xf32, #tpu.memory_space<vmem>>) dst(%dma_wait3A_62 : memref<10000x128xf32, #tpu.memory_space<vmem_shared>>)
      tpu.yield
    }) : () -> ()
    %dma_wait3A_31 = arith.constant 99 : i32
    %dma_wait3A_32 = arith.constant 0 : i32
    %dma_wait3A_33 = tpu.memref_slice %arg9[%dma_wait3A_31, %dma_wait3A_32] : memref<100x100xi32, #tpu.memory_space<vmem>> -> memref<1x100xi32, #tpu.memory_space<vmem>>
    %dma_wait3A_34 = tpu.memref_squeeze %dma_wait3A_33 : memref<1x100xi32, #tpu.memory_space<vmem>> -> memref<100xi32, #tpu.memory_space<vmem>>
    %dma_wait3A_35 = arith.constant 0 : i32
    %dma_wait3A_36 = arith.constant 0 : i32
    %dma_wait3A_37 = tpu.memref_slice %arg2[%dma_wait3A_35, %dma_wait3A_36] : memref<40000x128xf32, #tpu.memory_space<hbm>> -> memref<40000x128xf32, #tpu.memory_space<hbm>>
    tpu.wait_indirect_dma semaphore(%arg13 : memref<!tpu.dma_semaphore, #tpu.memory_space<semaphore_mem>>) src(%dma_wait3A_37 : memref<40000x128xf32, #tpu.memory_space<hbm>>) dst(%arg11 : memref<100x128xf32, #tpu.memory_space<vmem>>)
    %run_scoped3A_38 = arith.constant 99 : i32
    "tpu.region"() ({
      %run_scoped3A_50 = tpu.sem_alloc : memref<!tpu.dma_semaphore, #tpu.memory_space<semaphore_mem>>
      %dma_start3A_51 = arith.constant 0 : i32
      %dma_start3A_52 = tpu.memref_slice %arg8[%run_scoped3A_38, %dma_start3A_51] : memref<100x100xi32, #tpu.memory_space<vmem>> -> memref<1x100xi32, #tpu.memory_space<vmem>>
      %dma_start3A_53 = tpu.memref_squeeze %dma_start3A_52 : memref<1x100xi32, #tpu.memory_space<vmem>> -> memref<100xi32, #tpu.memory_space<vmem>>
      %dma_start3A_54 = arith.constant 0 : i32
      %dma_start3A_55 = arith.constant 0 : i32
      %dma_start3A_56 = tpu.memref_slice %arg7[%dma_start3A_54, %dma_start3A_55] : memref<10000x128xf32, #tpu.memory_space<vmem_shared>> -> memref<10000x128xf32, #tpu.memory_space<vmem_shared>>
      tpu.enqueue_indirect_dma source(%arg11 : memref<100x128xf32, #tpu.memory_space<vmem>>) target(%dma_start3A_56 : memref<10000x128xf32, #tpu.memory_space<vmem_shared>>) offsets(%dma_start3A_53 : memref<100xi32, #tpu.memory_space<vmem>>) semaphore(%run_scoped3A_50 : memref<!tpu.dma_semaphore, #tpu.memory_space<semaphore_mem>>) {add = true}
      %dma_wait3A_57 = arith.constant 0 : i32
      %dma_wait3A_58 = tpu.memref_slice %arg8[%run_scoped3A_38, %dma_wait3A_57] : memref<100x100xi32, #tpu.memory_space<vmem>> -> memref<1x100xi32, #tpu.memory_space<vmem>>
      %dma_wait3A_59 = tpu.memref_squeeze %dma_wait3A_58 : memref<1x100xi32, #tpu.memory_space<vmem>> -> memref<100xi32, #tpu.memory_space<vmem>>
      %dma_wait3A_60 = arith.constant 0 : i32
      %dma_wait3A_61 = arith.constant 0 : i32
      %dma_wait3A_62 = tpu.memref_slice %arg7[%dma_wait3A_60, %dma_wait3A_61] : memref<10000x128xf32, #tpu.memory_space<vmem_shared>> -> memref<10000x128xf32, #tpu.memory_space<vmem_shared>>
      tpu.wait_indirect_dma semaphore(%run_scoped3A_50 : memref<!tpu.dma_semaphore, #tpu.memory_space<semaphore_mem>>) src(%arg11 : memref<100x128xf32, #tpu.memory_space<vmem>>) dst(%dma_wait3A_62 : memref<10000x128xf32, #tpu.memory_space<vmem_shared>>)
      tpu.yield
    }) : () -> ()
    %barrier3A_39 = arith.constant 0 : index
    tpu.barrier barrier_id(%barrier3A_39)
    %lt3A_40 = arith.constant 15 : i32
    %lt3A_41 = arith.cmpi slt, %arg1, %lt3A_40 : i32
    %convert_element_type3A_42 = arith.extui %lt3A_41 : i1 to i32
    %cond3A_43 = arith.constant 0 : i32
    %cond3A_44 = arith.cmpi ne, %convert_element_type3A_42, %cond3A_43 : i32
    scf.if %cond3A_44 {
      %mul3A_50 = arith.constant 624 : i32
      %mul3A_51 = arith.muli %arg1, %mul3A_50 : i32
      %mul3A_52 = arith.constant 624 : i32
      %mul3A_53 = arith.muli %arg1, %mul3A_52 : i32
      "tpu.region"() ({
        %run_scoped3A_54 = tpu.sem_alloc : memref<!tpu.dma_semaphore, #tpu.memory_space<semaphore_mem>>
        %dma_start3A_55 = arith.constant 0 : i32
        %dma_start3A_56 = tpu.memref_slice %arg6[%arg0, %mul3A_53, %dma_start3A_55] : memref<2x10000x128xf32, #tpu.memory_space<hbm>> -> memref<1x624x128xf32, #tpu.memory_space<hbm>>
        %dma_start3A_57 = tpu.memref_squeeze %dma_start3A_56 : memref<1x624x128xf32, #tpu.memory_space<hbm>> -> memref<624x128xf32, #tpu.memory_space<hbm>>
        %dma_start3A_58 = arith.constant 0 : i32
        %dma_start3A_59 = tpu.memref_slice %arg7[%mul3A_51, %dma_start3A_58] : memref<10000x128xf32, #tpu.memory_space<vmem_shared>> -> memref<624x128xf32, #tpu.memory_space<vmem_shared>>
        tpu.enqueue_dma source(%dma_start3A_59 : memref<624x128xf32, #tpu.memory_space<vmem_shared>>) target(%dma_start3A_57 : memref<624x128xf32, #tpu.memory_space<hbm>>) target_semaphore(%run_scoped3A_54 : memref<!tpu.dma_semaphore, #tpu.memory_space<semaphore_mem>>)
        %dma_wait3A_60 = arith.constant 0 : i32
        %dma_wait3A_61 = tpu.memref_slice %arg6[%arg0, %mul3A_53, %dma_wait3A_60] : memref<2x10000x128xf32, #tpu.memory_space<hbm>> -> memref<1x624x128xf32, #tpu.memory_space<hbm>>
        %dma_wait3A_62 = tpu.memref_squeeze %dma_wait3A_61 : memref<1x624x128xf32, #tpu.memory_space<hbm>> -> memref<624x128xf32, #tpu.memory_space<hbm>>
        %dma_wait3A_63 = arith.constant 0 : i32
        %dma_wait3A_64 = tpu.memref_slice %arg7[%mul3A_51, %dma_wait3A_63] : memref<10000x128xf32, #tpu.memory_space<vmem_shared>> -> memref<624x128xf32, #tpu.memory_space<vmem_shared>>
        tpu.wait_dma2 semaphore(%run_scoped3A_54 : memref<!tpu.dma_semaphore, #tpu.memory_space<semaphore_mem>>) src(%dma_wait3A_64 : memref<624x128xf32, #tpu.memory_space<vmem_shared>>) dst(%dma_wait3A_62 : memref<624x128xf32, #tpu.memory_space<hbm>>)
        tpu.yield
      }) : () -> ()
    } else {
    }
    %eq3A_45 = arith.constant 15 : i32
    %eq3A_46 = arith.cmpi eq, %arg1, %eq3A_45 : i32
    %convert_element_type3A_47 = arith.extui %eq3A_46 : i1 to i32
    %cond3A_48 = arith.constant 0 : i32
    %cond3A_49 = arith.cmpi ne, %convert_element_type3A_47, %cond3A_48 : i32
    scf.if %cond3A_49 {
      "tpu.region"() ({
        %run_scoped3A_50 = tpu.sem_alloc : memref<!tpu.dma_semaphore, #tpu.memory_space<semaphore_mem>>
        %dma_start3A_51 = arith.constant 9360 : i32
        %dma_start3A_52 = arith.constant 0 : i32
        %dma_start3A_53 = tpu.memref_slice %arg6[%arg0, %dma_start3A_51, %dma_start3A_52] : memref<2x10000x128xf32, #tpu.memory_space<hbm>> -> memref<1x640x128xf32, #tpu.memory_space<hbm>>
        %dma_start3A_54 = tpu.memref_squeeze %dma_start3A_53 : memref<1x640x128xf32, #tpu.memory_space<hbm>> -> memref<640x128xf32, #tpu.memory_space<hbm>>
        %dma_start3A_55 = arith.constant 9360 : i32
        %dma_start3A_56 = arith.constant 0 : i32
        %dma_start3A_57 = tpu.memref_slice %arg7[%dma_start3A_55, %dma_start3A_56] : memref<10000x128xf32, #tpu.memory_space<vmem_shared>> -> memref<640x128xf32, #tpu.memory_space<vmem_shared>>
        tpu.enqueue_dma source(%dma_start3A_57 : memref<640x128xf32, #tpu.memory_space<vmem_shared>>) target(%dma_start3A_54 : memref<640x128xf32, #tpu.memory_space<hbm>>) target_semaphore(%run_scoped3A_50 : memref<!tpu.dma_semaphore, #tpu.memory_space<semaphore_mem>>)
        %dma_wait3A_58 = arith.constant 9360 : i32
        %dma_wait3A_59 = arith.constant 0 : i32
        %dma_wait3A_60 = tpu.memref_slice %arg6[%arg0, %dma_wait3A_58, %dma_wait3A_59] : memref<2x10000x128xf32, #tpu.memory_space<hbm>> -> memref<1x640x128xf32, #tpu.memory_space<hbm>>
        %dma_wait3A_61 = tpu.memref_squeeze %dma_wait3A_60 : memref<1x640x128xf32, #tpu.memory_space<hbm>> -> memref<640x128xf32, #tpu.memory_space<hbm>>
        %dma_wait3A_62 = arith.constant 9360 : i32
        %dma_wait3A_63 = arith.constant 0 : i32
        %dma_wait3A_64 = tpu.memref_slice %arg7[%dma_wait3A_62, %dma_wait3A_63] : memref<10000x128xf32, #tpu.memory_space<vmem_shared>> -> memref<640x128xf32, #tpu.memory_space<vmem_shared>>
        tpu.wait_dma2 semaphore(%run_scoped3A_50 : memref<!tpu.dma_semaphore, #tpu.memory_space<semaphore_mem>>) src(%dma_wait3A_64 : memref<640x128xf32, #tpu.memory_space<vmem_shared>>) dst(%dma_wait3A_61 : memref<640x128xf32, #tpu.memory_space<hbm>>)
        tpu.yield
      }) : () -> ()
    } else {
    }
    return
  }
}

module attributes {stable_mosaic.version = 14 : i64} {
  func.func @_dinv_body(%arg0: memref<2x80x128xf32, #tpu.memory_space<vmem>>, %arg1: memref<80x128xf32, #tpu.memory_space<vmem>>) attributes {dimension_semantics = [], scalar_prefetch = 0 : i64, scratch_operands = 0 : i64, tpu.core_type = #tpu.core_type<tc>} {
    %get3A = arith.constant 0 : index
    %get3A_0 = arith.constant 0 : index
    %get3A_1 = arith.constant 0 : index
    %get3A_2 = vector.load %arg0[%get3A, %get3A_0, %get3A_1] : memref<2x80x128xf32, #tpu.memory_space<vmem>>, vector<1x80x128xf32>
    %get3A_3 = vector.shape_cast %get3A_2 : vector<1x80x128xf32> to vector<80x128xf32>
    %get3A_4 = arith.constant 1 : index
    %get3A_5 = arith.constant 0 : index
    %get3A_6 = arith.constant 0 : index
    %get3A_7 = vector.load %arg0[%get3A_4, %get3A_5, %get3A_6] : memref<2x80x128xf32, #tpu.memory_space<vmem>>, vector<1x80x128xf32>
    %get3A_8 = vector.shape_cast %get3A_7 : vector<1x80x128xf32> to vector<80x128xf32>
    %add3A = arith.addf %get3A_3, %get3A_8 : vector<80x128xf32>
    %add3A_9 = arith.constant 1.000000e+00 : f32
    %add3A_10 = vector.broadcast %add3A_9 : f32 to vector<80x128xf32>
    %add3A_11 = arith.addf %add3A, %add3A_10 : vector<80x128xf32>
    %gt3A = arith.constant 0.000000e+00 : f32
    %gt3A_12 = vector.broadcast %gt3A : f32 to vector<80x128xf32>
    %gt3A_13 = arith.cmpf ogt, %add3A_11, %gt3A_12 : vector<80x128xf32>
    %rsqrt3A = math.rsqrt %add3A_11 : vector<80x128xf32>
    %jit3A = arith.constant 0.000000e+00 : f32
    %broadcast_in_dim3A = vector.broadcast %jit3A : f32 to vector<80x128xf32>
    %select_n3A = arith.select %gt3A_13, %rsqrt3A, %broadcast_in_dim3A : vector<80x128xi1>, vector<80x128xf32>
    %swap3A = arith.constant 0 : index
    %swap3A_14 = arith.constant 0 : index
    %swap3A_15 = vector.load %arg1[%swap3A, %swap3A_14] : memref<80x128xf32, #tpu.memory_space<vmem>>, vector<80x128xf32>
    tpu.vector_store %arg1[%swap3A, %swap3A_14], %select_n3A {strides = array<i32>} : memref<80x128xf32, #tpu.memory_space<vmem>>, vector<80x128xf32>,
    return
  }
}

module attributes {stable_mosaic.version = 14 : i64} {
  func.func @_lin_first_body(%arg0: i32, %arg1: memref<3xf32, #tpu.memory_space<smem>>, %arg2: memref<2000x128xf32, #tpu.memory_space<vmem>>, %arg3: memref<128x128xf32, #tpu.memory_space<vmem>>, %arg4: memref<2000x1xf32, #tpu.memory_space<vmem>>, %arg5: memref<4x2000x128xf32, #tpu.memory_space<vmem>>) attributes {dimension_semantics = [#tpu.dimension_semantics<arbitrary>], iteration_bounds = array<i64: 5>, scalar_prefetch = 0 : i64, scratch_operands = 0 : i64, tpu.core_type = #tpu.core_type<tc>, window_params = [{transform_indices = @transform_0, window_bounds = array<i64: 3>}, {transform_indices = @transform_1, window_bounds = array<i64: 2000, 128>}, {pipeline_mode = #tpu.pipeline_mode<synchronous>, transform_indices = @transform_2, window_bounds = array<i64: 128, 128>}, {transform_indices = @transform_3, window_bounds = array<i64: 2000, 1>}, {transform_indices = @transform_4, window_bounds = array<i64: 4, 2000, 128>}]} {
    %get3A = arith.constant 0 : index
    %get3A_0 = arith.constant 0 : index
    %get3A_1 = vector.load %arg2[%get3A, %get3A_0] : memref<2000x128xf32, #tpu.memory_space<vmem>>, vector<2000x128xf32>
    %get3A_2 = arith.constant 0 : index
    %get3A_3 = arith.constant 0 : index
    %get3A_4 = vector.load %arg3[%get3A_2, %get3A_3] : memref<128x128xf32, #tpu.memory_space<vmem>>, vector<128x128xf32>
    %dot_general3A = arith.constant dense<0.000000e+00> : vector<2000x128xf32>
    %dot_general3A_5 = tpu.matmul %get3A_1, %get3A_4, %dot_general3A {dimension_numbers = #tpu.dot_dimension_numbers<[1], [0], [0], [1], [0, 0, 1, 1], [], []>, transpose_lhs_hint = false} : vector<2000x128xf32>, vector<128x128xf32>, vector<2000x128xf32> -> vector<2000x128xf32>
    %get3A_6 = arith.constant 0 : index
    %get3A_7 = arith.constant 0 : index
    %get3A_8 = vector.load %arg4[%get3A_6, %get3A_7] : memref<2000x1xf32, #tpu.memory_space<vmem>>, vector<2000x1xf32>
    %mul3A = vector.broadcast %get3A_8 : vector<2000x1xf32> to vector<2000x128xf32>
    %mul3A_9 = arith.mulf %dot_general3A_5, %mul3A : vector<2000x128xf32>
    %get3A_10 = arith.constant 0 : index
    %get3A_11 = memref.load %arg1[%get3A_10] : memref<3xf32, #tpu.memory_space<smem>>
    %mul3A_12 = vector.broadcast %get3A_11 : f32 to vector<2000x128xf32>
    %mul3A_13 = arith.mulf %mul3A_9, %mul3A_12 : vector<2000x128xf32>
    %swap3A = arith.constant 0 : index
    %swap3A_14 = arith.constant 0 : index
    %swap3A_15 = arith.constant 0 : index
    %swap3A_16 = vector.load %arg5[%swap3A, %swap3A_14, %swap3A_15] : memref<4x2000x128xf32, #tpu.memory_space<vmem>>, vector<1x2000x128xf32>
    %swap3A_17 = vector.shape_cast %swap3A_16 : vector<1x2000x128xf32> to vector<2000x128xf32>
    %swap3A_18 = vector.shape_cast %mul3A_13 : vector<2000x128xf32> to vector<1x2000x128xf32>
    tpu.vector_store %arg5[%swap3A, %swap3A_14, %swap3A_15], %swap3A_18 {strides = array<i32>} : memref<4x2000x128xf32, #tpu.memory_space<vmem>>, vector<1x2000x128xf32>,
    %get3A_19 = arith.constant 1 : index
    %get3A_20 = memref.load %arg1[%get3A_19] : memref<3xf32, #tpu.memory_space<smem>>
    %mul3A_21 = vector.broadcast %get3A_20 : f32 to vector<2000x128xf32>
    %mul3A_22 = arith.mulf %mul3A_9, %mul3A_21 : vector<2000x128xf32>
    %swap3A_23 = arith.constant 1 : index
    %swap3A_24 = arith.constant 0 : index
    %swap3A_25 = arith.constant 0 : index
    %swap3A_26 = vector.load %arg5[%swap3A_23, %swap3A_24, %swap3A_25] : memref<4x2000x128xf32, #tpu.memory_space<vmem>>, vector<1x2000x128xf32>
    %swap3A_27 = vector.shape_cast %swap3A_26 : vector<1x2000x128xf32> to vector<2000x128xf32>
    %swap3A_28 = vector.shape_cast %mul3A_22 : vector<2000x128xf32> to vector<1x2000x128xf32>
    tpu.vector_store %arg5[%swap3A_23, %swap3A_24, %swap3A_25], %swap3A_28 {strides = array<i32>} : memref<4x2000x128xf32, #tpu.memory_space<vmem>>, vector<1x2000x128xf32>,
    %get3A_29 = arith.constant 2 : index
    %get3A_30 = memref.load %arg1[%get3A_29] : memref<3xf32, #tpu.memory_space<smem>>
    %mul3A_31 = vector.broadcast %get3A_30 : f32 to vector<2000x128xf32>
    %mul3A_32 = arith.mulf %mul3A_9, %mul3A_31 : vector<2000x128xf32>
    %swap3A_33 = arith.constant 2 : index
    %swap3A_34 = arith.constant 0 : index
    %swap3A_35 = arith.constant 0 : index
    %swap3A_36 = vector.load %arg5[%swap3A_33, %swap3A_34, %swap3A_35] : memref<4x2000x128xf32, #tpu.memory_space<vmem>>, vector<1x2000x128xf32>
    %swap3A_37 = vector.shape_cast %swap3A_36 : vector<1x2000x128xf32> to vector<2000x128xf32>
    %swap3A_38 = vector.shape_cast %mul3A_32 : vector<2000x128xf32> to vector<1x2000x128xf32>
    tpu.vector_store %arg5[%swap3A_33, %swap3A_34, %swap3A_35], %swap3A_38 {strides = array<i32>} : memref<4x2000x128xf32, #tpu.memory_space<vmem>>, vector<1x2000x128xf32>,
    %swap3A_39 = arith.constant 3 : index
    %swap3A_40 = arith.constant 0 : index
    %swap3A_41 = arith.constant 0 : index
    %swap3A_42 = vector.load %arg5[%swap3A_39, %swap3A_40, %swap3A_41] : memref<4x2000x128xf32, #tpu.memory_space<vmem>>, vector<1x2000x128xf32>
    %swap3A_43 = vector.shape_cast %swap3A_42 : vector<1x2000x128xf32> to vector<2000x128xf32>
    %swap3A_44 = vector.shape_cast %mul3A_9 : vector<2000x128xf32> to vector<1x2000x128xf32>
    tpu.vector_store %arg5[%swap3A_39, %swap3A_40, %swap3A_41], %swap3A_44 {strides = array<i32>} : memref<4x2000x128xf32, #tpu.memory_space<vmem>>, vector<1x2000x128xf32>,
    return
  }
  func.func @transform_0(%arg0: i32) -> i32 {
    %c0_i32 = arith.constant 0 : i32
    %c0_i32_0 = arith.constant 0 : i32
    return %c0_i32 : i32
  }
  func.func @transform_1(%arg0: i32) -> (i32, i32) {
    %c0_i32 = arith.constant 0 : i32
    %c0_i32_0 = arith.constant 0 : i32
    return %arg0, %c0_i32 : i32, i32
  }
  func.func @transform_2(%arg0: i32) -> (i32, i32) {
    %c0_i32 = arith.constant 0 : i32
    %c0_i32_0 = arith.constant 0 : i32
    %c0_i32_1 = arith.constant 0 : i32
    return %c0_i32, %c0_i32_0 : i32, i32
  }
  func.func @transform_3(%arg0: i32) -> (i32, i32) {
    %c0_i32 = arith.constant 0 : i32
    %c0_i32_0 = arith.constant 0 : i32
    return %arg0, %c0_i32 : i32, i32
  }
  func.func @transform_4(%arg0: i32) -> (i32, i32, i32) {
    %c0_i32 = arith.constant 0 : i32
    %c0_i32_0 = arith.constant 0 : i32
    %c0_i32_1 = arith.constant 0 : i32
    return %c0_i32, %arg0, %c0_i32_0 : i32, i32, i32
  }
}

module attributes {stable_mosaic.version = 14 : i64} {
  func.func @_lin_mid_body(%arg0: i32, %arg1: memref<3xf32, #tpu.memory_space<smem>>, %arg2: memref<2x2000x128xf32, #tpu.memory_space<vmem>>, %arg3: memref<2000x128xf32, #tpu.memory_space<vmem>>, %arg4: memref<2000x1xf32, #tpu.memory_space<vmem>>, %arg5: memref<1x128xf32, #tpu.memory_space<vmem>>, %arg6: memref<128x128xf32, #tpu.memory_space<vmem>>, %arg7: memref<4x2000x128xf32, #tpu.memory_space<vmem>>) attributes {dimension_semantics = [#tpu.dimension_semantics<arbitrary>], iteration_bounds = array<i64: 5>, scalar_prefetch = 0 : i64, scratch_operands = 0 : i64, tpu.core_type = #tpu.core_type<tc>, window_params = [{transform_indices = @transform_0, window_bounds = array<i64: 3>}, {transform_indices = @transform_1, window_bounds = array<i64: 2, 2000, 128>}, {transform_indices = @transform_2, window_bounds = array<i64: 2000, 128>}, {transform_indices = @transform_3, window_bounds = array<i64: 2000, 1>}, {pipeline_mode = #tpu.pipeline_mode<synchronous>, transform_indices = @transform_4, window_bounds = array<i64: 1, 128>}, {pipeline_mode = #tpu.pipeline_mode<synchronous>, transform_indices = @transform_5, window_bounds = array<i64: 128, 128>}, {transform_indices = @transform_6, window_bounds = array<i64: 4, 2000, 128>}]} {
    %get3A = arith.constant 0 : index
    %get3A_0 = arith.constant 0 : index
    %get3A_1 = vector.load %arg4[%get3A, %get3A_0] : memref<2000x1xf32, #tpu.memory_space<vmem>>, vector<2000x1xf32>
    %get3A_2 = arith.constant 0 : index
    %get3A_3 = arith.constant 0 : index
    %get3A_4 = arith.constant 0 : index
    %get3A_5 = vector.load %arg2[%get3A_2, %get3A_3, %get3A_4] : memref<2x2000x128xf32, #tpu.memory_space<vmem>>, vector<1x2000x128xf32>
    %get3A_6 = vector.shape_cast %get3A_5 : vector<1x2000x128xf32> to vector<2000x128xf32>
    %get3A_7 = arith.constant 1 : index
    %get3A_8 = arith.constant 0 : index
    %get3A_9 = arith.constant 0 : index
    %get3A_10 = vector.load %arg2[%get3A_7, %get3A_8, %get3A_9] : memref<2x2000x128xf32, #tpu.memory_space<vmem>>, vector<1x2000x128xf32>
    %get3A_11 = vector.shape_cast %get3A_10 : vector<1x2000x128xf32> to vector<2000x128xf32>
    %add3A = arith.addf %get3A_6, %get3A_11 : vector<2000x128xf32>
    %get3A_12 = arith.constant 0 : index
    %get3A_13 = arith.constant 0 : index
    %get3A_14 = vector.load %arg3[%get3A_12, %get3A_13] : memref<2000x128xf32, #tpu.memory_space<vmem>>, vector<2000x128xf32>
    %add3A_15 = arith.addf %add3A, %get3A_14 : vector<2000x128xf32>
    %mul3A = vector.broadcast %get3A_1 : vector<2000x1xf32> to vector<2000x128xf32>
    %mul3A_16 = arith.mulf %mul3A, %add3A_15 : vector<2000x128xf32>
    %get3A_17 = arith.constant 0 : index
    %get3A_18 = arith.constant 0 : index
    %get3A_19 = vector.load %arg5[%get3A_17, %get3A_18] : memref<1x128xf32, #tpu.memory_space<vmem>>, vector<1x128xf32>
    %add3A_20 = vector.broadcast %get3A_19 : vector<1x128xf32> to vector<2000x128xf32>
    %add3A_21 = arith.addf %mul3A_16, %add3A_20 : vector<2000x128xf32>
    %max3A = arith.constant 0.000000e+00 : f32
    %max3A_22 = vector.broadcast %max3A : f32 to vector<2000x128xf32>
    %max3A_23 = arith.maximumf %add3A_21, %max3A_22 : vector<2000x128xf32>
    %get3A_24 = arith.constant 0 : index
    %get3A_25 = arith.constant 0 : index
    %get3A_26 = vector.load %arg6[%get3A_24, %get3A_25] : memref<128x128xf32, #tpu.memory_space<vmem>>, vector<128x128xf32>
    %dot_general3A = arith.constant dense<0.000000e+00> : vector<2000x128xf32>
    %dot_general3A_27 = tpu.matmul %max3A_23, %get3A_26, %dot_general3A {dimension_numbers = #tpu.dot_dimension_numbers<[1], [0], [0], [1], [0, 0, 1, 1], [], []>, transpose_lhs_hint = false} : vector<2000x128xf32>, vector<128x128xf32>, vector<2000x128xf32> -> vector<2000x128xf32>
    %mul3A_28 = vector.broadcast %get3A_1 : vector<2000x1xf32> to vector<2000x128xf32>
    %mul3A_29 = arith.mulf %dot_general3A_27, %mul3A_28 : vector<2000x128xf32>
    %get3A_30 = arith.constant 0 : index
    %get3A_31 = memref.load %arg1[%get3A_30] : memref<3xf32, #tpu.memory_space<smem>>
    %mul3A_32 = vector.broadcast %get3A_31 : f32 to vector<2000x128xf32>
    %mul3A_33 = arith.mulf %mul3A_29, %mul3A_32 : vector<2000x128xf32>
    %swap3A = arith.constant 0 : index
    %swap3A_34 = arith.constant 0 : index
    %swap3A_35 = arith.constant 0 : index
    %swap3A_36 = vector.load %arg7[%swap3A, %swap3A_34, %swap3A_35] : memref<4x2000x128xf32, #tpu.memory_space<vmem>>, vector<1x2000x128xf32>
    %swap3A_37 = vector.shape_cast %swap3A_36 : vector<1x2000x128xf32> to vector<2000x128xf32>
    %swap3A_38 = vector.shape_cast %mul3A_33 : vector<2000x128xf32> to vector<1x2000x128xf32>
    tpu.vector_store %arg7[%swap3A, %swap3A_34, %swap3A_35], %swap3A_38 {strides = array<i32>} : memref<4x2000x128xf32, #tpu.memory_space<vmem>>, vector<1x2000x128xf32>,
    %get3A_39 = arith.constant 1 : index
    %get3A_40 = memref.load %arg1[%get3A_39] : memref<3xf32, #tpu.memory_space<smem>>
    %mul3A_41 = vector.broadcast %get3A_40 : f32 to vector<2000x128xf32>
    %mul3A_42 = arith.mulf %mul3A_29, %mul3A_41 : vector<2000x128xf32>
    %swap3A_43 = arith.constant 1 : index
    %swap3A_44 = arith.constant 0 : index
    %swap3A_45 = arith.constant 0 : index
    %swap3A_46 = vector.load %arg7[%swap3A_43, %swap3A_44, %swap3A_45] : memref<4x2000x128xf32, #tpu.memory_space<vmem>>, vector<1x2000x128xf32>
    %swap3A_47 = vector.shape_cast %swap3A_46 : vector<1x2000x128xf32> to vector<2000x128xf32>
    %swap3A_48 = vector.shape_cast %mul3A_42 : vector<2000x128xf32> to vector<1x2000x128xf32>
    tpu.vector_store %arg7[%swap3A_43, %swap3A_44, %swap3A_45], %swap3A_48 {strides = array<i32>} : memref<4x2000x128xf32, #tpu.memory_space<vmem>>, vector<1x2000x128xf32>,
    %get3A_49 = arith.constant 2 : index
    %get3A_50 = memref.load %arg1[%get3A_49] : memref<3xf32, #tpu.memory_space<smem>>
    %mul3A_51 = vector.broadcast %get3A_50 : f32 to vector<2000x128xf32>
    %mul3A_52 = arith.mulf %mul3A_29, %mul3A_51 : vector<2000x128xf32>
    %swap3A_53 = arith.constant 2 : index
    %swap3A_54 = arith.constant 0 : index
    %swap3A_55 = arith.constant 0 : index
    %swap3A_56 = vector.load %arg7[%swap3A_53, %swap3A_54, %swap3A_55] : memref<4x2000x128xf32, #tpu.memory_space<vmem>>, vector<1x2000x128xf32>
    %swap3A_57 = vector.shape_cast %swap3A_56 : vector<1x2000x128xf32> to vector<2000x128xf32>
    %swap3A_58 = vector.shape_cast %mul3A_52 : vector<2000x128xf32> to vector<1x2000x128xf32>
    tpu.vector_store %arg7[%swap3A_53, %swap3A_54, %swap3A_55], %swap3A_58 {strides = array<i32>} : memref<4x2000x128xf32, #tpu.memory_space<vmem>>, vector<1x2000x128xf32>,
    %swap3A_59 = arith.constant 3 : index
    %swap3A_60 = arith.constant 0 : index
    %swap3A_61 = arith.constant 0 : index
    %swap3A_62 = vector.load %arg7[%swap3A_59, %swap3A_60, %swap3A_61] : memref<4x2000x128xf32, #tpu.memory_space<vmem>>, vector<1x2000x128xf32>
    %swap3A_63 = vector.shape_cast %swap3A_62 : vector<1x2000x128xf32> to vector<2000x128xf32>
    %swap3A_64 = vector.shape_cast %mul3A_29 : vector<2000x128xf32> to vector<1x2000x128xf32>
    tpu.vector_store %arg7[%swap3A_59, %swap3A_60, %swap3A_61], %swap3A_64 {strides = array<i32>} : memref<4x2000x128xf32, #tpu.memory_space<vmem>>, vector<1x2000x128xf32>,
    return
  }
  func.func @transform_0(%arg0: i32) -> i32 {
    %c0_i32 = arith.constant 0 : i32
    %c0_i32_0 = arith.constant 0 : i32
    return %c0_i32 : i32
  }
  func.func @transform_1(%arg0: i32) -> (i32, i32, i32) {
    %c0_i32 = arith.constant 0 : i32
    %c0_i32_0 = arith.constant 0 : i32
    %c0_i32_1 = arith.constant 0 : i32
    return %c0_i32, %arg0, %c0_i32_0 : i32, i32, i32
  }
  func.func @transform_2(%arg0: i32) -> (i32, i32) {
    %c0_i32 = arith.constant 0 : i32
    %c0_i32_0 = arith.constant 0 : i32
    return %arg0, %c0_i32 : i32, i32
  }
  func.func @transform_3(%arg0: i32) -> (i32, i32) {
    %c0_i32 = arith.constant 0 : i32
    %c0_i32_0 = arith.constant 0 : i32
    return %arg0, %c0_i32 : i32, i32
  }
  func.func @transform_4(%arg0: i32) -> (i32, i32) {
    %c0_i32 = arith.constant 0 : i32
    %c0_i32_0 = arith.constant 0 : i32
    %c0_i32_1 = arith.constant 0 : i32
    return %c0_i32, %c0_i32_0 : i32, i32
  }
  func.func @transform_5(%arg0: i32) -> (i32, i32) {
    %c0_i32 = arith.constant 0 : i32
    %c0_i32_0 = arith.constant 0 : i32
    %c0_i32_1 = arith.constant 0 : i32
    return %c0_i32, %c0_i32_0 : i32, i32
  }
  func.func @transform_6(%arg0: i32) -> (i32, i32, i32) {
    %c0_i32 = arith.constant 0 : i32
    %c0_i32_0 = arith.constant 0 : i32
    %c0_i32_1 = arith.constant 0 : i32
    return %c0_i32, %arg0, %c0_i32_0 : i32, i32, i32
  }
}

module attributes {stable_mosaic.version = 14 : i64} {
  func.func @_head_body(%arg0: i32, %arg1: memref<2x2000x128xf32, #tpu.memory_space<vmem>>, %arg2: memref<2000x128xf32, #tpu.memory_space<vmem>>, %arg3: memref<2000x1xf32, #tpu.memory_space<vmem>>, %arg4: memref<1x128xf32, #tpu.memory_space<vmem>>, %arg5: memref<128x128xf32, #tpu.memory_space<vmem>>, %arg6: memref<1x128xf32, #tpu.memory_space<vmem>>, %arg7: memref<128x64xf32, #tpu.memory_space<vmem>>, %arg8: memref<1x64xf32, #tpu.memory_space<vmem>>, %arg9: memref<2000x64xf32, #tpu.memory_space<vmem>>) attributes {dimension_semantics = [#tpu.dimension_semantics<arbitrary>], iteration_bounds = array<i64: 5>, scalar_prefetch = 0 : i64, scratch_operands = 0 : i64, tpu.core_type = #tpu.core_type<tc>, window_params = [{transform_indices = @transform_0, window_bounds = array<i64: 2, 2000, 128>}, {transform_indices = @transform_1, window_bounds = array<i64: 2000, 128>}, {transform_indices = @transform_2, window_bounds = array<i64: 2000, 1>}, {pipeline_mode = #tpu.pipeline_mode<synchronous>, transform_indices = @transform_3, window_bounds = array<i64: 1, 128>}, {pipeline_mode = #tpu.pipeline_mode<synchronous>, transform_indices = @transform_4, window_bounds = array<i64: 128, 128>}, {pipeline_mode = #tpu.pipeline_mode<synchronous>, transform_indices = @transform_5, window_bounds = array<i64: 1, 128>}, {pipeline_mode = #tpu.pipeline_mode<synchronous>, transform_indices = @transform_6, window_bounds = array<i64: 128, 64>}, {pipeline_mode = #tpu.pipeline_mode<synchronous>, transform_indices = @transform_7, window_bounds = array<i64: 1, 64>}, {transform_indices = @transform_8, window_bounds = array<i64: 2000, 64>}]} {
    %get3A = arith.constant 0 : index
    %get3A_0 = arith.constant 0 : index
    %get3A_1 = vector.load %arg3[%get3A, %get3A_0] : memref<2000x1xf32, #tpu.memory_space<vmem>>, vector<2000x1xf32>
    %get3A_2 = arith.constant 0 : index
    %get3A_3 = arith.constant 0 : index
    %get3A_4 = arith.constant 0 : index
    %get3A_5 = vector.load %arg1[%get3A_2, %get3A_3, %get3A_4] : memref<2x2000x128xf32, #tpu.memory_space<vmem>>, vector<1x2000x128xf32>
    %get3A_6 = vector.shape_cast %get3A_5 : vector<1x2000x128xf32> to vector<2000x128xf32>
    %get3A_7 = arith.constant 1 : index
    %get3A_8 = arith.constant 0 : index
    %get3A_9 = arith.constant 0 : index
    %get3A_10 = vector.load %arg1[%get3A_7, %get3A_8, %get3A_9] : memref<2x2000x128xf32, #tpu.memory_space<vmem>>, vector<1x2000x128xf32>
    %get3A_11 = vector.shape_cast %get3A_10 : vector<1x2000x128xf32> to vector<2000x128xf32>
    %add3A = arith.addf %get3A_6, %get3A_11 : vector<2000x128xf32>
    %get3A_12 = arith.constant 0 : index
    %get3A_13 = arith.constant 0 : index
    %get3A_14 = vector.load %arg2[%get3A_12, %get3A_13] : memref<2000x128xf32, #tpu.memory_space<vmem>>, vector<2000x128xf32>
    %add3A_15 = arith.addf %add3A, %get3A_14 : vector<2000x128xf32>
    %mul3A = vector.broadcast %get3A_1 : vector<2000x1xf32> to vector<2000x128xf32>
    %mul3A_16 = arith.mulf %mul3A, %add3A_15 : vector<2000x128xf32>
    %get3A_17 = arith.constant 0 : index
    %get3A_18 = arith.constant 0 : index
    %get3A_19 = vector.load %arg4[%get3A_17, %get3A_18] : memref<1x128xf32, #tpu.memory_space<vmem>>, vector<1x128xf32>
    %add3A_20 = vector.broadcast %get3A_19 : vector<1x128xf32> to vector<2000x128xf32>
    %add3A_21 = arith.addf %mul3A_16, %add3A_20 : vector<2000x128xf32>
    %max3A = arith.constant 0.000000e+00 : f32
    %max3A_22 = vector.broadcast %max3A : f32 to vector<2000x128xf32>
    %max3A_23 = arith.maximumf %add3A_21, %max3A_22 : vector<2000x128xf32>
    %get3A_24 = arith.constant 0 : index
    %get3A_25 = arith.constant 0 : index
    %get3A_26 = vector.load %arg5[%get3A_24, %get3A_25] : memref<128x128xf32, #tpu.memory_space<vmem>>, vector<128x128xf32>
    %dot_general3A = arith.constant dense<0.000000e+00> : vector<2000x128xf32>
    %dot_general3A_27 = tpu.matmul %max3A_23, %get3A_26, %dot_general3A {dimension_numbers = #tpu.dot_dimension_numbers<[1], [0], [0], [1], [0, 0, 1, 1], [], []>, transpose_lhs_hint = false} : vector<2000x128xf32>, vector<128x128xf32>, vector<2000x128xf32> -> vector<2000x128xf32>
    %get3A_28 = arith.constant 0 : index
    %get3A_29 = arith.constant 0 : index
    %get3A_30 = vector.load %arg6[%get3A_28, %get3A_29] : memref<1x128xf32, #tpu.memory_space<vmem>>, vector<1x128xf32>
    %add3A_31 = vector.broadcast %get3A_30 : vector<1x128xf32> to vector<2000x128xf32>
    %add3A_32 = arith.addf %dot_general3A_27, %add3A_31 : vector<2000x128xf32>
    %max3A_33 = arith.constant 0.000000e+00 : f32
    %max3A_34 = vector.broadcast %max3A_33 : f32 to vector<2000x128xf32>
    %max3A_35 = arith.maximumf %add3A_32, %max3A_34 : vector<2000x128xf32>
    %get3A_36 = arith.constant 0 : index
    %get3A_37 = arith.constant 0 : index
    %get3A_38 = vector.load %arg7[%get3A_36, %get3A_37] : memref<128x64xf32, #tpu.memory_space<vmem>>, vector<128x64xf32>
    %dot_general3A_39 = arith.constant dense<0.000000e+00> : vector<2000x64xf32>
    %dot_general3A_40 = tpu.matmul %max3A_35, %get3A_38, %dot_general3A_39 {dimension_numbers = #tpu.dot_dimension_numbers<[1], [0], [0], [1], [0, 0, 1, 1], [], []>, transpose_lhs_hint = false} : vector<2000x128xf32>, vector<128x64xf32>, vector<2000x64xf32> -> vector<2000x64xf32>
    %get3A_41 = arith.constant 0 : index
    %get3A_42 = arith.constant 0 : index
    %get3A_43 = vector.load %arg8[%get3A_41, %get3A_42] : memref<1x64xf32, #tpu.memory_space<vmem>>, vector<1x64xf32>
    %add3A_44 = vector.broadcast %get3A_43 : vector<1x64xf32> to vector<2000x64xf32>
    %add3A_45 = arith.addf %dot_general3A_40, %add3A_44 : vector<2000x64xf32>
    %logistic3A = arith.negf %add3A_45 : vector<2000x64xf32>
    %logistic3A_46 = math.exp %logistic3A : vector<2000x64xf32>
    %logistic3A_47 = arith.constant 1.000000e+00 : f32
    %logistic3A_48 = vector.broadcast %logistic3A_47 : f32 to vector<2000x64xf32>
    %logistic3A_49 = arith.addf %logistic3A_48, %logistic3A_46 : vector<2000x64xf32>
    %logistic3A_50 = arith.divf %logistic3A_48, %logistic3A_49 : vector<2000x64xf32>
    %swap3A = arith.constant 0 : index
    %swap3A_51 = arith.constant 0 : index
    %swap3A_52 = vector.load %arg9[%swap3A, %swap3A_51] : memref<2000x64xf32, #tpu.memory_space<vmem>>, vector<2000x64xf32>
    tpu.vector_store %arg9[%swap3A, %swap3A_51], %logistic3A_50 {strides = array<i32>} : memref<2000x64xf32, #tpu.memory_space<vmem>>, vector<2000x64xf32>,
    return
  }
  func.func @transform_0(%arg0: i32) -> (i32, i32, i32) {
    %c0_i32 = arith.constant 0 : i32
    %c0_i32_0 = arith.constant 0 : i32
    %c0_i32_1 = arith.constant 0 : i32
    return %c0_i32, %arg0, %c0_i32_0 : i32, i32, i32
  }
  func.func @transform_1(%arg0: i32) -> (i32, i32) {
    %c0_i32 = arith.constant 0 : i32
    %c0_i32_0 = arith.constant 0 : i32
    return %arg0, %c0_i32 : i32, i32
  }
  func.func @transform_2(%arg0: i32) -> (i32, i32) {
    %c0_i32 = arith.constant 0 : i32
    %c0_i32_0 = arith.constant 0 : i32
    return %arg0, %c0_i32 : i32, i32
  }
  func.func @transform_3(%arg0: i32) -> (i32, i32) {
    %c0_i32 = arith.constant 0 : i32
    %c0_i32_0 = arith.constant 0 : i32
    %c0_i32_1 = arith.constant 0 : i32
    return %c0_i32, %c0_i32_0 : i32, i32
  }
  func.func @transform_4(%arg0: i32) -> (i32, i32) {
    %c0_i32 = arith.constant 0 : i32
    %c0_i32_0 = arith.constant 0 : i32
    %c0_i32_1 = arith.constant 0 : i32
    return %c0_i32, %c0_i32_0 : i32, i32
  }
  func.func @transform_5(%arg0: i32) -> (i32, i32) {
    %c0_i32 = arith.constant 0 : i32
    %c0_i32_0 = arith.constant 0 : i32
    %c0_i32_1 = arith.constant 0 : i32
    return %c0_i32, %c0_i32_0 : i32, i32
  }
  func.func @transform_6(%arg0: i32) -> (i32, i32) {
    %c0_i32 = arith.constant 0 : i32
    %c0_i32_0 = arith.constant 0 : i32
    %c0_i32_1 = arith.constant 0 : i32
    return %c0_i32, %c0_i32_0 : i32, i32
  }
  func.func @transform_7(%arg0: i32) -> (i32, i32) {
    %c0_i32 = arith.constant 0 : i32
    %c0_i32_0 = arith.constant 0 : i32
    %c0_i32_1 = arith.constant 0 : i32
    return %c0_i32, %c0_i32_0 : i32, i32
  }
  func.func @transform_8(%arg0: i32) -> (i32, i32) {
    %c0_i32 = arith.constant 0 : i32
    %c0_i32_0 = arith.constant 0 : i32
    return %arg0, %c0_i32 : i32, i32
  }
}

</mosaic_0001>

<sc_bundles>
// kernel: kernel.11.cloned.1.call-start
scs
__scs_entry_jumppad:
0x0: {  	(pc) =	sbr.rel $0x88, $3  }
0x1: {  	(tag) =	ssettag $0x0;
	lr =	simm.s32 $0x1  }
0x2: {  	[smem:$0x3F93] =	sst lr;
	_ =	strace $0xD0000000  }
0x3: {  	_ = 	snop  }
0x4: {  	_ = 	snop  }
0x5: {  	_ = 	snop  }
0x6: {  	_ = 	snop  }
0x7: {  	_ = 	snop  }
__scs_overlays_trampoline_lowered:
0x8: {  	[smem:$0x3FA2] =	sst s0  }
0x9: {  	[smem:$0x3FA3] =	sst s1  }
0xa: {  	[smem:$0x3FA4] =	sst s2  }
0xb: {  	[smem:$0x3FA5] =	sst s3  }
0xc: {  	[smem:$0x3FA6] =	sst s4  }
0xd: {  	[smem:$0x3FA7] =	sst s5  }
0xe: {  	[smem:$0x3FA8] =	sst s6  }
0xf: {  	[smem:$0x3FA9] =	sst s7  }
0x10: {  	[smem:$0x3FAA] =	sst s8  }
0x11: {  	[smem:$0x3FAB] =	sst s9;
	s0 =	simm.s32 @!p0 $0x0  }
0x12: {  	s1 =	sld [smem:$0x3F91];
	s0 =	simm.s32 @p0 $0x1  }
0x13: {  	[smem:$0x3FAC] =	sst s0;
	s0 =	simm.s32 @!p1 $0x0  }
0x14: {  	s2 =	sld [smem:$0x3F90];
	s0 =	simm.s32 @p1 $0x1  }
0x15: {  	[smem:$0x3FAD] =	sst s0;
	s0 =	simm.s32 @!p2 $0x0  }
0x16: {  	s3 =	sld [smem:$0x3FDB];
	s0 =	simm.s32 @p2 $0x1  }
0x17: {  	s4 =	simm.s32 $0x1BF5;
	[smem:$0x3FAF] =	sst s0  }
0x18: {  	s0 =	sld [smem:$0x3F92];
	_ =	swait.ge [sflag:s4], $0x0  }
0x19: {  	s7 =	sld [smem:$0x3F93]  }
0x1a: {  	s8 =	sadd.s32 $0xFFFFE003, lr  }
0x1b: {  	s9 =	sadd.s32 $0xFFFFFEF7, lr;
	s5 =	simm.s32 $0xFFFFFFFF;
	p2 =	slt.u32 s8, $0xFFFFF086  }
0x1c: {  	p1 =	slt.u32 s9, $0xF7A;
	s5 =	simm.s32 @!p2 $0x0  }
0x1d: {  	s5 =	simm.s32 @p1 $0x1;
	p0 =	seq.s32 s7, s2  }
0x1e: {  	s7 =	smul.u32 @!p0 $0xF7A, s2;
	p2 =	seq.s32 @!p0 s5, $0x0  }
0x1f: {  	s9 =	smul.u32 $0xF7A, s1;
	s8 =	simm.s32 @!p0 $0x1BF5;
	p2 =	por !p2, p0  }
0x20: {  	[sflag:s8] =	ssyncset.s32 @!p0 $0xFFFFF086;
	s6 =	sadd.s32 @!p0 s3, s7;
	s7 =	simm.s32 @!p0 $0x108  }
0x21: {  	s3 =	sadd.s32 s3, s9;
	s6 =	sadd.s32 @!p0 $0x88, s6;
	s7 =	simm.s32 @p2 $0x1082  }
0x22: {  	[simem:s7], [sflag:s8] =	dma.local @!p0 [hbm:s6], $0xF7A  }
0x23: {  	s9 =	sor.u32 $0xD0000000, s2;
	s6 =	simm.s32 $0x108;
	_ =	swait.ge @!p0 [sflag:s8], $0x0  }
0x24: {  	s3 =	sadd.s32 $0x88, s3;
	s6 =	simm.s32 @!p1 $0x1082;
	[sflag:s4] =	ssyncset.s32 $0xFFFFF086  }
0x25: {  	[simem:s6], [sflag:s4] =	dma.local [hbm:s3], $0xF7A  }
0x26: {  	[smem:$0x3F93] =	sst s1;
	(tag) =	ssettag s2;
	_ =	strace s9  }
0x27: {  	s1 =	sld [smem:$0x3FA3]  }
0x28: {  	s2 =	sld [smem:$0x3FA4]  }
0x29: {  	s4 =	sld [smem:$0x3FA6]  }
0x2a: {  	p0 =	seq.s32 s5, $0x0;
	s5 =	sld [smem:$0x3FA7]  }
0x2b: {  	s6 =	sld [smem:$0x3FA8]  }
0x2c: {  	s7 =	sld [smem:$0x3FA9]  }
0x2d: {  	s3 =	simm.s32 $0x108;
	s8 =	sld [smem:$0x3FAA]  }
0x2e: {  	s3 =	simm.s32 @!p0 $0x1082;
	s9 =	sld [smem:$0x3FAB]  }
0x2f: {  	lr =	sadd.s32 s0, s3;
	s0 =	sld [smem:$0x3FA2]  }
0x30: {  	s3 =	sld [smem:$0x3FA5]  }
0x31: {  	[smem:$0x3FAE] =	sst s10  }
0x32: {  	s10 =	sld [smem:$0x3FAC];
	_ =	sdelay $0x3  }
0x33: {  	p0 =	seq.s32 s10, $0x1;
	s10 =	sld [smem:$0x3FAE];
	_ =	sdelay $0x3  }
0x34: {  	[smem:$0x3FAE] =	sst s10  }
0x35: {  	s10 =	sld [smem:$0x3FAD];
	_ =	sdelay $0x3  }
0x36: {  	p1 =	seq.s32 s10, $0x1;
	s10 =	sld [smem:$0x3FAE];
	_ =	sdelay $0x3  }
0x37: {  	[smem:$0x3FAE] =	sst s10  }
0x38: {  	s10 =	sld [smem:$0x3FAF]  }
0x39: {  	_ = 	snop;
	(pc) =	sbr.ind lr, $3  }
0x3a: {  	_ = 	snop  }
0x3b: {  	_ = 	snop  }
0x3c: {  	p2 =	seq.s32 s10, $0x1;
	s10 =	sld [smem:$0x3FAE]  }
0x3d: {  	_ =	shalt  }
0x3e: {  	_ =	shalt  }
0x3f: {  	_ =	shalt  }
0x40: {  	_ =	shalt  }
0x41: {  	_ =	shalt  }
0x42: {  	_ =	shalt  }
0x43: {  	_ =	shalt  }
0x44: {  	_ =	shalt  }
0x45: {  	_ =	shalt  }
0x46: {  	_ =	shalt  }
0x47: {  	_ =	shalt  }
0x48: {  	_ =	shalt  }
0x49: {  	_ =	shalt  }
0x4a: {  	_ =	shalt  }
0x4b: {  	_ =	shalt  }
0x4c: {  	_ =	shalt  }
0x4d: {  	_ =	shalt  }
0x4e: {  	_ =	shalt  }
0x4f: {  	_ =	shalt  }
0x50: {  	_ =	shalt  }
0x51: {  	_ =	shalt  }
0x52: {  	_ =	shalt  }
0x53: {  	_ =	shalt  }
0x54: {  	_ =	shalt  }
0x55: {  	_ =	shalt  }
0x56: {  	_ =	shalt  }
0x57: {  	_ =	shalt  }
0x58: {  	_ =	shalt  }
0x59: {  	_ =	shalt  }
0x5a: {  	_ =	shalt  }
0x5b: {  	_ =	shalt  }
0x5c: {  	_ =	shalt  }
0x5d: {  	_ =	shalt  }
0x5e: {  	_ =	shalt  }
0x5f: {  	_ =	shalt  }
0x60: {  	_ =	shalt  }
0x61: {  	_ =	shalt  }
0x62: {  	_ =	shalt  }
0x63: {  	_ =	shalt  }
0x64: {  	_ =	shalt  }
0x65: {  	_ =	shalt  }
0x66: {  	_ =	shalt  }
0x67: {  	_ =	shalt  }
0x68: {  	_ =	shalt  }
0x69: {  	_ =	shalt  }
0x6a: {  	_ =	shalt  }
0x6b: {  	_ =	shalt  }
0x6c: {  	_ =	shalt  }
0x6d: {  	_ =	shalt  }
0x6e: {  	_ =	shalt  }
0x6f: {  	_ =	shalt  }
0x70: {  	_ =	shalt  }
0x71: {  	_ =	shalt  }
0x72: {  	_ =	shalt  }
0x73: {  	_ =	shalt  }
0x74: {  	_ =	shalt  }
0x75: {  	_ =	shalt  }
0x76: {  	_ =	shalt  }
0x77: {  	_ =	shalt  }
0x78: {  	_ =	shalt  }
0x79: {  	_ =	shalt  }
0x7a: {  	_ =	shalt  }
0x7b: {  	_ =	shalt  }
0x7c: {  	_ =	shalt  }
0x7d: {  	_ =	shalt  }
0x7e: {  	_ =	shalt  }
0x7f: {  	_ =	shalt  }
0x80: {  	_ =	shalt  }
0x81: {  	_ =	shalt  }
0x82: {  	_ =	shalt  }
0x83: {  	_ =	shalt  }
0x84: {  	_ =	shalt  }
0x85: {  	_ =	shalt  }
0x86: {  	_ =	shalt  }
0x87: {  	_ =	shalt  }
.Lfunc_end0:
.L_simem_size_0:
called_computation_lowered:
.L_overlay_start_0:
0x88: {  	s2 =	sld [smem:$0x3FD9]  }
0x89: {  	s3 =	sld [smem:$0x3FFE];
	_ =	sdelay $0x1  }
0x8a: {  	s1 =	srdreg.scid  }
0x8b: {  	s0 =	sand.u32 $0x1, s1  }
0x8c: {  	s17 =	sshll.u32 s0, $0xA;
	s2 =	sadd.s32 s3, s2  }
0x8d: {  	s2 =	sadd.s32 s2, s17  }
0x8e: {  	[smem:$0x3FBA] =	sst s2  }
0x8f: {  	_ = 	snop  }
0x90: {  	s2 =	sld [smem:$0x3FC7]  }
0x91: {  	s18 =	sld [smem:$0x3FD0];
	(tm) =	ssettm $0x1  }
0x92: {  	s4 =	sld [smem:$0x3FFB];
	_ =	sdelay $0x3  }
0x93: {  	_ =	strace s4  }
0x94: {  	s4 =	sld [smem:$0x3FFC];
	_ =	sdelay $0x3  }
0x95: {  	_ =	strace s4  }
0x96: {  	s4 =	sld [smem:$0x3FFD];
	_ =	sdelay $0x3  }
0x97: {  	_ =	strace s4  }
0x98: {  	_ =	strace $0x8FFFFFFF  }
0x99: {  	s19 =	sld [smem:$0x3FDB];
	_ =	sdelay $0x1  }
0x9a: {  	s5 =	simm.s32 $_scs_section_size  }
0x9b: {  	s6 =	simm.s32 $_size__tile_overlayer_lowered;
	s7 =	simm.s32 $_tile_overlayer_lowered  }
0x9c: {  	s22 =	simm.s32 $0x1BFF;
	s21 =	sshll.u32 s7, $0x1;
	s4 =	sadd.s32 s5, s19  }
0x9d: {  	s8 =	simm.s32 $0x0;
	s20 =	sshll.u32 s6, $0x1;
	s6 =	sadd.s32 s21, s4  }
0x9e: {  	[timem:s8], [sflag:s22] =	dma.local [hbm:s6], s20  }
0x9f: {  	_ =	swait.ge [sflag:s22], s20  }
0xa0: {  	s5 =	ssub.s32 $0x0, s20;
	[sflag:s22] =	ssyncset.done $0x0  }
0xa1: {  	[sflag:s22] =	ssyncadd.s32 s5;
	_ =	sdelay $0x1  }
0xa2: {  	s23 =	simm.s32 $0x1B8B  }
0xa3: {  	_ =	swait.ge [sflag:s23], $0x1  }
0xa4: {  	[sflag:s23] =	ssyncset.done $0x0  }
0xa5: {  	s25 =	simm.s32 $0x1B8E;
	s24 =	sld [smem:$0x3FFE];
	[sflag:s23] =	ssyncadd.s32 $0xFFFFFFFF  }
0xa6: {  	s26 =	simm.s32 $execute0_lowered;
	[smem:$0x3FD2] =	sst s25  }
0xa7: {  	s6 =	sshll.u32 s26, $0x1;
	_ =	strace $0x80000046;
	[dreg:$0x1] =	wrdreg $0xFFFFFFFF  }
0xa8: {  	s28 =	simm.s32 $_size_execute0_lowered;
	s4 =	sadd.s32 s4, s6;
	[dreg:$0x0] =	wrdreg $0x0  }
0xa9: {  	s6 =	sshll.u32 s28, $0x1;
	[dreg:$0x2] =	wrdreg s4  }
0xaa: {  	[dreg:$0x3] =	wrdreg s6  }
0xab: {  	[dreg:$0x4] =	wrdreg $0xC0  }
0xac: {  	_ =	task [dreg:s8], $0x5FFFF  }
0xad: {  	[dreg:$0x1] =	wrdreg $0xFFFFFFFF  }
0xae: {  	[dreg:$0x0] =	wrdreg $0x60  }
0xaf: {  	[dreg:$0x2] =	wrdreg s24  }
0xb0: {  	[dreg:$0x3] =	wrdreg s2  }
0xb1: {  	[dreg:$0x4] =	wrdreg s18  }
0xb2: {  	[dreg:$0x5] =	wrdreg $0x27100  }
0xb3: {  	[dreg:$0x6] =	wrdreg $0x9  }
0xb4: {  	_ =	task.clear_ibuf [dreg:s8], $0x7FFFF;
	_ =	strace $0x90000046  }
0xb5: {  	s29 =	simm.s32 $0x9;
	_ =	strace $0x80000048  }
0xb6: {  	_ =	swait.ge [sflag:s29], $0x1  }
0xb7: {  	[sflag:s29] =	ssyncadd.s32 $0xFFFFFFFF  }
0xb8: {  	_ =	strace $0x90000048  }
0xb9: {  	_ =	sfence  }
0xba: {  	s30 =	sld [smem:$0x0];
	_ =	sdelay $0x2  }
0xbb: {  	s31 =	sshll.u32 s1, $0xD;
	s1 =	sshrl.u32 s1, $0x2  }
0xbc: {  	s3 =	sand.u32 $0x4000, s31;
	s1 =	sadd.s32 s1, s30  }
0xbd: {  	s0 =	sor.u32 s3, s0;
	s1 =	sshll.u32 s1, $0x11  }
0xbe: {  	s0 =	sor.u32 s1, s0  }
0xbf: {  	s0 =	sadd.s32 $0x8F2B, s0  }
0xc0: {  	[sflag:s0] =	ssyncadd.remote.s32 $0x1  }
0xc1: {  	_ =	sfence.sel $0xFFFF  }
0xc2: {  	[dreg:$0x0] =	wrdreg $0xFFFFFFFF;
	(pc) =	sbr.abs _section_cstart, $3  }
0xc3: {  	[dreg:$0x1] =	wrdreg $0xFFFFFFFF  }
0xc4: {  	_ =	task.clear_ibuf [dreg:s8], $0x2FFFF;
	_ =	strace $0x9FFFFFFF  }
0xc5: {  	(tm) =	ssettm $0x7FFFFFFF  }
tec
execute0_lowered:
.L_overlay_start_1:
0x0: {  	(tag) =	ssettag $0x1  }
0x1: {  	s6 =	rddreg [dreg:$0x0]  }
0x2: {  	s7 =	rddreg [dreg:$0x1]  }
0x3: {  	s8 =	rddreg [dreg:$0x2]  }
0x4: {  	s1 =	rddreg [dreg:$0x3]  }
0x5: {  	s0 =	rddreg [dreg:$0x4];
	s3 =	simm.s32 $0x0  }
0x6: {  	s2 =	srdreg.scid;
	s15 =	simm.s32 $0x78A0;
	s16 =	simm.s32 $0x2990  }
0x7: {  	s19 =	simm.s32 $0x78B0;
	s20 =	simm.s32 $0x50;
	s21 =	simm.s32 $0x9FC0  }
0x8: {  	s22 =	simm.s32 $0x0;
	[smem:$0x7FF] =	sst s3;
	s9 =	sand.u32 $0x1, s2  }
0x9: {  	s2 =	stileid.u32;
	s5 =	smul.u32 $0x2800, s9;
	s4 =	sshll.u32 s9, $0x4  }
0xa: {  	_ =	strace $0x80000047;
	s10 =	sshll.u32 s2, $0xA;
	s9 =	ssub.s32 $0x2, s9  }
0xb: {  	p0 =	sgt.u32 s2, $0x9;
	s11 =	sor.u32 s2, s4;
	s4 =	sadd.s32 $0xD200, s6  }
0xc: {  	s31 =	sshrl.u32 s9, $0x1;
	s18 =	sadd.s32 s10, s1;
	s17 =	sshll.u32 @!p0 s2, $0x6  }
0xd: {  	s12 =	sadd.s32 s10, s5;
	s11 =	smul.u32 $0x4E2, s11;
	s5 =	sadd.s32 $0xD400, s6  }
0xe: {  	s14 =	ssub.s32 s9, s31;
	s17 =	sor.u32 @!p0 $0x1C01, s17;
	s12 =	sshrl.u32 s12, $0x3  }
0xf: {  	s18 =	sshrl.u32 @!p0 s18, $0x3;
	s12 =	sadd.s32 s12, s6;
	s13 =	sadd.s32 s11, s6  }
0x10: {  	v0 =	vlaneseq.u32;
	s7 =	sadd.s32 s7, s11;
	s8 =	sadd.s32 s8, s11;
	s11 =	smax.u32 s14, $0x1  }
0x11: {  	v1 =	vor.u32 $0x10, v0;
	s14 =	simm.s32 $0x5190;
	s6 =	sadd.s32 $0x3400, s13;
	s9 =	sadd.s32 $0x10600, s13  }
0x12: {  	v2 =	vor.u32 $0x20, v0;
	v3 =	vor.u32 $0x30, v0;
	v4 =	vor.u32 $0x40, v0;
	s10 =	sadd.s32 $0xFC00, s12;
	s12 =	simm.s32 $0xA010;
	s13 =	simm.s32 $0x1  }
.LBB2_1:
0x13: {  	[tilespmem:s12], [sflag:$0x1] =	stream.linear.gather [hbm4b:s6+s3], $0x2710, $0x38;
	[tilespmem:$0xC720] =	vst v63  }
0x14: {  	_ =	swait.ge [sflag:s13], $0x2710  }
0x15: {  	[sflag:s13] =	ssyncset.done $0x0  }
0x16: {  	[sflag:s13] =	ssyncadd.s32 $0xFFFFD8F0  }
0x17: {  	[tilespmem:s3], [sflag:$0x1] =	stream.linear.gather [hbm4b:s7+s3], $0x2710, $0x38;
	[tilespmem:$0xC720] =	vst v63  }
0x18: {  	_ =	swait.ge [sflag:s13], $0x2710  }
0x19: {  	[sflag:s13] =	ssyncset.done $0x0  }
0x1a: {  	[sflag:s13] =	ssyncadd.s32 $0xFFFFD8F0  }
0x1b: {  	[tilespmem:s14], [sflag:$0x1] =	stream.linear.gather [hbm4b:s8+s3], $0x2710, $0x38;
	[tilespmem:$0xC720] =	vst v63  }
0x1c: {  	_ =	swait.ge [sflag:s13], $0x2710  }
0x1d: {  	[sflag:s13] =	ssyncset.done $0x0  }
0x1e: {  	[sflag:s13] =	ssyncadd.s32 $0xFFFFD8F0  }
0x1f: {  	[tilespmem:s15], [sflag:$0x1] =	stream.linear.gather [hbm4b:s4+s3], $0x10, $0x38;
	[tilespmem:$0xC720] =	vst v63  }
0x20: {  	_ =	swait.ge [sflag:s13], $0x10  }
0x21: {  	[sflag:s13] =	ssyncset.done $0x0  }
0x22: {  	[sflag:s13] =	ssyncadd.s32 $0xFFFFFFF0  }
0x23: {  	[tilespmem:s16], [sflag:$0x1] =	stream.linear.gather [hbm4b:s5+s3], $0x2800, $0x38;
	[tilespmem:$0xC720] =	vst v63  }
0x24: {  	_ =	swait.ge [sflag:s13], $0x2800  }
0x25: {  	[sflag:s13] =	ssyncset.done $0x0  }
0x26: {  	s23 =	simm.s32 @!p0 $0x1;
	[sflag:s13] =	ssyncadd.s32 $0xFFFFD800  }
0x27: {  	[spmem:s18], [sflag:s17] =	dma.local @!p0 [hbm:s5], $0x80  }
0x28: {  	_ =	swait.ge @!p0 [sflag:s23], $0x80  }
0x29: {  	[sflag:s23] =	ssyncset.done @!p0 $0x0  }
0x2a: {  	[sflag:s23] =	ssyncadd.s32 @!p0 $0xFFFFFF80  }
0x2b: {  	v6 =	vld [tilespmem:$0x78A0]  }
0x2c: {  	[tilespmem:$0x9FC0] =	vst v0  }
0x2d: {  	[tilespmem:$0x9FD0] =	vst v1  }
0x2e: {  	[tilespmem:$0x9FE0] =	vst v2  }
0x2f: {  	[tilespmem:$0x9FF0] =	vst v3  }
0x30: {  	s23 =	simm.s32 $0x0;
	[tilespmem:$0xA000] =	vst v4;
	v5 =	vbroadcast v6, $0x1  }
0x31: {  	s24 =	simm.s32 $0x40;
	v8 =	vld [tilespmem:s23+$0x0];
	v7 =	vbroadcast v6, $0x2;
	v6 =	vbroadcast v6, $0x0  }
.LBB2_2:
0x32: {  	p1 =	sne.s32 s24, $0x9C00;
	v9 =	vld [tilespmem:s23+$0x5190]  }
0x33: {  	v10 =	vld [tilespmem:s23+$0xA010];
	_ =	sdelay $0x2  }
0x34: {  	v11 =	vmul.u32 $0x2710, v8  }
.Ltmp0:
0x35: {  	vm0 =	veq.s32 v8, $0x1;
	(pc) =	sbr.rel @p1 .LBB2_2-.Ltmp0, $4  }
0x36: {  	vm1 =	veq.s32 v8, $0x0;
	v8 =	vsel vm0, v5, v7;
	v10 =	vadd.s32 v10, v11  }
0x37: {  	v8 =	vsel vm1, v6, v8;
	[tilespmem:s23+$0x78B0] =	vst v10  }
0x38: {  	s23 =	sshra.s32 s24, $0x2;
	[tilespmem:v9+s16+$0x0] =	vst.idx.add.f32.msk $0xffff, v8  }
0x39: {  	s24 =	sadd.s32 $0x40, s24;
	v8 =	vld [tilespmem:s23+$0x0]  }
0x3a: {  	v9 =	vld [tilespmem:s23+$0x5190]  }
0x3b: {  	v10 =	vld [tilespmem:s23+$0xA010];
	_ =	sdelay $0x2  }
0x3c: {  	v11 =	vmul.u32 $0x2710, v8  }
0x3d: {  	vm0 =	veq.s32 v8, $0x1  }
0x3e: {  	vm1 =	veq.s32 v8, $0x0;
	v5 =	vsel vm0, v5, v7;
	v10 =	vadd.s32 v10, v11  }
0x3f: {  	v5 =	vsel vm1, v6, v5;
	[tilespmem:s23+$0x78B0] =	vst v10  }
0x40: {  	[tilespmem:v9+s16+$0x0] =	vst.idx.add.f32.msk $0xffff, v5  }
0x41: {  	[hbm4b:s9+s3] =	stream.linear.scatter [tilespmem:s19], [sflag:$0x1], $0x2710, $0x38;
	[tilespmem:$0xC720] =	vst v63  }
0x42: {  	_ =	swait.ge [sflag:s13], $0x2710  }
0x43: {  	[sflag:s13] =	ssyncset.done $0x0  }
0x44: {  	[sflag:s13] =	ssyncadd.s32 $0xFFFFD8F0  }
0x45: {  	[bflag:$0x0] =	sbarrier.arrive $0xFFFF  }
0x46: {  	[spmem:s1] =	stream.indirect.scatter.add.f32 [tilespmem:s16], [sflag:$0x1], $0x80, s21, s20, $0xb8;
	[tilespmem:$0xC720] =	vst v63  }
0x47: {  	_ =	swait.ge [sflag:s13], $0x2800  }
0x48: {  	s22 =	sadd.s32 $0x1, s22;
	[sflag:s13] =	ssyncset.done $0x0  }
0x49: {  	p1 =	sne.s32 s22, s11;
	[sflag:s13] =	ssyncadd.s32 $0xFFFFD800  }
.Ltmp1:
0x4a: {  	s23 =	simm.s32 @!p0 $0x1;
	[bflag:$0x0] =	sbarrier.arrive $0xFFFF;
	(pc) =	sbr.rel @p1 .LBB2_1-.Ltmp1, $4  }
0x4b: {  	[hbm:s10], [sflag:s17] =	dma.local @!p0 [spmem:s18], $0x80  }
0x4c: {  	_ =	swait.ge @!p0 [sflag:s23], $0x80  }
0x4d: {  	[sflag:s23] =	ssyncset.done @!p0 $0x0  }
0x4e: {  	[sflag:s23] =	ssyncadd.s32 @!p0 $0xFFFFFF80  }
0x4f: {  	_ =	sfence.sel $0x180000  }
0x50: {  	[bflag:$0x0] =	sbarrier.arrive $0xFFFF  }
0x51: {  	p0 =	sne.s32 s2, $0x0;
	_ =	strace $0x90000047  }
0x52: {  	s0 =	sadd.s32 @!p0 $0x100000, s0;
	[bflag:$0x2] =	sbarrier.arrive $0xFFFF  }
0x53: {  	[sflag:s0] =	ssyncadd.tile.s32 @!p0 $0x1;
	_ =	shalt  }
.Lfunc_end2:
_tile_overlayer_lowered:
.L_overlay_start_2:
0x54: {  	(tag) =	ssettag $0x2  }
0x55: {  	s0 =	rddreg [dreg:$0x0];
	s2 =	stileid.u32  }
0x56: {  	s1 =	rddreg [dreg:$0x1];
	p0 =	sne.s32 s2, $0x0  }
0x57: {  	s3 =	rddreg [dreg:$0x2];
	[bflag:$0x3] =	sbarrier.arrive $0xFFFF;
	s2 =	simm.s32 @!p0 $0x1C01  }
0x58: {  	[timem:s3], [sflag:s2] =	dma.local @!p0 [hbm:s0], s1  }
0x59: {  	s0 =	simm.s32 @!p0 $0x1  }
0x5a: {  	_ =	swait.ge @!p0 [sflag:s0], s1  }
0x5b: {  	s1 =	ssub.s32 @!p0 $0x0, s1;
	[sflag:s0] =	ssyncset.done @!p0 $0x0  }
0x5c: {  	[sflag:s0] =	ssyncadd.s32 @!p0 s1  }
0x5d: {  	[bflag:$0x3] =	sbarrier.arrive $0xFFFF  }
0x5e: {  	_ =	shalt  }

// kernel: kernel.14.cloned.1.call-start
scs
__scs_entry_jumppad:
0x0: {  	(pc) =	sbr.rel $0x88, $3  }
0x1: {  	(tag) =	ssettag $0x0;
	lr =	simm.s32 $0x1  }
0x2: {  	[smem:$0x3F93] =	sst lr;
	_ =	strace $0xD0000000  }
0x3: {  	_ = 	snop  }
0x4: {  	_ = 	snop  }
0x5: {  	_ = 	snop  }
0x6: {  	_ = 	snop  }
0x7: {  	_ = 	snop  }
__scs_overlays_trampoline_lowered:
0x8: {  	[smem:$0x3FA2] =	sst s0  }
0x9: {  	[smem:$0x3FA3] =	sst s1  }
0xa: {  	[smem:$0x3FA4] =	sst s2  }
0xb: {  	[smem:$0x3FA5] =	sst s3  }
0xc: {  	[smem:$0x3FA6] =	sst s4  }
0xd: {  	[smem:$0x3FA7] =	sst s5  }
0xe: {  	[smem:$0x3FA8] =	sst s6  }
0xf: {  	[smem:$0x3FA9] =	sst s7  }
0x10: {  	[smem:$0x3FAA] =	sst s8  }
0x11: {  	[smem:$0x3FAB] =	sst s9;
	s0 =	simm.s32 @!p0 $0x0  }
0x12: {  	s1 =	sld [smem:$0x3F91];
	s0 =	simm.s32 @p0 $0x1  }
0x13: {  	[smem:$0x3FAC] =	sst s0;
	s0 =	simm.s32 @!p1 $0x0  }
0x14: {  	s2 =	sld [smem:$0x3F90];
	s0 =	simm.s32 @p1 $0x1  }
0x15: {  	[smem:$0x3FAD] =	sst s0;
	s0 =	simm.s32 @!p2 $0x0  }
0x16: {  	s3 =	sld [smem:$0x3FDB];
	s0 =	simm.s32 @p2 $0x1  }
0x17: {  	s4 =	simm.s32 $0x1BF5;
	[smem:$0x3FAF] =	sst s0  }
0x18: {  	s0 =	sld [smem:$0x3F92];
	_ =	swait.ge [sflag:s4], $0x0  }
0x19: {  	s7 =	sld [smem:$0x3F93]  }
0x1a: {  	s8 =	sadd.s32 $0xFFFFE003, lr  }
0x1b: {  	s9 =	sadd.s32 $0xFFFFFEF7, lr;
	s5 =	simm.s32 $0xFFFFFFFF;
	p2 =	slt.u32 s8, $0xFFFFF086  }
0x1c: {  	p1 =	slt.u32 s9, $0xF7A;
	s5 =	simm.s32 @!p2 $0x0  }
0x1d: {  	s5 =	simm.s32 @p1 $0x1;
	p0 =	seq.s32 s7, s2  }
0x1e: {  	s7 =	smul.u32 @!p0 $0xF7A, s2;
	p2 =	seq.s32 @!p0 s5, $0x0  }
0x1f: {  	s9 =	smul.u32 $0xF7A, s1;
	s8 =	simm.s32 @!p0 $0x1BF5;
	p2 =	por !p2, p0  }
0x20: {  	[sflag:s8] =	ssyncset.s32 @!p0 $0xFFFFF086;
	s6 =	sadd.s32 @!p0 s3, s7;
	s7 =	simm.s32 @!p0 $0x108  }
0x21: {  	s3 =	sadd.s32 s3, s9;
	s6 =	sadd.s32 @!p0 $0x88, s6;
	s7 =	simm.s32 @p2 $0x1082  }
0x22: {  	[simem:s7], [sflag:s8] =	dma.local @!p0 [hbm:s6], $0xF7A  }
0x23: {  	s9 =	sor.u32 $0xD0000000, s2;
	s6 =	simm.s32 $0x108;
	_ =	swait.ge @!p0 [sflag:s8], $0x0  }
0x24: {  	s3 =	sadd.s32 $0x88, s3;
	s6 =	simm.s32 @!p1 $0x1082;
	[sflag:s4] =	ssyncset.s32 $0xFFFFF086  }
0x25: {  	[simem:s6], [sflag:s4] =	dma.local [hbm:s3], $0xF7A  }
0x26: {  	[smem:$0x3F93] =	sst s1;
	(tag) =	ssettag s2;
	_ =	strace s9  }
0x27: {  	s1 =	sld [smem:$0x3FA3]  }
0x28: {  	s2 =	sld [smem:$0x3FA4]  }
0x29: {  	s4 =	sld [smem:$0x3FA6]  }
0x2a: {  	p0 =	seq.s32 s5, $0x0;
	s5 =	sld [smem:$0x3FA7]  }
0x2b: {  	s6 =	sld [smem:$0x3FA8]  }
0x2c: {  	s7 =	sld [smem:$0x3FA9]  }
0x2d: {  	s3 =	simm.s32 $0x108;
	s8 =	sld [smem:$0x3FAA]  }
0x2e: {  	s3 =	simm.s32 @!p0 $0x1082;
	s9 =	sld [smem:$0x3FAB]  }
0x2f: {  	lr =	sadd.s32 s0, s3;
	s0 =	sld [smem:$0x3FA2]  }
0x30: {  	s3 =	sld [smem:$0x3FA5]  }
0x31: {  	[smem:$0x3FAE] =	sst s10  }
0x32: {  	s10 =	sld [smem:$0x3FAC];
	_ =	sdelay $0x3  }
0x33: {  	p0 =	seq.s32 s10, $0x1;
	s10 =	sld [smem:$0x3FAE];
	_ =	sdelay $0x3  }
0x34: {  	[smem:$0x3FAE] =	sst s10  }
0x35: {  	s10 =	sld [smem:$0x3FAD];
	_ =	sdelay $0x3  }
0x36: {  	p1 =	seq.s32 s10, $0x1;
	s10 =	sld [smem:$0x3FAE];
	_ =	sdelay $0x3  }
0x37: {  	[smem:$0x3FAE] =	sst s10  }
0x38: {  	s10 =	sld [smem:$0x3FAF]  }
0x39: {  	_ = 	snop;
	(pc) =	sbr.ind lr, $3  }
0x3a: {  	_ = 	snop  }
0x3b: {  	_ = 	snop  }
0x3c: {  	p2 =	seq.s32 s10, $0x1;
	s10 =	sld [smem:$0x3FAE]  }
0x3d: {  	_ =	shalt  }
0x3e: {  	_ =	shalt  }
0x3f: {  	_ =	shalt  }
0x40: {  	_ =	shalt  }
0x41: {  	_ =	shalt  }
0x42: {  	_ =	shalt  }
0x43: {  	_ =	shalt  }
0x44: {  	_ =	shalt  }
0x45: {  	_ =	shalt  }
0x46: {  	_ =	shalt  }
0x47: {  	_ =	shalt  }
0x48: {  	_ =	shalt  }
0x49: {  	_ =	shalt  }
0x4a: {  	_ =	shalt  }
0x4b: {  	_ =	shalt  }
0x4c: {  	_ =	shalt  }
0x4d: {  	_ =	shalt  }
0x4e: {  	_ =	shalt  }
0x4f: {  	_ =	shalt  }
0x50: {  	_ =	shalt  }
0x51: {  	_ =	shalt  }
0x52: {  	_ =	shalt  }
0x53: {  	_ =	shalt  }
0x54: {  	_ =	shalt  }
0x55: {  	_ =	shalt  }
0x56: {  	_ =	shalt  }
0x57: {  	_ =	shalt  }
0x58: {  	_ =	shalt  }
0x59: {  	_ =	shalt  }
0x5a: {  	_ =	shalt  }
0x5b: {  	_ =	shalt  }
0x5c: {  	_ =	shalt  }
0x5d: {  	_ =	shalt  }
0x5e: {  	_ =	shalt  }
0x5f: {  	_ =	shalt  }
0x60: {  	_ =	shalt  }
0x61: {  	_ =	shalt  }
0x62: {  	_ =	shalt  }
0x63: {  	_ =	shalt  }
0x64: {  	_ =	shalt  }
0x65: {  	_ =	shalt  }
0x66: {  	_ =	shalt  }
0x67: {  	_ =	shalt  }
0x68: {  	_ =	shalt  }
0x69: {  	_ =	shalt  }
0x6a: {  	_ =	shalt  }
0x6b: {  	_ =	shalt  }
0x6c: {  	_ =	shalt  }
0x6d: {  	_ =	shalt  }
0x6e: {  	_ =	shalt  }
0x6f: {  	_ =	shalt  }
0x70: {  	_ =	shalt  }
0x71: {  	_ =	shalt  }
0x72: {  	_ =	shalt  }
0x73: {  	_ =	shalt  }
0x74: {  	_ =	shalt  }
0x75: {  	_ =	shalt  }
0x76: {  	_ =	shalt  }
0x77: {  	_ =	shalt  }
0x78: {  	_ =	shalt  }
0x79: {  	_ =	shalt  }
0x7a: {  	_ =	shalt  }
0x7b: {  	_ =	shalt  }
0x7c: {  	_ =	shalt  }
0x7d: {  	_ =	shalt  }
0x7e: {  	_ =	shalt  }
0x7f: {  	_ =	shalt  }
0x80: {  	_ =	shalt  }
0x81: {  	_ =	shalt  }
0x82: {  	_ =	shalt  }
0x83: {  	_ =	shalt  }
0x84: {  	_ =	shalt  }
0x85: {  	_ =	shalt  }
0x86: {  	_ =	shalt  }
0x87: {  	_ =	shalt  }
.Lfunc_end0:
.L_simem_size_0:
called_computation.1_lowered:
.L_overlay_start_0:
0x88: {  	s2 =	sld [smem:$0x3FD9]  }
0x89: {  	s3 =	sld [smem:$0x3FFE];
	_ =	sdelay $0x1  }
0x8a: {  	s1 =	srdreg.scid  }
0x8b: {  	s0 =	sand.u32 $0x1, s1  }
0x8c: {  	s17 =	sshll.u32 s0, $0xA;
	s2 =	sadd.s32 s3, s2  }
0x8d: {  	s2 =	sadd.s32 s2, s17  }
0x8e: {  	[smem:$0x3FBA] =	sst s2  }
0x8f: {  	_ = 	snop  }
0x90: {  	s2 =	sld [smem:$0x3FD0];
	(tm) =	ssettm $0x1  }
0x91: {  	s18 =	sld [smem:$0x3FFB];
	_ =	sdelay $0x3  }
0x92: {  	_ =	strace s18  }
0x93: {  	s3 =	sld [smem:$0x3FFC];
	_ =	sdelay $0x3  }
0x94: {  	_ =	strace s3  }
0x95: {  	s3 =	sld [smem:$0x3FFD];
	_ =	sdelay $0x3  }
0x96: {  	_ =	strace s3  }
0x97: {  	_ =	strace $0x8FFFFFFF  }
0x98: {  	s19 =	sld [smem:$0x3FDB];
	_ =	sdelay $0x1  }
0x99: {  	s4 =	simm.s32 $_scs_section_size  }
0x9a: {  	s5 =	simm.s32 $_size__tile_overlayer_lowered;
	s6 =	simm.s32 $_tile_overlayer_lowered  }
0x9b: {  	s22 =	simm.s32 $0x1BFF;
	s21 =	sshll.u32 s6, $0x1;
	s3 =	sadd.s32 s4, s19  }
0x9c: {  	s7 =	simm.s32 $0x0;
	s20 =	sshll.u32 s5, $0x1;
	s5 =	sadd.s32 s21, s3  }
0x9d: {  	[timem:s7], [sflag:s22] =	dma.local [hbm:s5], s20  }
0x9e: {  	_ =	swait.ge [sflag:s22], s20  }
0x9f: {  	s4 =	ssub.s32 $0x0, s20;
	[sflag:s22] =	ssyncset.done $0x0  }
0xa0: {  	[sflag:s22] =	ssyncadd.s32 s4;
	_ =	sdelay $0x1  }
0xa1: {  	s23 =	simm.s32 $0x1B8B  }
0xa2: {  	_ =	swait.ge [sflag:s23], $0x1  }
0xa3: {  	[sflag:s23] =	ssyncset.done $0x0  }
0xa4: {  	s25 =	simm.s32 $0x1B8E;
	s24 =	sld [smem:$0x3FFE];
	[sflag:s23] =	ssyncadd.s32 $0xFFFFFFFF  }
0xa5: {  	s26 =	simm.s32 $execute0_lowered;
	[smem:$0x3FD2] =	sst s25  }
0xa6: {  	s5 =	sshll.u32 s26, $0x1;
	_ =	strace $0x80000049;
	[dreg:$0x1] =	wrdreg $0xFFFFFFFF  }
0xa7: {  	s28 =	simm.s32 $_size_execute0_lowered;
	s3 =	sadd.s32 s3, s5;
	[dreg:$0x0] =	wrdreg $0x0  }
0xa8: {  	s5 =	sshll.u32 s28, $0x1;
	[dreg:$0x2] =	wrdreg s3  }
0xa9: {  	[dreg:$0x3] =	wrdreg s5  }
0xaa: {  	[dreg:$0x4] =	wrdreg $0xC0  }
0xab: {  	_ =	task [dreg:s7], $0x5FFFF  }
0xac: {  	[dreg:$0x1] =	wrdreg $0xFFFFFFFF  }
0xad: {  	[dreg:$0x0] =	wrdreg $0x60  }
0xae: {  	[dreg:$0x2] =	wrdreg s24  }
0xaf: {  	[dreg:$0x3] =	wrdreg s2  }
0xb0: {  	[dreg:$0x4] =	wrdreg $0x0  }
0xb1: {  	[dreg:$0x5] =	wrdreg $0x9  }
0xb2: {  	_ =	task.clear_ibuf [dreg:s7], $0x6FFFF;
	_ =	strace $0x90000049  }
0xb3: {  	s29 =	simm.s32 $0x9;
	_ =	strace $0x8000004B  }
0xb4: {  	_ =	swait.ge [sflag:s29], $0x1  }
0xb5: {  	[sflag:s29] =	ssyncadd.s32 $0xFFFFFFFF  }
0xb6: {  	_ =	strace $0x9000004B  }
0xb7: {  	_ =	sfence  }
0xb8: {  	s30 =	sld [smem:$0x0];
	_ =	sdelay $0x2  }
0xb9: {  	s31 =	sshll.u32 s1, $0xD;
	s1 =	sshrl.u32 s1, $0x2  }
0xba: {  	s3 =	sand.u32 $0x4000, s31;
	s1 =	sadd.s32 s1, s30  }
0xbb: {  	s0 =	sor.u32 s3, s0;
	s1 =	sshll.u32 s1, $0x11  }
0xbc: {  	s0 =	sor.u32 s1, s0  }
0xbd: {  	s0 =	sadd.s32 $0x8F2B, s0  }
0xbe: {  	[sflag:s0] =	ssyncadd.remote.s32 $0x1  }
0xbf: {  	_ =	sfence.sel $0xFFFF  }
0xc0: {  	[dreg:$0x0] =	wrdreg $0xFFFFFFFF;
	(pc) =	sbr.abs _section_cstart, $3  }
0xc1: {  	[dreg:$0x1] =	wrdreg $0xFFFFFFFF  }
0xc2: {  	_ =	task.clear_ibuf [dreg:s7], $0x2FFFF;
	_ =	strace $0x9FFFFFFF  }
0xc3: {  	(tm) =	ssettm $0x7FFFFFFF  }
tec
execute0_lowered:
.L_overlay_start_1:
0x0: {  	(tag) =	ssettag $0x1  }
0x1: {  	s6 =	rddreg [dreg:$0x0]  }
0x2: {  	s0 =	srdreg.scid;
	s7 =	rddreg [dreg:$0x1]  }
0x3: {  	s2 =	rddreg [dreg:$0x2];
	s1 =	stileid.u32;
	s3 =	simm.s32 $0x0  }
0x4: {  	s18 =	simm.s32 $0x189C0;
	s19 =	simm.s32 $0x16188;
	s20 =	simm.s32 $0x1BBC0  }
0x5: {  	s21 =	simm.s32 $0x1;
	s22 =	simm.s32 $0x2;
	s23 =	simm.s32 $0x16050  }
0x6: {  	s24 =	simm.s32 $0x160B8;
	s5 =	sand.u32 $0x1, s0;
	s0 =	rddreg [dreg:$0x3]  }
0x7: {  	s26 =	simm.s32 $0x0;
	[smem:$0x7FF] =	sst s3;
	s9 =	smul.u32 $0x4E000, s1  }
0x8: {  	s14 =	smul.u32 $0x13800, s1;
	s15 =	sadd.s32 $0xC0C00, s6;
	s17 =	sadd.s32 $0x124800, s2  }
0x9: {  	p0 =	seq.s32 s1, $0xF;
	s4 =	sshll.u32 s5, $0x4;
	_ =	strace $0x8000004A  }
0xa: {  	s11 =	ssub.s32 $0x2, s5;
	s12 =	smul.u32 $0x138800, s5;
	s5 =	sadd.s32 $0xD400, s6  }
0xb: {  	s4 =	sor.u32 s1, s4;
	s13 =	sshrl.u32 s11, $0x1;
	s28 =	sshrl.u32 s9, $0x2  }
0xc: {  	s25 =	sadd.s32 s14, s2;
	s8 =	smul.u32 $0x514, s4;
	s4 =	sadd.s32 $0x24800, s6  }
0xd: {  	s11 =	ssub.s32 s11, s13;
	s29 =	sadd.s32 s14, s12;
	s16 =	sadd.s32 s28, s2  }
0xe: {  	s31 =	sshrl.u32 s12, $0x3;
	s12 =	simm.s32 $0x3;
	s13 =	simm.s32 $0x13880  }
0xf: {  	s14 =	sshrl.u32 @p0 s17, $0x3;
	s17 =	simm.s32 $0x64;
	s25 =	sshrl.u32 @!p0 s25, $0x3  }
0x10: {  	s30 =	sshrl.u32 s29, $0x3;
	s9 =	sadd.s32 s15, s31;
	s16 =	sshrl.u32 @!p0 s16, $0x3  }
0x11: {  	s10 =	sadd.s32 s8, s6;
	s6 =	sadd.s32 s7, s8;
	s8 =	sadd.s32 s15, s30  }
0x12: {  	s9 =	sadd.s32 $0x24900, s9;
	s15 =	sshll.u32 @!p0 s1, $0x6;
	s7 =	sadd.s32 $0x1A400, s10  }
0x13: {  	s10 =	smax.u32 s11, $0x1;
	s11 =	simm.s32 $0x16120;
	s15 =	sor.u32 @!p0 $0x1C03, s15  }
.LBB2_1:
0x14: {  	[tilespmem:s11], [sflag:$0x3] =	stream.linear.gather [hbm4b:s6+s3], $0x28A0, $0x38;
	[tilespmem:$0x1EDC0] =	vst v63  }
0x15: {  	_ =	swait.ge [sflag:s12], $0x28A0  }
0x16: {  	[sflag:s12] =	ssyncset.done $0x0  }
0x17: {  	[sflag:s12] =	ssyncadd.s32 $0xFFFFD760  }
0x18: {  	[tilespmem:s13], [sflag:$0x3] =	stream.linear.gather [hbm4b:s7+s3], $0x28A0, $0x38;
	[tilespmem:$0x1EDC0] =	vst v63  }
0x19: {  	_ =	swait.ge [sflag:s12], $0x28A0  }
0x1a: {  	[sflag:s12] =	ssyncset.done $0x0  }
0x1b: {  	s28 =	simm.s32 @p0 $0x1FC3;
	[sflag:s12] =	ssyncadd.s32 $0xFFFFD760  }
0x1c: {  	[spmem:s14], [sflag:s28] =	dma.local @p0 [hbm:s5], $0x2800  }
0x1d: {  	s28 =	simm.s32 @p0 $0x3  }
0x1e: {  	_ =	swait.ge @p0 [sflag:s28], $0x2800  }
0x1f: {  	[sflag:s28] =	ssyncset.done @p0 $0x0  }
0x20: {  	[sflag:s28] =	ssyncadd.s32 @p0 $0xFFFFD800;
	s28 =	simm.s32 @!p0 $0x3  }
0x21: {  	[spmem:s16], [sflag:s15] =	dma.local @!p0 [hbm:s5], $0x2700  }
0x22: {  	_ =	swait.ge @!p0 [sflag:s28], $0x2700  }
0x23: {  	[sflag:s28] =	ssyncset.done @!p0 $0x0  }
0x24: {  	[sflag:s28] =	ssyncadd.s32 @!p0 $0xFFFFD900  }
0x25: {  	[bflag:$0x0] =	sbarrier.arrive $0xFFFF  }
0x26: {  	[tilespmem:s18], [sflag:$0x1] =	stream.indirect.gather [hbm4b:s4+s17], $0x80, s11, s17, $0xb8;
	[tilespmem:$0x1EDC0] =	vst v63  }
0x27: {  	_ = 	snop  }
0x28: {  	[tilespmem:s20], [sflag:$0x2] =	stream.indirect.gather [hbm4b:s4+s17], $0x80, s19, s17, $0xb8;
	[tilespmem:$0x1EDC0] =	vst v63  }
0x29: {  	_ =	swait.ge [sflag:s21], $0x3200  }
0x2a: {  	[sflag:s21] =	ssyncset.done $0x0  }
0x2b: {  	s28 =	simm.s32 $0x13880;
	[sflag:s21] =	ssyncadd.s32 $0xFFFFCE00  }
0x2c: {  	[spmem:s2] =	stream.indirect.scatter.add.f32 [tilespmem:s18], [sflag:$0x3], $0x80, s28, s17, $0xb8;
	[tilespmem:$0x1EDC0] =	vst v63  }
0x2d: {  	_ =	swait.ge [sflag:s12], $0x3200  }
0x2e: {  	[sflag:s12] =	ssyncset.done $0x0  }
0x2f: {  	s28 =	simm.s32 $0x161F0;
	[sflag:s12] =	ssyncadd.s32 $0xFFFFCE00  }
0x30: {  	[tilespmem:s18], [sflag:$0x1] =	stream.indirect.gather [hbm4b:s4+s17], $0x80, s28, s17, $0xb8;
	[tilespmem:$0x1EDC0] =	vst v63  }
0x31: {  	_ =	swait.ge [sflag:s22], $0x3200  }
0x32: {  	[sflag:s22] =	ssyncset.done $0x0  }
0x33: {  	s28 =	simm.s32 $0x138E8;
	[sflag:s22] =	ssyncadd.s32 $0xFFFFCE00  }
0x34: {  	[spmem:s2] =	stream.indirect.scatter.add.f32 [tilespmem:s20], [sflag:$0x3], $0x80, s28, s17, $0xb8;
	[tilespmem:$0x1EDC0] =	vst v63  }
0x35: {  	_ =	swait.ge [sflag:s12], $0x3200  }
0x36: {  	[sflag:s12] =	ssyncset.done $0x0  }
0x37: {  	s29 =	simm.s32 $0x16258;
	s28 =	simm.s32 $0x340;
	[sflag:s12] =	ssyncadd.s32 $0xFFFFCE00  }
.LBB2_2:
0x38: {  	[tilespmem:s20], [sflag:$0x2] =	stream.indirect.gather [hbm4b:s4+s17], $0x80, s29, s17, $0xb8;
	[tilespmem:$0x1EDC0] =	vst v63  }
0x39: {  	s29 =	smov.u32 s28  }
0x3a: {  	p1 =	sne.s32 s28, $0x9C00;
	s28 =	sadd.s32 $0x340, s28;
	_ =	swait.ge [sflag:s21], $0x3200  }
0x3b: {  	s29 =	sshra.s32 s29, $0x2;
	[sflag:s21] =	ssyncset.done $0x0  }
0x3c: {  	s30 =	sadd.s32 $0x13880, s29;
	[sflag:s21] =	ssyncadd.s32 $0xFFFFCE00  }
0x3d: {  	[spmem:s2] =	stream.indirect.scatter.add.f32 [tilespmem:s18], [sflag:$0x3], $0x80, s30, s17, $0xb8;
	[tilespmem:$0x1EDC0] =	vst v63  }
0x3e: {  	_ =	swait.ge [sflag:s12], $0x3200  }
0x3f: {  	[sflag:s12] =	ssyncset.done $0x0  }
0x40: {  	s30 =	sadd.s32 $0x161F0, s29;
	[sflag:s12] =	ssyncadd.s32 $0xFFFFCE00  }
0x41: {  	[tilespmem:s18], [sflag:$0x1] =	stream.indirect.gather [hbm4b:s4+s17], $0x80, s30, s17, $0xb8;
	[tilespmem:$0x1EDC0] =	vst v63  }
0x42: {  	_ =	swait.ge [sflag:s22], $0x3200  }
0x43: {  	[sflag:s22] =	ssyncset.done $0x0  }
.Ltmp0:
0x44: {  	s30 =	sadd.s32 $0x138E8, s29;
	[sflag:s22] =	ssyncadd.s32 $0xFFFFCE00;
	(pc) =	sbr.rel @p1 .LBB2_2-.Ltmp0, $4  }
0x45: {  	[spmem:s2] =	stream.indirect.scatter.add.f32 [tilespmem:s20], [sflag:$0x3], $0x80, s30, s17, $0xb8;
	[tilespmem:$0x1EDC0] =	vst v63  }
0x46: {  	_ =	swait.ge [sflag:s12], $0x3200  }
0x47: {  	[sflag:s12] =	ssyncset.done $0x0  }
0x48: {  	s29 =	sadd.s32 $0x16258, s29;
	[sflag:s12] =	ssyncadd.s32 $0xFFFFCE00  }
0x49: {  	[tilespmem:s20], [sflag:$0x2] =	stream.indirect.gather [hbm4b:s4+s17], $0x80, s29, s17, $0xb8;
	[tilespmem:$0x1EDC0] =	vst v63  }
0x4a: {  	_ =	swait.ge [sflag:s21], $0x3200  }
0x4b: {  	[sflag:s21] =	ssyncset.done $0x0  }
0x4c: {  	[sflag:s21] =	ssyncadd.s32 $0xFFFFCE00  }
0x4d: {  	[spmem:s2] =	stream.indirect.scatter.add.f32 [tilespmem:s18], [sflag:$0x3], $0x80, s23, s17, $0xb8;
	[tilespmem:$0x1EDC0] =	vst v63  }
0x4e: {  	_ =	swait.ge [sflag:s12], $0x3200  }
0x4f: {  	[sflag:s12] =	ssyncset.done $0x0  }
0x50: {  	[sflag:s12] =	ssyncadd.s32 $0xFFFFCE00  }
0x51: {  	_ =	swait.ge [sflag:s22], $0x3200  }
0x52: {  	[sflag:s22] =	ssyncset.done $0x0  }
0x53: {  	[sflag:s22] =	ssyncadd.s32 $0xFFFFCE00  }
0x54: {  	[spmem:s2] =	stream.indirect.scatter.add.f32 [tilespmem:s20], [sflag:$0x3], $0x80, s24, s17, $0xb8;
	[tilespmem:$0x1EDC0] =	vst v63  }
0x55: {  	_ =	swait.ge [sflag:s12], $0x3200  }
0x56: {  	[sflag:s12] =	ssyncset.done $0x0  }
0x57: {  	[sflag:s12] =	ssyncadd.s32 $0xFFFFCE00  }
0x58: {  	s28 =	simm.s32 @p0 $0x1FC3;
	[bflag:$0x0] =	sbarrier.arrive $0xFFFF  }
0x59: {  	[hbm:s9], [sflag:s28] =	dma.local @p0 [spmem:s14], $0x2800  }
0x5a: {  	s28 =	simm.s32 @p0 $0x3  }
0x5b: {  	s26 =	sadd.s32 $0x1, s26;
	_ =	swait.ge @p0 [sflag:s28], $0x2800  }
0x5c: {  	p1 =	sne.s32 s26, s10;
	[sflag:s28] =	ssyncset.done @p0 $0x0  }
.Ltmp1:
0x5d: {  	[sflag:s28] =	ssyncadd.s32 @p0 $0xFFFFD800;
	s28 =	simm.s32 @!p0 $0x3;
	(pc) =	sbr.rel @p1 .LBB2_1-.Ltmp1, $4  }
0x5e: {  	[hbm:s8], [sflag:s15] =	dma.local @!p0 [spmem:s25], $0x2700  }
0x5f: {  	_ =	swait.ge @!p0 [sflag:s28], $0x2700  }
0x60: {  	[sflag:s28] =	ssyncset.done @!p0 $0x0  }
0x61: {  	[sflag:s28] =	ssyncadd.s32 @!p0 $0xFFFFD900  }
0x62: {  	_ =	sfence.sel $0x180000  }
0x63: {  	[bflag:$0x0] =	sbarrier.arrive $0xFFFF  }
0x64: {  	p0 =	sne.s32 s1, $0x0;
	_ =	strace $0x9000004A  }
0x65: {  	s0 =	sadd.s32 @!p0 $0x100000, s0;
	[bflag:$0x2] =	sbarrier.arrive $0xFFFF  }
0x66: {  	[sflag:s0] =	ssyncadd.tile.s32 @!p0 $0x1;
	_ =	shalt  }
.Lfunc_end2:
_tile_overlayer_lowered:
.L_overlay_start_2:
0x67: {  	(tag) =	ssettag $0x2  }
0x68: {  	s0 =	rddreg [dreg:$0x0];
	s2 =	stileid.u32  }
0x69: {  	s1 =	rddreg [dreg:$0x1];
	p0 =	sne.s32 s2, $0x0  }
0x6a: {  	s3 =	rddreg [dreg:$0x2];
	[bflag:$0x3] =	sbarrier.arrive $0xFFFF;
	s2 =	simm.s32 @!p0 $0x1C03  }
0x6b: {  	[timem:s3], [sflag:s2] =	dma.local @!p0 [hbm:s0], s1  }
0x6c: {  	s0 =	simm.s32 @!p0 $0x3  }
0x6d: {  	_ =	swait.ge @!p0 [sflag:s0], s1  }
0x6e: {  	s1 =	ssub.s32 @!p0 $0x0, s1;
	[sflag:s0] =	ssyncset.done @!p0 $0x0  }
0x6f: {  	[sflag:s0] =	ssyncadd.s32 @!p0 s1  }
0x70: {  	[bflag:$0x3] =	sbarrier.arrive $0xFFFF  }
0x71: {  	_ =	shalt  }

// kernel: kernel.17.cloned.1.call-start
scs
__scs_entry_jumppad:
0x0: {  	(pc) =	sbr.rel $0x88, $3  }
0x1: {  	(tag) =	ssettag $0x0;
	lr =	simm.s32 $0x1  }
0x2: {  	[smem:$0x3F93] =	sst lr;
	_ =	strace $0xD0000000  }
0x3: {  	_ = 	snop  }
0x4: {  	_ = 	snop  }
0x5: {  	_ = 	snop  }
0x6: {  	_ = 	snop  }
0x7: {  	_ = 	snop  }
__scs_overlays_trampoline_lowered:
0x8: {  	[smem:$0x3FA2] =	sst s0  }
0x9: {  	[smem:$0x3FA3] =	sst s1  }
0xa: {  	[smem:$0x3FA4] =	sst s2  }
0xb: {  	[smem:$0x3FA5] =	sst s3  }
0xc: {  	[smem:$0x3FA6] =	sst s4  }
0xd: {  	[smem:$0x3FA7] =	sst s5  }
0xe: {  	[smem:$0x3FA8] =	sst s6  }
0xf: {  	[smem:$0x3FA9] =	sst s7  }
0x10: {  	[smem:$0x3FAA] =	sst s8  }
0x11: {  	[smem:$0x3FAB] =	sst s9;
	s0 =	simm.s32 @!p0 $0x0  }
0x12: {  	s1 =	sld [smem:$0x3F91];
	s0 =	simm.s32 @p0 $0x1  }
0x13: {  	[smem:$0x3FAC] =	sst s0;
	s0 =	simm.s32 @!p1 $0x0  }
0x14: {  	s2 =	sld [smem:$0x3F90];
	s0 =	simm.s32 @p1 $0x1  }
0x15: {  	[smem:$0x3FAD] =	sst s0;
	s0 =	simm.s32 @!p2 $0x0  }
0x16: {  	s3 =	sld [smem:$0x3FDB];
	s0 =	simm.s32 @p2 $0x1  }
0x17: {  	s4 =	simm.s32 $0x1BF5;
	[smem:$0x3FAF] =	sst s0  }
0x18: {  	s0 =	sld [smem:$0x3F92];
	_ =	swait.ge [sflag:s4], $0x0  }
0x19: {  	s7 =	sld [smem:$0x3F93]  }
0x1a: {  	s8 =	sadd.s32 $0xFFFFE003, lr  }
0x1b: {  	s9 =	sadd.s32 $0xFFFFFEF7, lr;
	s5 =	simm.s32 $0xFFFFFFFF;
	p2 =	slt.u32 s8, $0xFFFFF086  }
0x1c: {  	p1 =	slt.u32 s9, $0xF7A;
	s5 =	simm.s32 @!p2 $0x0  }
0x1d: {  	s5 =	simm.s32 @p1 $0x1;
	p0 =	seq.s32 s7, s2  }
0x1e: {  	s7 =	smul.u32 @!p0 $0xF7A, s2;
	p2 =	seq.s32 @!p0 s5, $0x0  }
0x1f: {  	s9 =	smul.u32 $0xF7A, s1;
	s8 =	simm.s32 @!p0 $0x1BF5;
	p2 =	por !p2, p0  }
0x20: {  	[sflag:s8] =	ssyncset.s32 @!p0 $0xFFFFF086;
	s6 =	sadd.s32 @!p0 s3, s7;
	s7 =	simm.s32 @!p0 $0x108  }
0x21: {  	s3 =	sadd.s32 s3, s9;
	s6 =	sadd.s32 @!p0 $0x88, s6;
	s7 =	simm.s32 @p2 $0x1082  }
0x22: {  	[simem:s7], [sflag:s8] =	dma.local @!p0 [hbm:s6], $0xF7A  }
0x23: {  	s9 =	sor.u32 $0xD0000000, s2;
	s6 =	simm.s32 $0x108;
	_ =	swait.ge @!p0 [sflag:s8], $0x0  }
0x24: {  	s3 =	sadd.s32 $0x88, s3;
	s6 =	simm.s32 @!p1 $0x1082;
	[sflag:s4] =	ssyncset.s32 $0xFFFFF086  }
0x25: {  	[simem:s6], [sflag:s4] =	dma.local [hbm:s3], $0xF7A  }
0x26: {  	[smem:$0x3F93] =	sst s1;
	(tag) =	ssettag s2;
	_ =	strace s9  }
0x27: {  	s1 =	sld [smem:$0x3FA3]  }
0x28: {  	s2 =	sld [smem:$0x3FA4]  }
0x29: {  	s4 =	sld [smem:$0x3FA6]  }
0x2a: {  	p0 =	seq.s32 s5, $0x0;
	s5 =	sld [smem:$0x3FA7]  }
0x2b: {  	s6 =	sld [smem:$0x3FA8]  }
0x2c: {  	s7 =	sld [smem:$0x3FA9]  }
0x2d: {  	s3 =	simm.s32 $0x108;
	s8 =	sld [smem:$0x3FAA]  }
0x2e: {  	s3 =	simm.s32 @!p0 $0x1082;
	s9 =	sld [smem:$0x3FAB]  }
0x2f: {  	lr =	sadd.s32 s0, s3;
	s0 =	sld [smem:$0x3FA2]  }
0x30: {  	s3 =	sld [smem:$0x3FA5]  }
0x31: {  	[smem:$0x3FAE] =	sst s10  }
0x32: {  	s10 =	sld [smem:$0x3FAC];
	_ =	sdelay $0x3  }
0x33: {  	p0 =	seq.s32 s10, $0x1;
	s10 =	sld [smem:$0x3FAE];
	_ =	sdelay $0x3  }
0x34: {  	[smem:$0x3FAE] =	sst s10  }
0x35: {  	s10 =	sld [smem:$0x3FAD];
	_ =	sdelay $0x3  }
0x36: {  	p1 =	seq.s32 s10, $0x1;
	s10 =	sld [smem:$0x3FAE];
	_ =	sdelay $0x3  }
0x37: {  	[smem:$0x3FAE] =	sst s10  }
0x38: {  	s10 =	sld [smem:$0x3FAF]  }
0x39: {  	_ = 	snop;
	(pc) =	sbr.ind lr, $3  }
0x3a: {  	_ = 	snop  }
0x3b: {  	_ = 	snop  }
0x3c: {  	p2 =	seq.s32 s10, $0x1;
	s10 =	sld [smem:$0x3FAE]  }
0x3d: {  	_ =	shalt  }
0x3e: {  	_ =	shalt  }
0x3f: {  	_ =	shalt  }
0x40: {  	_ =	shalt  }
0x41: {  	_ =	shalt  }
0x42: {  	_ =	shalt  }
0x43: {  	_ =	shalt  }
0x44: {  	_ =	shalt  }
0x45: {  	_ =	shalt  }
0x46: {  	_ =	shalt  }
0x47: {  	_ =	shalt  }
0x48: {  	_ =	shalt  }
0x49: {  	_ =	shalt  }
0x4a: {  	_ =	shalt  }
0x4b: {  	_ =	shalt  }
0x4c: {  	_ =	shalt  }
0x4d: {  	_ =	shalt  }
0x4e: {  	_ =	shalt  }
0x4f: {  	_ =	shalt  }
0x50: {  	_ =	shalt  }
0x51: {  	_ =	shalt  }
0x52: {  	_ =	shalt  }
0x53: {  	_ =	shalt  }
0x54: {  	_ =	shalt  }
0x55: {  	_ =	shalt  }
0x56: {  	_ =	shalt  }
0x57: {  	_ =	shalt  }
0x58: {  	_ =	shalt  }
0x59: {  	_ =	shalt  }
0x5a: {  	_ =	shalt  }
0x5b: {  	_ =	shalt  }
0x5c: {  	_ =	shalt  }
0x5d: {  	_ =	shalt  }
0x5e: {  	_ =	shalt  }
0x5f: {  	_ =	shalt  }
0x60: {  	_ =	shalt  }
0x61: {  	_ =	shalt  }
0x62: {  	_ =	shalt  }
0x63: {  	_ =	shalt  }
0x64: {  	_ =	shalt  }
0x65: {  	_ =	shalt  }
0x66: {  	_ =	shalt  }
0x67: {  	_ =	shalt  }
0x68: {  	_ =	shalt  }
0x69: {  	_ =	shalt  }
0x6a: {  	_ =	shalt  }
0x6b: {  	_ =	shalt  }
0x6c: {  	_ =	shalt  }
0x6d: {  	_ =	shalt  }
0x6e: {  	_ =	shalt  }
0x6f: {  	_ =	shalt  }
0x70: {  	_ =	shalt  }
0x71: {  	_ =	shalt  }
0x72: {  	_ =	shalt  }
0x73: {  	_ =	shalt  }
0x74: {  	_ =	shalt  }
0x75: {  	_ =	shalt  }
0x76: {  	_ =	shalt  }
0x77: {  	_ =	shalt  }
0x78: {  	_ =	shalt  }
0x79: {  	_ =	shalt  }
0x7a: {  	_ =	shalt  }
0x7b: {  	_ =	shalt  }
0x7c: {  	_ =	shalt  }
0x7d: {  	_ =	shalt  }
0x7e: {  	_ =	shalt  }
0x7f: {  	_ =	shalt  }
0x80: {  	_ =	shalt  }
0x81: {  	_ =	shalt  }
0x82: {  	_ =	shalt  }
0x83: {  	_ =	shalt  }
0x84: {  	_ =	shalt  }
0x85: {  	_ =	shalt  }
0x86: {  	_ =	shalt  }
0x87: {  	_ =	shalt  }
.Lfunc_end0:
.L_simem_size_0:
called_computation.2_lowered:
.L_overlay_start_0:
0x88: {  	s2 =	sld [smem:$0x3FD9]  }
0x89: {  	s3 =	sld [smem:$0x3FFE];
	_ =	sdelay $0x1  }
0x8a: {  	s1 =	srdreg.scid  }
0x8b: {  	s0 =	sand.u32 $0x1, s1  }
0x8c: {  	s17 =	sshll.u32 s0, $0xA;
	s2 =	sadd.s32 s3, s2  }
0x8d: {  	s2 =	sadd.s32 s2, s17  }
0x8e: {  	[smem:$0x3FBA] =	sst s2  }
0x8f: {  	_ = 	snop  }
0x90: {  	s2 =	sld [smem:$0x3FD0];
	(tm) =	ssettm $0x1  }
0x91: {  	s18 =	sld [smem:$0x3FFB];
	_ =	sdelay $0x3  }
0x92: {  	_ =	strace s18  }
0x93: {  	s3 =	sld [smem:$0x3FFC];
	_ =	sdelay $0x3  }
0x94: {  	_ =	strace s3  }
0x95: {  	s3 =	sld [smem:$0x3FFD];
	_ =	sdelay $0x3  }
0x96: {  	_ =	strace s3  }
0x97: {  	_ =	strace $0x8FFFFFFF  }
0x98: {  	s19 =	sld [smem:$0x3FDB];
	_ =	sdelay $0x1  }
0x99: {  	s4 =	simm.s32 $_scs_section_size  }
0x9a: {  	s5 =	simm.s32 $_size__tile_overlayer_lowered;
	s6 =	simm.s32 $_tile_overlayer_lowered  }
0x9b: {  	s22 =	simm.s32 $0x1BFF;
	s21 =	sshll.u32 s6, $0x1;
	s3 =	sadd.s32 s4, s19  }
0x9c: {  	s7 =	simm.s32 $0x0;
	s20 =	sshll.u32 s5, $0x1;
	s5 =	sadd.s32 s21, s3  }
0x9d: {  	[timem:s7], [sflag:s22] =	dma.local [hbm:s5], s20  }
0x9e: {  	_ =	swait.ge [sflag:s22], s20  }
0x9f: {  	s4 =	ssub.s32 $0x0, s20;
	[sflag:s22] =	ssyncset.done $0x0  }
0xa0: {  	[sflag:s22] =	ssyncadd.s32 s4;
	_ =	sdelay $0x1  }
0xa1: {  	s23 =	simm.s32 $0x1B8B  }
0xa2: {  	_ =	swait.ge [sflag:s23], $0x1  }
0xa3: {  	[sflag:s23] =	ssyncset.done $0x0  }
0xa4: {  	s25 =	simm.s32 $0x1B8E;
	s24 =	sld [smem:$0x3FFE];
	[sflag:s23] =	ssyncadd.s32 $0xFFFFFFFF  }
0xa5: {  	s26 =	simm.s32 $execute0_lowered;
	[smem:$0x3FD2] =	sst s25  }
0xa6: {  	s5 =	sshll.u32 s26, $0x1;
	_ =	strace $0x8000004C;
	[dreg:$0x1] =	wrdreg $0xFFFFFFFF  }
0xa7: {  	s28 =	simm.s32 $_size_execute0_lowered;
	s3 =	sadd.s32 s3, s5;
	[dreg:$0x0] =	wrdreg $0x0  }
0xa8: {  	s5 =	sshll.u32 s28, $0x1;
	[dreg:$0x2] =	wrdreg s3  }
0xa9: {  	[dreg:$0x3] =	wrdreg s5  }
0xaa: {  	[dreg:$0x4] =	wrdreg $0xC0  }
0xab: {  	_ =	task [dreg:s7], $0x5FFFF  }
0xac: {  	[dreg:$0x1] =	wrdreg $0xFFFFFFFF  }
0xad: {  	[dreg:$0x0] =	wrdreg $0x60  }
0xae: {  	[dreg:$0x2] =	wrdreg s24  }
0xaf: {  	[dreg:$0x3] =	wrdreg s2  }
0xb0: {  	[dreg:$0x4] =	wrdreg $0x0  }
0xb1: {  	[dreg:$0x5] =	wrdreg $0x9  }
0xb2: {  	_ =	task.clear_ibuf [dreg:s7], $0x6FFFF;
	_ =	strace $0x9000004C  }
0xb3: {  	s29 =	simm.s32 $0x9;
	_ =	strace $0x8000004E  }
0xb4: {  	_ =	swait.ge [sflag:s29], $0x1  }
0xb5: {  	[sflag:s29] =	ssyncadd.s32 $0xFFFFFFFF  }
0xb6: {  	_ =	strace $0x9000004E  }
0xb7: {  	_ =	sfence  }
0xb8: {  	s30 =	sld [smem:$0x0];
	_ =	sdelay $0x2  }
0xb9: {  	s31 =	sshll.u32 s1, $0xD;
	s1 =	sshrl.u32 s1, $0x2  }
0xba: {  	s3 =	sand.u32 $0x4000, s31;
	s1 =	sadd.s32 s1, s30  }
0xbb: {  	s0 =	sor.u32 s3, s0;
	s1 =	sshll.u32 s1, $0x11  }
0xbc: {  	s0 =	sor.u32 s1, s0  }
0xbd: {  	s0 =	sadd.s32 $0x8F2B, s0  }
0xbe: {  	[sflag:s0] =	ssyncadd.remote.s32 $0x1  }
0xbf: {  	_ =	sfence.sel $0xFFFF  }
0xc0: {  	[dreg:$0x0] =	wrdreg $0xFFFFFFFF;
	(pc) =	sbr.abs _section_cstart, $3  }
0xc1: {  	[dreg:$0x1] =	wrdreg $0xFFFFFFFF  }
0xc2: {  	_ =	task.clear_ibuf [dreg:s7], $0x2FFFF;
	_ =	strace $0x9FFFFFFF  }
0xc3: {  	(tm) =	ssettm $0x7FFFFFFF  }
tec
execute0_lowered:
.L_overlay_start_1:
0x0: {  	(tag) =	ssettag $0x1  }
0x1: {  	s6 =	rddreg [dreg:$0x0]  }
0x2: {  	s0 =	srdreg.scid;
	s7 =	rddreg [dreg:$0x1]  }
0x3: {  	s2 =	rddreg [dreg:$0x2];
	s1 =	stileid.u32;
	s3 =	simm.s32 $0x0  }
0x4: {  	s18 =	simm.s32 $0x189C0;
	s19 =	simm.s32 $0x16188;
	s20 =	simm.s32 $0x1BBC0  }
0x5: {  	s21 =	simm.s32 $0x1;
	s22 =	simm.s32 $0x2;
	s23 =	simm.s32 $0x16050  }
0x6: {  	s24 =	simm.s32 $0x160B8;
	s5 =	sand.u32 $0x1, s0;
	s0 =	rddreg [dreg:$0x3]  }
0x7: {  	s26 =	simm.s32 $0x0;
	[smem:$0x7FF] =	sst s3;
	s9 =	smul.u32 $0x4E000, s1  }
0x8: {  	s14 =	smul.u32 $0x13800, s1;
	s15 =	sadd.s32 $0xC0C00, s6;
	s17 =	sadd.s32 $0x124800, s2  }
0x9: {  	p0 =	seq.s32 s1, $0xF;
	s4 =	sshll.u32 s5, $0x4;
	_ =	strace $0x8000004D  }
0xa: {  	s11 =	ssub.s32 $0x2, s5;
	s12 =	smul.u32 $0x138800, s5;
	s5 =	sadd.s32 $0xD400, s6  }
0xb: {  	s4 =	sor.u32 s1, s4;
	s13 =	sshrl.u32 s11, $0x1;
	s28 =	sshrl.u32 s9, $0x2  }
0xc: {  	s25 =	sadd.s32 s14, s2;
	s8 =	smul.u32 $0x514, s4;
	s4 =	sadd.s32 $0x24800, s6  }
0xd: {  	s11 =	ssub.s32 s11, s13;
	s29 =	sadd.s32 s14, s12;
	s16 =	sadd.s32 s28, s2  }
0xe: {  	s31 =	sshrl.u32 s12, $0x3;
	s12 =	simm.s32 $0x3;
	s13 =	simm.s32 $0x13880  }
0xf: {  	s14 =	sshrl.u32 @p0 s17, $0x3;
	s17 =	simm.s32 $0x64;
	s25 =	sshrl.u32 @!p0 s25, $0x3  }
0x10: {  	s30 =	sshrl.u32 s29, $0x3;
	s9 =	sadd.s32 s15, s31;
	s16 =	sshrl.u32 @!p0 s16, $0x3  }
0x11: {  	s10 =	sadd.s32 s8, s6;
	s6 =	sadd.s32 s7, s8;
	s8 =	sadd.s32 s15, s30  }
0x12: {  	s9 =	sadd.s32 $0x24900, s9;
	s15 =	sshll.u32 @!p0 s1, $0x6;
	s7 =	sadd.s32 $0x1A400, s10  }
0x13: {  	s10 =	smax.u32 s11, $0x1;
	s11 =	simm.s32 $0x16120;
	s15 =	sor.u32 @!p0 $0x1C03, s15  }
.LBB2_1:
0x14: {  	[tilespmem:s11], [sflag:$0x3] =	stream.linear.gather [hbm4b:s6+s3], $0x28A0, $0x38;
	[tilespmem:$0x1EDC0] =	vst v63  }
0x15: {  	_ =	swait.ge [sflag:s12], $0x28A0  }
0x16: {  	[sflag:s12] =	ssyncset.done $0x0  }
0x17: {  	[sflag:s12] =	ssyncadd.s32 $0xFFFFD760  }
0x18: {  	[tilespmem:s13], [sflag:$0x3] =	stream.linear.gather [hbm4b:s7+s3], $0x28A0, $0x38;
	[tilespmem:$0x1EDC0] =	vst v63  }
0x19: {  	_ =	swait.ge [sflag:s12], $0x28A0  }
0x1a: {  	[sflag:s12] =	ssyncset.done $0x0  }
0x1b: {  	s28 =	simm.s32 @p0 $0x1FC3;
	[sflag:s12] =	ssyncadd.s32 $0xFFFFD760  }
0x1c: {  	[spmem:s14], [sflag:s28] =	dma.local @p0 [hbm:s5], $0x2800  }
0x1d: {  	s28 =	simm.s32 @p0 $0x3  }
0x1e: {  	_ =	swait.ge @p0 [sflag:s28], $0x2800  }
0x1f: {  	[sflag:s28] =	ssyncset.done @p0 $0x0  }
0x20: {  	[sflag:s28] =	ssyncadd.s32 @p0 $0xFFFFD800;
	s28 =	simm.s32 @!p0 $0x3  }
0x21: {  	[spmem:s16], [sflag:s15] =	dma.local @!p0 [hbm:s5], $0x2700  }
0x22: {  	_ =	swait.ge @!p0 [sflag:s28], $0x2700  }
0x23: {  	[sflag:s28] =	ssyncset.done @!p0 $0x0  }
0x24: {  	[sflag:s28] =	ssyncadd.s32 @!p0 $0xFFFFD900  }
0x25: {  	[bflag:$0x0] =	sbarrier.arrive $0xFFFF  }
0x26: {  	[tilespmem:s18], [sflag:$0x1] =	stream.indirect.gather [hbm4b:s4+s17], $0x80, s11, s17, $0xb8;
	[tilespmem:$0x1EDC0] =	vst v63  }
0x27: {  	_ = 	snop  }
0x28: {  	[tilespmem:s20], [sflag:$0x2] =	stream.indirect.gather [hbm4b:s4+s17], $0x80, s19, s17, $0xb8;
	[tilespmem:$0x1EDC0] =	vst v63  }
0x29: {  	_ =	swait.ge [sflag:s21], $0x3200  }
0x2a: {  	[sflag:s21] =	ssyncset.done $0x0  }
0x2b: {  	s28 =	simm.s32 $0x13880;
	[sflag:s21] =	ssyncadd.s32 $0xFFFFCE00  }
0x2c: {  	[spmem:s2] =	stream.indirect.scatter.add.f32 [tilespmem:s18], [sflag:$0x3], $0x80, s28, s17, $0xb8;
	[tilespmem:$0x1EDC0] =	vst v63  }
0x2d: {  	_ =	swait.ge [sflag:s12], $0x3200  }
0x2e: {  	[sflag:s12] =	ssyncset.done $0x0  }
0x2f: {  	s28 =	simm.s32 $0x161F0;
	[sflag:s12] =	ssyncadd.s32 $0xFFFFCE00  }
0x30: {  	[tilespmem:s18], [sflag:$0x1] =	stream.indirect.gather [hbm4b:s4+s17], $0x80, s28, s17, $0xb8;
	[tilespmem:$0x1EDC0] =	vst v63  }
0x31: {  	_ =	swait.ge [sflag:s22], $0x3200  }
0x32: {  	[sflag:s22] =	ssyncset.done $0x0  }
0x33: {  	s28 =	simm.s32 $0x138E8;
	[sflag:s22] =	ssyncadd.s32 $0xFFFFCE00  }
0x34: {  	[spmem:s2] =	stream.indirect.scatter.add.f32 [tilespmem:s20], [sflag:$0x3], $0x80, s28, s17, $0xb8;
	[tilespmem:$0x1EDC0] =	vst v63  }
0x35: {  	_ =	swait.ge [sflag:s12], $0x3200  }
0x36: {  	[sflag:s12] =	ssyncset.done $0x0  }
0x37: {  	s29 =	simm.s32 $0x16258;
	s28 =	simm.s32 $0x340;
	[sflag:s12] =	ssyncadd.s32 $0xFFFFCE00  }
.LBB2_2:
0x38: {  	[tilespmem:s20], [sflag:$0x2] =	stream.indirect.gather [hbm4b:s4+s17], $0x80, s29, s17, $0xb8;
	[tilespmem:$0x1EDC0] =	vst v63  }
0x39: {  	s29 =	smov.u32 s28  }
0x3a: {  	p1 =	sne.s32 s28, $0x9C00;
	s28 =	sadd.s32 $0x340, s28;
	_ =	swait.ge [sflag:s21], $0x3200  }
0x3b: {  	s29 =	sshra.s32 s29, $0x2;
	[sflag:s21] =	ssyncset.done $0x0  }
0x3c: {  	s30 =	sadd.s32 $0x13880, s29;
	[sflag:s21] =	ssyncadd.s32 $0xFFFFCE00  }
0x3d: {  	[spmem:s2] =	stream.indirect.scatter.add.f32 [tilespmem:s18], [sflag:$0x3], $0x80, s30, s17, $0xb8;
	[tilespmem:$0x1EDC0] =	vst v63  }
0x3e: {  	_ =	swait.ge [sflag:s12], $0x3200  }
0x3f: {  	[sflag:s12] =	ssyncset.done $0x0  }
0x40: {  	s30 =	sadd.s32 $0x161F0, s29;
	[sflag:s12] =	ssyncadd.s32 $0xFFFFCE00  }
0x41: {  	[tilespmem:s18], [sflag:$0x1] =	stream.indirect.gather [hbm4b:s4+s17], $0x80, s30, s17, $0xb8;
	[tilespmem:$0x1EDC0] =	vst v63  }
0x42: {  	_ =	swait.ge [sflag:s22], $0x3200  }
0x43: {  	[sflag:s22] =	ssyncset.done $0x0  }
.Ltmp0:
0x44: {  	s30 =	sadd.s32 $0x138E8, s29;
	[sflag:s22] =	ssyncadd.s32 $0xFFFFCE00;
	(pc) =	sbr.rel @p1 .LBB2_2-.Ltmp0, $4  }
0x45: {  	[spmem:s2] =	stream.indirect.scatter.add.f32 [tilespmem:s20], [sflag:$0x3], $0x80, s30, s17, $0xb8;
	[tilespmem:$0x1EDC0] =	vst v63  }
0x46: {  	_ =	swait.ge [sflag:s12], $0x3200  }
0x47: {  	[sflag:s12] =	ssyncset.done $0x0  }
0x48: {  	s29 =	sadd.s32 $0x16258, s29;
	[sflag:s12] =	ssyncadd.s32 $0xFFFFCE00  }
0x49: {  	[tilespmem:s20], [sflag:$0x2] =	stream.indirect.gather [hbm4b:s4+s17], $0x80, s29, s17, $0xb8;
	[tilespmem:$0x1EDC0] =	vst v63  }
0x4a: {  	_ =	swait.ge [sflag:s21], $0x3200  }
0x4b: {  	[sflag:s21] =	ssyncset.done $0x0  }
0x4c: {  	[sflag:s21] =	ssyncadd.s32 $0xFFFFCE00  }
0x4d: {  	[spmem:s2] =	stream.indirect.scatter.add.f32 [tilespmem:s18], [sflag:$0x3], $0x80, s23, s17, $0xb8;
	[tilespmem:$0x1EDC0] =	vst v63  }
0x4e: {  	_ =	swait.ge [sflag:s12], $0x3200  }
0x4f: {  	[sflag:s12] =	ssyncset.done $0x0  }
0x50: {  	[sflag:s12] =	ssyncadd.s32 $0xFFFFCE00  }
0x51: {  	_ =	swait.ge [sflag:s22], $0x3200  }
0x52: {  	[sflag:s22] =	ssyncset.done $0x0  }
0x53: {  	[sflag:s22] =	ssyncadd.s32 $0xFFFFCE00  }
0x54: {  	[spmem:s2] =	stream.indirect.scatter.add.f32 [tilespmem:s20], [sflag:$0x3], $0x80, s24, s17, $0xb8;
	[tilespmem:$0x1EDC0] =	vst v63  }
0x55: {  	_ =	swait.ge [sflag:s12], $0x3200  }
0x56: {  	[sflag:s12] =	ssyncset.done $0x0  }
0x57: {  	[sflag:s12] =	ssyncadd.s32 $0xFFFFCE00  }
0x58: {  	s28 =	simm.s32 @p0 $0x1FC3;
	[bflag:$0x0] =	sbarrier.arrive $0xFFFF  }
0x59: {  	[hbm:s9], [sflag:s28] =	dma.local @p0 [spmem:s14], $0x2800  }
0x5a: {  	s28 =	simm.s32 @p0 $0x3  }
0x5b: {  	s26 =	sadd.s32 $0x1, s26;
	_ =	swait.ge @p0 [sflag:s28], $0x2800  }
0x5c: {  	p1 =	sne.s32 s26, s10;
	[sflag:s28] =	ssyncset.done @p0 $0x0  }
.Ltmp1:
0x5d: {  	[sflag:s28] =	ssyncadd.s32 @p0 $0xFFFFD800;
	s28 =	simm.s32 @!p0 $0x3;
	(pc) =	sbr.rel @p1 .LBB2_1-.Ltmp1, $4  }
0x5e: {  	[hbm:s8], [sflag:s15] =	dma.local @!p0 [spmem:s25], $0x2700  }
0x5f: {  	_ =	swait.ge @!p0 [sflag:s28], $0x2700  }
0x60: {  	[sflag:s28] =	ssyncset.done @!p0 $0x0  }
0x61: {  	[sflag:s28] =	ssyncadd.s32 @!p0 $0xFFFFD900  }
0x62: {  	_ =	sfence.sel $0x180000  }
0x63: {  	[bflag:$0x0] =	sbarrier.arrive $0xFFFF  }
0x64: {  	p0 =	sne.s32 s1, $0x0;
	_ =	strace $0x9000004D  }
0x65: {  	s0 =	sadd.s32 @!p0 $0x100000, s0;
	[bflag:$0x2] =	sbarrier.arrive $0xFFFF  }
0x66: {  	[sflag:s0] =	ssyncadd.tile.s32 @!p0 $0x1;
	_ =	shalt  }
.Lfunc_end2:
_tile_overlayer_lowered:
.L_overlay_start_2:
0x67: {  	(tag) =	ssettag $0x2  }
0x68: {  	s0 =	rddreg [dreg:$0x0];
	s2 =	stileid.u32  }
0x69: {  	s1 =	rddreg [dreg:$0x1];
	p0 =	sne.s32 s2, $0x0  }
0x6a: {  	s3 =	rddreg [dreg:$0x2];
	[bflag:$0x3] =	sbarrier.arrive $0xFFFF;
	s2 =	simm.s32 @!p0 $0x1C03  }
0x6b: {  	[timem:s3], [sflag:s2] =	dma.local @!p0 [hbm:s0], s1  }
0x6c: {  	s0 =	simm.s32 @!p0 $0x3  }
0x6d: {  	_ =	swait.ge @!p0 [sflag:s0], s1  }
0x6e: {  	s1 =	ssub.s32 @!p0 $0x0, s1;
	[sflag:s0] =	ssyncset.done @!p0 $0x0  }
0x6f: {  	[sflag:s0] =	ssyncadd.s32 @!p0 s1  }
0x70: {  	[bflag:$0x3] =	sbarrier.arrive $0xFFFF  }
0x71: {  	_ =	shalt  }

// kernel: kernel.20.cloned.1.call-start
scs
__scs_entry_jumppad:
0x0: {  	(pc) =	sbr.rel $0x88, $3  }
0x1: {  	(tag) =	ssettag $0x0;
	lr =	simm.s32 $0x1  }
0x2: {  	[smem:$0x3F93] =	sst lr;
	_ =	strace $0xD0000000  }
0x3: {  	_ = 	snop  }
0x4: {  	_ = 	snop  }
0x5: {  	_ = 	snop  }
0x6: {  	_ = 	snop  }
0x7: {  	_ = 	snop  }
__scs_overlays_trampoline_lowered:
0x8: {  	[smem:$0x3FA2] =	sst s0  }
0x9: {  	[smem:$0x3FA3] =	sst s1  }
0xa: {  	[smem:$0x3FA4] =	sst s2  }
0xb: {  	[smem:$0x3FA5] =	sst s3  }
0xc: {  	[smem:$0x3FA6] =	sst s4  }
0xd: {  	[smem:$0x3FA7] =	sst s5  }
0xe: {  	[smem:$0x3FA8] =	sst s6  }
0xf: {  	[smem:$0x3FA9] =	sst s7  }
0x10: {  	[smem:$0x3FAA] =	sst s8  }
0x11: {  	[smem:$0x3FAB] =	sst s9;
	s0 =	simm.s32 @!p0 $0x0  }
0x12: {  	s1 =	sld [smem:$0x3F91];
	s0 =	simm.s32 @p0 $0x1  }
0x13: {  	[smem:$0x3FAC] =	sst s0;
	s0 =	simm.s32 @!p1 $0x0  }
0x14: {  	s2 =	sld [smem:$0x3F90];
	s0 =	simm.s32 @p1 $0x1  }
0x15: {  	[smem:$0x3FAD] =	sst s0;
	s0 =	simm.s32 @!p2 $0x0  }
0x16: {  	s3 =	sld [smem:$0x3FDB];
	s0 =	simm.s32 @p2 $0x1  }
0x17: {  	s4 =	simm.s32 $0x1BF5;
	[smem:$0x3FAF] =	sst s0  }
0x18: {  	s0 =	sld [smem:$0x3F92];
	_ =	swait.ge [sflag:s4], $0x0  }
0x19: {  	s7 =	sld [smem:$0x3F93]  }
0x1a: {  	s8 =	sadd.s32 $0xFFFFE003, lr  }
0x1b: {  	s9 =	sadd.s32 $0xFFFFFEF7, lr;
	s5 =	simm.s32 $0xFFFFFFFF;
	p2 =	slt.u32 s8, $0xFFFFF086  }
0x1c: {  	p1 =	slt.u32 s9, $0xF7A;
	s5 =	simm.s32 @!p2 $0x0  }
0x1d: {  	s5 =	simm.s32 @p1 $0x1;
	p0 =	seq.s32 s7, s2  }
0x1e: {  	s7 =	smul.u32 @!p0 $0xF7A, s2;
	p2 =	seq.s32 @!p0 s5, $0x0  }
0x1f: {  	s9 =	smul.u32 $0xF7A, s1;
	s8 =	simm.s32 @!p0 $0x1BF5;
	p2 =	por !p2, p0  }
0x20: {  	[sflag:s8] =	ssyncset.s32 @!p0 $0xFFFFF086;
	s6 =	sadd.s32 @!p0 s3, s7;
	s7 =	simm.s32 @!p0 $0x108  }
0x21: {  	s3 =	sadd.s32 s3, s9;
	s6 =	sadd.s32 @!p0 $0x88, s6;
	s7 =	simm.s32 @p2 $0x1082  }
0x22: {  	[simem:s7], [sflag:s8] =	dma.local @!p0 [hbm:s6], $0xF7A  }
0x23: {  	s9 =	sor.u32 $0xD0000000, s2;
	s6 =	simm.s32 $0x108;
	_ =	swait.ge @!p0 [sflag:s8], $0x0  }
0x24: {  	s3 =	sadd.s32 $0x88, s3;
	s6 =	simm.s32 @!p1 $0x1082;
	[sflag:s4] =	ssyncset.s32 $0xFFFFF086  }
0x25: {  	[simem:s6], [sflag:s4] =	dma.local [hbm:s3], $0xF7A  }
0x26: {  	[smem:$0x3F93] =	sst s1;
	(tag) =	ssettag s2;
	_ =	strace s9  }
0x27: {  	s1 =	sld [smem:$0x3FA3]  }
0x28: {  	s2 =	sld [smem:$0x3FA4]  }
0x29: {  	s4 =	sld [smem:$0x3FA6]  }
0x2a: {  	p0 =	seq.s32 s5, $0x0;
	s5 =	sld [smem:$0x3FA7]  }
0x2b: {  	s6 =	sld [smem:$0x3FA8]  }
0x2c: {  	s7 =	sld [smem:$0x3FA9]  }
0x2d: {  	s3 =	simm.s32 $0x108;
	s8 =	sld [smem:$0x3FAA]  }
0x2e: {  	s3 =	simm.s32 @!p0 $0x1082;
	s9 =	sld [smem:$0x3FAB]  }
0x2f: {  	lr =	sadd.s32 s0, s3;
	s0 =	sld [smem:$0x3FA2]  }
0x30: {  	s3 =	sld [smem:$0x3FA5]  }
0x31: {  	[smem:$0x3FAE] =	sst s10  }
0x32: {  	s10 =	sld [smem:$0x3FAC];
	_ =	sdelay $0x3  }
0x33: {  	p0 =	seq.s32 s10, $0x1;
	s10 =	sld [smem:$0x3FAE];
	_ =	sdelay $0x3  }
0x34: {  	[smem:$0x3FAE] =	sst s10  }
0x35: {  	s10 =	sld [smem:$0x3FAD];
	_ =	sdelay $0x3  }
0x36: {  	p1 =	seq.s32 s10, $0x1;
	s10 =	sld [smem:$0x3FAE];
	_ =	sdelay $0x3  }
0x37: {  	[smem:$0x3FAE] =	sst s10  }
0x38: {  	s10 =	sld [smem:$0x3FAF]  }
0x39: {  	_ = 	snop;
	(pc) =	sbr.ind lr, $3  }
0x3a: {  	_ = 	snop  }
0x3b: {  	_ = 	snop  }
0x3c: {  	p2 =	seq.s32 s10, $0x1;
	s10 =	sld [smem:$0x3FAE]  }
0x3d: {  	_ =	shalt  }
0x3e: {  	_ =	shalt  }
0x3f: {  	_ =	shalt  }
0x40: {  	_ =	shalt  }
0x41: {  	_ =	shalt  }
0x42: {  	_ =	shalt  }
0x43: {  	_ =	shalt  }
0x44: {  	_ =	shalt  }
0x45: {  	_ =	shalt  }
0x46: {  	_ =	shalt  }
0x47: {  	_ =	shalt  }
0x48: {  	_ =	shalt  }
0x49: {  	_ =	shalt  }
0x4a: {  	_ =	shalt  }
0x4b: {  	_ =	shalt  }
0x4c: {  	_ =	shalt  }
0x4d: {  	_ =	shalt  }
0x4e: {  	_ =	shalt  }
0x4f: {  	_ =	shalt  }
0x50: {  	_ =	shalt  }
0x51: {  	_ =	shalt  }
0x52: {  	_ =	shalt  }
0x53: {  	_ =	shalt  }
0x54: {  	_ =	shalt  }
0x55: {  	_ =	shalt  }
0x56: {  	_ =	shalt  }
0x57: {  	_ =	shalt  }
0x58: {  	_ =	shalt  }
0x59: {  	_ =	shalt  }
0x5a: {  	_ =	shalt  }
0x5b: {  	_ =	shalt  }
0x5c: {  	_ =	shalt  }
0x5d: {  	_ =	shalt  }
0x5e: {  	_ =	shalt  }
0x5f: {  	_ =	shalt  }
0x60: {  	_ =	shalt  }
0x61: {  	_ =	shalt  }
0x62: {  	_ =	shalt  }
0x63: {  	_ =	shalt  }
0x64: {  	_ =	shalt  }
0x65: {  	_ =	shalt  }
0x66: {  	_ =	shalt  }
0x67: {  	_ =	shalt  }
0x68: {  	_ =	shalt  }
0x69: {  	_ =	shalt  }
0x6a: {  	_ =	shalt  }
0x6b: {  	_ =	shalt  }
0x6c: {  	_ =	shalt  }
0x6d: {  	_ =	shalt  }
0x6e: {  	_ =	shalt  }
0x6f: {  	_ =	shalt  }
0x70: {  	_ =	shalt  }
0x71: {  	_ =	shalt  }
0x72: {  	_ =	shalt  }
0x73: {  	_ =	shalt  }
0x74: {  	_ =	shalt  }
0x75: {  	_ =	shalt  }
0x76: {  	_ =	shalt  }
0x77: {  	_ =	shalt  }
0x78: {  	_ =	shalt  }
0x79: {  	_ =	shalt  }
0x7a: {  	_ =	shalt  }
0x7b: {  	_ =	shalt  }
0x7c: {  	_ =	shalt  }
0x7d: {  	_ =	shalt  }
0x7e: {  	_ =	shalt  }
0x7f: {  	_ =	shalt  }
0x80: {  	_ =	shalt  }
0x81: {  	_ =	shalt  }
0x82: {  	_ =	shalt  }
0x83: {  	_ =	shalt  }
0x84: {  	_ =	shalt  }
0x85: {  	_ =	shalt  }
0x86: {  	_ =	shalt  }
0x87: {  	_ =	shalt  }
.Lfunc_end0:
.L_simem_size_0:
called_computation.3_lowered:
.L_overlay_start_0:
0x88: {  	s2 =	sld [smem:$0x3FD9]  }
0x89: {  	s3 =	sld [smem:$0x3FFE];
	_ =	sdelay $0x1  }
0x8a: {  	s1 =	srdreg.scid  }
0x8b: {  	s0 =	sand.u32 $0x1, s1  }
0x8c: {  	s17 =	sshll.u32 s0, $0xA;
	s2 =	sadd.s32 s3, s2  }
0x8d: {  	s2 =	sadd.s32 s2, s17  }
0x8e: {  	[smem:$0x3FBA] =	sst s2  }
0x8f: {  	_ = 	snop  }
0x90: {  	s2 =	sld [smem:$0x3FD0];
	(tm) =	ssettm $0x1  }
0x91: {  	s18 =	sld [smem:$0x3FFB];
	_ =	sdelay $0x3  }
0x92: {  	_ =	strace s18  }
0x93: {  	s3 =	sld [smem:$0x3FFC];
	_ =	sdelay $0x3  }
0x94: {  	_ =	strace s3  }
0x95: {  	s3 =	sld [smem:$0x3FFD];
	_ =	sdelay $0x3  }
0x96: {  	_ =	strace s3  }
0x97: {  	_ =	strace $0x8FFFFFFF  }
0x98: {  	s19 =	sld [smem:$0x3FDB];
	_ =	sdelay $0x1  }
0x99: {  	s4 =	simm.s32 $_scs_section_size  }
0x9a: {  	s5 =	simm.s32 $_size__tile_overlayer_lowered;
	s6 =	simm.s32 $_tile_overlayer_lowered  }
0x9b: {  	s22 =	simm.s32 $0x1BFF;
	s21 =	sshll.u32 s6, $0x1;
	s3 =	sadd.s32 s4, s19  }
0x9c: {  	s7 =	simm.s32 $0x0;
	s20 =	sshll.u32 s5, $0x1;
	s5 =	sadd.s32 s21, s3  }
0x9d: {  	[timem:s7], [sflag:s22] =	dma.local [hbm:s5], s20  }
0x9e: {  	_ =	swait.ge [sflag:s22], s20  }
0x9f: {  	s4 =	ssub.s32 $0x0, s20;
	[sflag:s22] =	ssyncset.done $0x0  }
0xa0: {  	[sflag:s22] =	ssyncadd.s32 s4;
	_ =	sdelay $0x1  }
0xa1: {  	s23 =	simm.s32 $0x1B8B  }
0xa2: {  	_ =	swait.ge [sflag:s23], $0x1  }
0xa3: {  	[sflag:s23] =	ssyncset.done $0x0  }
0xa4: {  	s25 =	simm.s32 $0x1B8E;
	s24 =	sld [smem:$0x3FFE];
	[sflag:s23] =	ssyncadd.s32 $0xFFFFFFFF  }
0xa5: {  	s26 =	simm.s32 $execute0_lowered;
	[smem:$0x3FD2] =	sst s25  }
0xa6: {  	s5 =	sshll.u32 s26, $0x1;
	_ =	strace $0x8000004F;
	[dreg:$0x1] =	wrdreg $0xFFFFFFFF  }
0xa7: {  	s28 =	simm.s32 $_size_execute0_lowered;
	s3 =	sadd.s32 s3, s5;
	[dreg:$0x0] =	wrdreg $0x0  }
0xa8: {  	s5 =	sshll.u32 s28, $0x1;
	[dreg:$0x2] =	wrdreg s3  }
0xa9: {  	[dreg:$0x3] =	wrdreg s5  }
0xaa: {  	[dreg:$0x4] =	wrdreg $0xC0  }
0xab: {  	_ =	task [dreg:s7], $0x5FFFF  }
0xac: {  	[dreg:$0x1] =	wrdreg $0xFFFFFFFF  }
0xad: {  	[dreg:$0x0] =	wrdreg $0x60  }
0xae: {  	[dreg:$0x2] =	wrdreg s24  }
0xaf: {  	[dreg:$0x3] =	wrdreg s2  }
0xb0: {  	[dreg:$0x4] =	wrdreg $0x0  }
0xb1: {  	[dreg:$0x5] =	wrdreg $0x9  }
0xb2: {  	_ =	task.clear_ibuf [dreg:s7], $0x6FFFF;
	_ =	strace $0x9000004F  }
0xb3: {  	s29 =	simm.s32 $0x9;
	_ =	strace $0x80000051  }
0xb4: {  	_ =	swait.ge [sflag:s29], $0x1  }
0xb5: {  	[sflag:s29] =	ssyncadd.s32 $0xFFFFFFFF  }
0xb6: {  	_ =	strace $0x90000051  }
0xb7: {  	_ =	sfence  }
0xb8: {  	s30 =	sld [smem:$0x0];
	_ =	sdelay $0x2  }
0xb9: {  	s31 =	sshll.u32 s1, $0xD;
	s1 =	sshrl.u32 s1, $0x2  }
0xba: {  	s3 =	sand.u32 $0x4000, s31;
	s1 =	sadd.s32 s1, s30  }
0xbb: {  	s0 =	sor.u32 s3, s0;
	s1 =	sshll.u32 s1, $0x11  }
0xbc: {  	s0 =	sor.u32 s1, s0  }
0xbd: {  	s0 =	sadd.s32 $0x8F2B, s0  }
0xbe: {  	[sflag:s0] =	ssyncadd.remote.s32 $0x1  }
0xbf: {  	_ =	sfence.sel $0xFFFF  }
0xc0: {  	[dreg:$0x0] =	wrdreg $0xFFFFFFFF;
	(pc) =	sbr.abs _section_cstart, $3  }
0xc1: {  	[dreg:$0x1] =	wrdreg $0xFFFFFFFF  }
0xc2: {  	_ =	task.clear_ibuf [dreg:s7], $0x2FFFF;
	_ =	strace $0x9FFFFFFF  }
0xc3: {  	(tm) =	ssettm $0x7FFFFFFF  }
tec
execute0_lowered:
.L_overlay_start_1:
0x0: {  	(tag) =	ssettag $0x1  }
0x1: {  	s6 =	rddreg [dreg:$0x0]  }
0x2: {  	s0 =	srdreg.scid;
	s7 =	rddreg [dreg:$0x1]  }
0x3: {  	s2 =	rddreg [dreg:$0x2];
	s1 =	stileid.u32;
	s3 =	simm.s32 $0x0  }
0x4: {  	s18 =	simm.s32 $0x189C0;
	s19 =	simm.s32 $0x16188;
	s20 =	simm.s32 $0x1BBC0  }
0x5: {  	s21 =	simm.s32 $0x1;
	s22 =	simm.s32 $0x2;
	s23 =	simm.s32 $0x16050  }
0x6: {  	s24 =	simm.s32 $0x160B8;
	s5 =	sand.u32 $0x1, s0;
	s0 =	rddreg [dreg:$0x3]  }
0x7: {  	s26 =	simm.s32 $0x0;
	[smem:$0x7FF] =	sst s3;
	s9 =	smul.u32 $0x4E000, s1  }
0x8: {  	s14 =	smul.u32 $0x13800, s1;
	s15 =	sadd.s32 $0xC0C00, s6;
	s17 =	sadd.s32 $0x124800, s2  }
0x9: {  	p0 =	seq.s32 s1, $0xF;
	s4 =	sshll.u32 s5, $0x4;
	_ =	strace $0x80000050  }
0xa: {  	s11 =	ssub.s32 $0x2, s5;
	s12 =	smul.u32 $0x138800, s5;
	s5 =	sadd.s32 $0xD400, s6  }
0xb: {  	s4 =	sor.u32 s1, s4;
	s13 =	sshrl.u32 s11, $0x1;
	s28 =	sshrl.u32 s9, $0x2  }
0xc: {  	s25 =	sadd.s32 s14, s2;
	s8 =	smul.u32 $0x514, s4;
	s4 =	sadd.s32 $0x24800, s6  }
0xd: {  	s11 =	ssub.s32 s11, s13;
	s29 =	sadd.s32 s14, s12;
	s16 =	sadd.s32 s28, s2  }
0xe: {  	s31 =	sshrl.u32 s12, $0x3;
	s12 =	simm.s32 $0x3;
	s13 =	simm.s32 $0x13880  }
0xf: {  	s14 =	sshrl.u32 @p0 s17, $0x3;
	s17 =	simm.s32 $0x64;
	s25 =	sshrl.u32 @!p0 s25, $0x3  }
0x10: {  	s30 =	sshrl.u32 s29, $0x3;
	s9 =	sadd.s32 s15, s31;
	s16 =	sshrl.u32 @!p0 s16, $0x3  }
0x11: {  	s10 =	sadd.s32 s8, s6;
	s6 =	sadd.s32 s7, s8;
	s8 =	sadd.s32 s15, s30  }
0x12: {  	s9 =	sadd.s32 $0x24900, s9;
	s15 =	sshll.u32 @!p0 s1, $0x6;
	s7 =	sadd.s32 $0x1A400, s10  }
0x13: {  	s10 =	smax.u32 s11, $0x1;
	s11 =	simm.s32 $0x16120;
	s15 =	sor.u32 @!p0 $0x1C03, s15  }
.LBB2_1:
0x14: {  	[tilespmem:s11], [sflag:$0x3] =	stream.linear.gather [hbm4b:s6+s3], $0x28A0, $0x38;
	[tilespmem:$0x1EDC0] =	vst v63  }
0x15: {  	_ =	swait.ge [sflag:s12], $0x28A0  }
0x16: {  	[sflag:s12] =	ssyncset.done $0x0  }
0x17: {  	[sflag:s12] =	ssyncadd.s32 $0xFFFFD760  }
0x18: {  	[tilespmem:s13], [sflag:$0x3] =	stream.linear.gather [hbm4b:s7+s3], $0x28A0, $0x38;
	[tilespmem:$0x1EDC0] =	vst v63  }
0x19: {  	_ =	swait.ge [sflag:s12], $0x28A0  }
0x1a: {  	[sflag:s12] =	ssyncset.done $0x0  }
0x1b: {  	s28 =	simm.s32 @p0 $0x1FC3;
	[sflag:s12] =	ssyncadd.s32 $0xFFFFD760  }
0x1c: {  	[spmem:s14], [sflag:s28] =	dma.local @p0 [hbm:s5], $0x2800  }
0x1d: {  	s28 =	simm.s32 @p0 $0x3  }
0x1e: {  	_ =	swait.ge @p0 [sflag:s28], $0x2800  }
0x1f: {  	[sflag:s28] =	ssyncset.done @p0 $0x0  }
0x20: {  	[sflag:s28] =	ssyncadd.s32 @p0 $0xFFFFD800;
	s28 =	simm.s32 @!p0 $0x3  }
0x21: {  	[spmem:s16], [sflag:s15] =	dma.local @!p0 [hbm:s5], $0x2700  }
0x22: {  	_ =	swait.ge @!p0 [sflag:s28], $0x2700  }
0x23: {  	[sflag:s28] =	ssyncset.done @!p0 $0x0  }
0x24: {  	[sflag:s28] =	ssyncadd.s32 @!p0 $0xFFFFD900  }
0x25: {  	[bflag:$0x0] =	sbarrier.arrive $0xFFFF  }
0x26: {  	[tilespmem:s18], [sflag:$0x1] =	stream.indirect.gather [hbm4b:s4+s17], $0x80, s11, s17, $0xb8;
	[tilespmem:$0x1EDC0] =	vst v63  }
0x27: {  	_ = 	snop  }
0x28: {  	[tilespmem:s20], [sflag:$0x2] =	stream.indirect.gather [hbm4b:s4+s17], $0x80, s19, s17, $0xb8;
	[tilespmem:$0x1EDC0] =	vst v63  }
0x29: {  	_ =	swait.ge [sflag:s21], $0x3200  }
0x2a: {  	[sflag:s21] =	ssyncset.done $0x0  }
0x2b: {  	s28 =	simm.s32 $0x13880;
	[sflag:s21] =	ssyncadd.s32 $0xFFFFCE00  }
0x2c: {  	[spmem:s2] =	stream.indirect.scatter.add.f32 [tilespmem:s18], [sflag:$0x3], $0x80, s28, s17, $0xb8;
	[tilespmem:$0x1EDC0] =	vst v63  }
0x2d: {  	_ =	swait.ge [sflag:s12], $0x3200  }
0x2e: {  	[sflag:s12] =	ssyncset.done $0x0  }
0x2f: {  	s28 =	simm.s32 $0x161F0;
	[sflag:s12] =	ssyncadd.s32 $0xFFFFCE00  }
0x30: {  	[tilespmem:s18], [sflag:$0x1] =	stream.indirect.gather [hbm4b:s4+s17], $0x80, s28, s17, $0xb8;
	[tilespmem:$0x1EDC0] =	vst v63  }
0x31: {  	_ =	swait.ge [sflag:s22], $0x3200  }
0x32: {  	[sflag:s22] =	ssyncset.done $0x0  }
0x33: {  	s28 =	simm.s32 $0x138E8;
	[sflag:s22] =	ssyncadd.s32 $0xFFFFCE00  }
0x34: {  	[spmem:s2] =	stream.indirect.scatter.add.f32 [tilespmem:s20], [sflag:$0x3], $0x80, s28, s17, $0xb8;
	[tilespmem:$0x1EDC0] =	vst v63  }
0x35: {  	_ =	swait.ge [sflag:s12], $0x3200  }
0x36: {  	[sflag:s12] =	ssyncset.done $0x0  }
0x37: {  	s29 =	simm.s32 $0x16258;
	s28 =	simm.s32 $0x340;
	[sflag:s12] =	ssyncadd.s32 $0xFFFFCE00  }
.LBB2_2:
0x38: {  	[tilespmem:s20], [sflag:$0x2] =	stream.indirect.gather [hbm4b:s4+s17], $0x80, s29, s17, $0xb8;
	[tilespmem:$0x1EDC0] =	vst v63  }
0x39: {  	s29 =	smov.u32 s28  }
0x3a: {  	p1 =	sne.s32 s28, $0x9C00;
	s28 =	sadd.s32 $0x340, s28;
	_ =	swait.ge [sflag:s21], $0x3200  }
0x3b: {  	s29 =	sshra.s32 s29, $0x2;
	[sflag:s21] =	ssyncset.done $0x0  }
0x3c: {  	s30 =	sadd.s32 $0x13880, s29;
	[sflag:s21] =	ssyncadd.s32 $0xFFFFCE00  }
0x3d: {  	[spmem:s2] =	stream.indirect.scatter.add.f32 [tilespmem:s18], [sflag:$0x3], $0x80, s30, s17, $0xb8;
	[tilespmem:$0x1EDC0] =	vst v63  }
0x3e: {  	_ =	swait.ge [sflag:s12], $0x3200  }
0x3f: {  	[sflag:s12] =	ssyncset.done $0x0  }
0x40: {  	s30 =	sadd.s32 $0x161F0, s29;
	[sflag:s12] =	ssyncadd.s32 $0xFFFFCE00  }
0x41: {  	[tilespmem:s18], [sflag:$0x1] =	stream.indirect.gather [hbm4b:s4+s17], $0x80, s30, s17, $0xb8;
	[tilespmem:$0x1EDC0] =	vst v63  }
0x42: {  	_ =	swait.ge [sflag:s22], $0x3200  }
0x43: {  	[sflag:s22] =	ssyncset.done $0x0  }
.Ltmp0:
0x44: {  	s30 =	sadd.s32 $0x138E8, s29;
	[sflag:s22] =	ssyncadd.s32 $0xFFFFCE00;
	(pc) =	sbr.rel @p1 .LBB2_2-.Ltmp0, $4  }
0x45: {  	[spmem:s2] =	stream.indirect.scatter.add.f32 [tilespmem:s20], [sflag:$0x3], $0x80, s30, s17, $0xb8;
	[tilespmem:$0x1EDC0] =	vst v63  }
0x46: {  	_ =	swait.ge [sflag:s12], $0x3200  }
0x47: {  	[sflag:s12] =	ssyncset.done $0x0  }
0x48: {  	s29 =	sadd.s32 $0x16258, s29;
	[sflag:s12] =	ssyncadd.s32 $0xFFFFCE00  }
0x49: {  	[tilespmem:s20], [sflag:$0x2] =	stream.indirect.gather [hbm4b:s4+s17], $0x80, s29, s17, $0xb8;
	[tilespmem:$0x1EDC0] =	vst v63  }
0x4a: {  	_ =	swait.ge [sflag:s21], $0x3200  }
0x4b: {  	[sflag:s21] =	ssyncset.done $0x0  }
0x4c: {  	[sflag:s21] =	ssyncadd.s32 $0xFFFFCE00  }
0x4d: {  	[spmem:s2] =	stream.indirect.scatter.add.f32 [tilespmem:s18], [sflag:$0x3], $0x80, s23, s17, $0xb8;
	[tilespmem:$0x1EDC0] =	vst v63  }
0x4e: {  	_ =	swait.ge [sflag:s12], $0x3200  }
0x4f: {  	[sflag:s12] =	ssyncset.done $0x0  }
0x50: {  	[sflag:s12] =	ssyncadd.s32 $0xFFFFCE00  }
0x51: {  	_ =	swait.ge [sflag:s22], $0x3200  }
0x52: {  	[sflag:s22] =	ssyncset.done $0x0  }
0x53: {  	[sflag:s22] =	ssyncadd.s32 $0xFFFFCE00  }
0x54: {  	[spmem:s2] =	stream.indirect.scatter.add.f32 [tilespmem:s20], [sflag:$0x3], $0x80, s24, s17, $0xb8;
	[tilespmem:$0x1EDC0] =	vst v63  }
0x55: {  	_ =	swait.ge [sflag:s12], $0x3200  }
0x56: {  	[sflag:s12] =	ssyncset.done $0x0  }
0x57: {  	[sflag:s12] =	ssyncadd.s32 $0xFFFFCE00  }
0x58: {  	s28 =	simm.s32 @p0 $0x1FC3;
	[bflag:$0x0] =	sbarrier.arrive $0xFFFF  }
0x59: {  	[hbm:s9], [sflag:s28] =	dma.local @p0 [spmem:s14], $0x2800  }
0x5a: {  	s28 =	simm.s32 @p0 $0x3  }
0x5b: {  	s26 =	sadd.s32 $0x1, s26;
	_ =	swait.ge @p0 [sflag:s28], $0x2800  }
0x5c: {  	p1 =	sne.s32 s26, s10;
	[sflag:s28] =	ssyncset.done @p0 $0x0  }
.Ltmp1:
0x5d: {  	[sflag:s28] =	ssyncadd.s32 @p0 $0xFFFFD800;
	s28 =	simm.s32 @!p0 $0x3;
	(pc) =	sbr.rel @p1 .LBB2_1-.Ltmp1, $4  }
0x5e: {  	[hbm:s8], [sflag:s15] =	dma.local @!p0 [spmem:s25], $0x2700  }
0x5f: {  	_ =	swait.ge @!p0 [sflag:s28], $0x2700  }
0x60: {  	[sflag:s28] =	ssyncset.done @!p0 $0x0  }
0x61: {  	[sflag:s28] =	ssyncadd.s32 @!p0 $0xFFFFD900  }
0x62: {  	_ =	sfence.sel $0x180000  }
0x63: {  	[bflag:$0x0] =	sbarrier.arrive $0xFFFF  }
0x64: {  	p0 =	sne.s32 s1, $0x0;
	_ =	strace $0x90000050  }
0x65: {  	s0 =	sadd.s32 @!p0 $0x100000, s0;
	[bflag:$0x2] =	sbarrier.arrive $0xFFFF  }
0x66: {  	[sflag:s0] =	ssyncadd.tile.s32 @!p0 $0x1;
	_ =	shalt  }
.Lfunc_end2:
_tile_overlayer_lowered:
.L_overlay_start_2:
0x67: {  	(tag) =	ssettag $0x2  }
0x68: {  	s0 =	rddreg [dreg:$0x0];
	s2 =	stileid.u32  }
0x69: {  	s1 =	rddreg [dreg:$0x1];
	p0 =	sne.s32 s2, $0x0  }
0x6a: {  	s3 =	rddreg [dreg:$0x2];
	[bflag:$0x3] =	sbarrier.arrive $0xFFFF;
	s2 =	simm.s32 @!p0 $0x1C03  }
0x6b: {  	[timem:s3], [sflag:s2] =	dma.local @!p0 [hbm:s0], s1  }
0x6c: {  	s0 =	simm.s32 @!p0 $0x3  }
0x6d: {  	_ =	swait.ge @!p0 [sflag:s0], s1  }
0x6e: {  	s1 =	ssub.s32 @!p0 $0x0, s1;
	[sflag:s0] =	ssyncset.done @!p0 $0x0  }
0x6f: {  	[sflag:s0] =	ssyncadd.s32 @!p0 s1  }
0x70: {  	[bflag:$0x3] =	sbarrier.arrive $0xFFFF  }
0x71: {  	_ =	shalt  }

</sc_bundles>
